<compile_context>
chip_gen: v7x
topology: tpu7x:2x2x1
jax: 0.10.2.dev20260603
libtpu: 0.0.44.dev20260713+nightly
codegen_flags: <defaults>
</compile_context>

<pallas_src>
import functools

import jax
import jax.numpy as jnp
from jax import lax
from jax.experimental import pallas as pl
from jax.experimental.pallas import tpu as pltpu
from jax.experimental.pallas import tpu_sc as plsc

N = 10000
NP = 10240
E = 160000
D = 256
NQ = 4
HQ = D // NQ
NC = 2
NS = 16
L = 16
EPT = E // NS
SP = NP // NS
CH = 128
NCH = SP // CH
BK = 80
NB = EPT // BK


def _sc_propagate(x_stack, row2, col2):
    mesh = plsc.VectorSubcoreMesh(
        core_axis_name="c", subcore_axis_name="s", num_cores=NC, num_subcores=NS
    )

    @functools.partial(
        pl.kernel,
        out_type=(
            jax.ShapeDtypeStruct((NQ * NP, HQ), jnp.float32),
            jax.ShapeDtypeStruct((NP, L), jnp.float32),
            jax.ShapeDtypeStruct((NQ * NP, HQ), jnp.float32),
        ),
        mesh=mesh,
        compiler_params=pltpu.CompilerParams(use_tc_tiling_on_sc=False),
        scratch_types=(
            pltpu.VMEM_SHARED((NP, HQ), jnp.float32),
            pltpu.VMEM_SHARED((NP, L), jnp.float32),
            pltpu.VMEM((BK, L), jnp.float32),
            pltpu.VMEM((NB, BK), jnp.int32),
            pltpu.VMEM((NB, BK), jnp.int32),
            pltpu.VMEM((BK, HQ), jnp.float32),
            pltpu.VMEM((BK, HQ), jnp.float32),
            pltpu.VMEM((SP, L), jnp.float32),
            pltpu.VMEM((CH, HQ), jnp.float32),
            pltpu.VMEM((CH, L), jnp.float32),
            pltpu.SemaphoreType.DMA,
            pltpu.SemaphoreType.DMA,
            pltpu.SemaphoreType.DMA,
            pltpu.SemaphoreType.DMA,
        ),
    )
    def k(x_hbm, row2_hbm, col2_hbm, p_out, dis_out, y_hbm,
          p_sh, deg_sh, ones_b, rowall, colall, rowsb0, rowsb1, disv, xbuf,
          zdeg, gsem0, gsem1, ssem0, ssem1):
        cid = lax.axis_index("c")
        sid = lax.axis_index("s")
        nbase = sid * SP

        zv = jnp.zeros((L,), jnp.float32)
        ov = jnp.ones((L,), jnp.float32)

        pltpu.sync_copy(row2_hbm.at[sid], rowall)
        pltpu.sync_copy(col2_hbm.at[sid], colall)

        @pl.loop(0, CH)
        def _(r):
            zdeg[r, :] = zv
            for c in range(HQ // L):
                xbuf[r, pl.ds(c * L, L)] = zv

        @pl.loop(0, BK)
        def _(r):
            ones_b[r, :] = ov

        for j in range(NCH):
            pltpu.sync_copy(zdeg, deg_sh.at[pl.ds(nbase + j * CH, CH)])
        plsc.subcore_barrier()

        @pl.loop(0, NB // 5)
        def _(t):
            descs = [
                pltpu.async_copy(ones_b, deg_sh.at[rowall.at[t * 5 + i]],
                                 gsem0, add=True)
                for i in range(5)
            ]
            for dsc in descs:
                dsc.wait()

        plsc.subcore_barrier()

        pltpu.sync_copy(deg_sh.at[pl.ds(nbase, SP)], disv)

        @pl.loop(0, SP)
        def _(r):
            x = disv[r, :]
            i = lax.bitcast_convert_type(x, jnp.int32)
            y = lax.bitcast_convert_type(
                jnp.int32(0x5F3759DF) - (i >> 1), jnp.float32)
            for _ in range(3):
                y = y * (1.5 - 0.5 * x * y * y)
            disv[r, :] = jnp.where(x > 0.5, y, 0.0)

        @pl.when(cid == 0)
        def _():
            pltpu.sync_copy(disv, dis_out.at[pl.ds(nbase, SP)])

        for q in range(NQ // NC):
            qidx = cid * (NQ // NC) + q
            qoff = qidx * NP

            if q == 0:
                addv = lax.broadcast(qoff, (L,)).astype(jnp.int32)
            else:
                addv = jnp.full((L,), NP, jnp.int32)

            @pl.loop(0, NB)
            def _(r):
                for c in range(BK // L):
                    colall[r, pl.ds(c * L, L)] = (
                        colall[r, pl.ds(c * L, L)] + addv)

            @pl.loop(0, CH)
            def _(r):
                for c in range(HQ // L):
                    xbuf[r, pl.ds(c * L, L)] = zv

            for j in range(NCH):
                pltpu.sync_copy(xbuf, p_sh.at[pl.ds(nbase + j * CH, CH)])

            for j in range(NCH):
                r0 = nbase + j * CH
                pltpu.sync_copy(x_hbm.at[qidx, pl.ds(r0, CH)], xbuf)

                @pl.loop(0, CH)
                def _(rr):
                    dv = disv[j * CH + rr, :]
                    bc = lax.broadcast(dv[0], (L,))
                    for c in range(HQ // L):
                        xbuf[rr, pl.ds(c * L, L)] = (
                            xbuf[rr, pl.ds(c * L, L)] * bc)

                pltpu.sync_copy(xbuf, y_hbm.at[pl.ds(qoff + r0, CH)])
            plsc.subcore_barrier()

            @pl.loop(0, NB // 2)
            def _(t):
                b0 = t * 2
                b1 = t * 2 + 1
                g0 = pltpu.async_copy(y_hbm.at[colall.at[b0]], rowsb0, gsem0)
                g1 = pltpu.async_copy(y_hbm.at[colall.at[b1]], rowsb1, gsem1)
                g0.wait()
                s0 = pltpu.async_copy(rowsb0, p_sh.at[rowall.at[b0]],
                                      ssem0, add=True)
                g1.wait()
                s1 = pltpu.async_copy(rowsb1, p_sh.at[rowall.at[b1]],
                                      ssem1, add=True)
                s0.wait()
                s1.wait()

            gt = pltpu.async_copy(y_hbm.at[colall.at[NB - 1]], rowsb0, gsem0)
            gt.wait()
            st = pltpu.async_copy(rowsb0, p_sh.at[rowall.at[NB - 1]],
                                  ssem0, add=True)
            st.wait()
            plsc.subcore_barrier()

            for j in range(NCH):
                pltpu.sync_copy(p_sh.at[pl.ds(nbase + j * CH, CH)], xbuf)
                pltpu.sync_copy(xbuf, p_out.at[pl.ds(qoff + nbase + j * CH,
                                                     CH)])

    return k(x_stack, row2, col2)


def _tc_linear(p_stack, dis, w_stack, bias2d):
    BM = 1000

    def mm(p_ref, d_ref, w_ref, b_ref, o_ref):
        d = d_ref[:, 0:1]
        acc = jnp.dot(p_ref[0] * d, w_ref[0],
                      preferred_element_type=jnp.float32)
        for qq in range(1, NQ):
            acc = acc + jnp.dot(p_ref[qq] * d, w_ref[qq],
                                preferred_element_type=jnp.float32)
        o_ref[...] = jnp.maximum(acc + b_ref[...], 0.0)

    return pl.pallas_call(
        mm,
        grid=(N // BM,),
        in_specs=[
            pl.BlockSpec((NQ, BM, HQ), lambda i: (0, i, 0)),
            pl.BlockSpec((BM, L), lambda i: (i, 0)),
            pl.BlockSpec((NQ, HQ, D), lambda i: (0, 0, 0)),
            pl.BlockSpec((1, D), lambda i: (0, 0)),
        ],
        out_specs=pl.BlockSpec((BM, D), lambda i: (i, 0)),
        out_shape=jax.ShapeDtypeStruct((N, D), jnp.float32),
    )(p_stack, dis, w_stack, bias2d)


def kernel(features, edge_index, weight, bias):
    features = features.astype(jnp.float32)
    rowi = edge_index[0].astype(jnp.int32)
    coli = edge_index[1].astype(jnp.int32)
    row2 = rowi.reshape(NS, NB, BK)
    col2 = coli.reshape(NS, NB, BK)
    xp = jnp.pad(features, ((0, NP - N), (0, 0)))
    x_stack = xp.reshape(NP, NQ, HQ).transpose(1, 0, 2)
    p_flat, dis, _ = _sc_propagate(x_stack, row2, col2)
    p_stack = p_flat.reshape(NQ, NP, HQ)[:, :N, :]
    dis = dis[:N]
    w_stack = weight.astype(jnp.float32).reshape(NQ, HQ, D)
    bias2d = bias.astype(jnp.float32).reshape(1, D)
    return _tc_linear(p_stack, dis, w_stack, bias2d)

# --- scband reference (transcript-rebuilt; emitter-appended) ---
"""Pipeline reference for scband-graph-conv-layer-25245817766095 (READ-ONLY COPY).

The authoritative reference and input builder live on the scoring server;
editing this copy changes nothing except your own understanding.
"""

import jax, jax.numpy as jnp
import numpy as np

N_NODES = 10000
N_EDGES = 160000
D_IN = 256
D_OUT = 256


def setup_inputs(seed: int = 0) -> dict:
    key = jax.random.key(seed)
    k1, k2, k3 = jax.random.split(key, 3)
    features = jax.random.normal(k1, (N_NODES, D_IN), dtype=jnp.float32)
    edge_index = jax.random.randint(k2, (2, N_EDGES), 0, N_NODES, dtype=jnp.int64)
    # glorot uniform for weight
    limit = np.sqrt(6.0 / (D_IN + D_OUT))
    weight = jax.random.uniform(k3, (D_IN, D_OUT), dtype=jnp.float32, minval=-limit, maxval=limit)
    bias = jnp.zeros((D_OUT,), dtype=jnp.float32)
    return {"features": features, "edge_index": edge_index, "weight": weight, "bias": bias}


def reference(features, edge_index, weight, bias):
    features = features.astype(jnp.float32)
    row = edge_index[0]
    col = edge_index[1]
    num_nodes = features.shape[0]
    # degree = row-sum of binary adjacency (each edge contributes 1.0 to its row)
    ones = jnp.ones((row.shape[0],), dtype=jnp.float32)
    degrees = jnp.zeros((num_nodes,), dtype=jnp.float32).at[row].add(ones)
    deg_inv_sqrt = jnp.power(degrees, -0.5)
    deg_inv_sqrt = jnp.where(jnp.isfinite(deg_inv_sqrt), deg_inv_sqrt, jnp.zeros_like(deg_inv_sqrt))
    # symmetric normalization of edge values
    scaled_values = ones * jnp.take(deg_inv_sqrt, row) * jnp.take(deg_inv_sqrt, col)
    # sparse @ dense: out[i] = sum_{e: row[e]=i} scaled_values[e] * features[col[e]]
    msgs = jnp.take(features, col, axis=0) * scaled_values[:, None]
    propagated = jnp.zeros((num_nodes, features.shape[1]), dtype=jnp.float32).at[row].add(msgs)
    h = propagated @ weight
    h = h + bias
    h = jax.nn.relu(h)
    return h

if __name__ == "__main__":
    import jax
    _d = setup_inputs()
    print(jax.jit(kernel)(*tuple(_d.values())))

</pallas_src>

<mosaic_0001>
#map = affine_map<(d0, d1) -> (0, 0, 0)>
#map1 = affine_map<(d0, d1) -> (0, 0)>
module attributes {stable_mosaic.version = 14 : i64} {
  func.func @k(%arg0: i32, %arg1: i32, %arg2: memref<4x10240x64xf32, #tpu.memory_space<hbm>>, %arg3: memref<16x125x80xi32, #tpu.memory_space<hbm>>, %arg4: memref<16x125x80xi32, #tpu.memory_space<hbm>>, %arg5: memref<40960x64xf32, #tpu.memory_space<hbm>>, %arg6: memref<10240x16xf32, #tpu.memory_space<hbm>>, %arg7: memref<40960x64xf32, #tpu.memory_space<hbm>>, %arg8: memref<10240x64xf32, #tpu.memory_space<vmem_shared>>, %arg9: memref<10240x16xf32, #tpu.memory_space<vmem_shared>>, %arg10: memref<80x16xf32, #tpu.memory_space<vmem>>, %arg11: memref<125x80xi32, #tpu.memory_space<vmem>>, %arg12: memref<125x80xi32, #tpu.memory_space<vmem>>, %arg13: memref<80x64xf32, #tpu.memory_space<vmem>>, %arg14: memref<80x64xf32, #tpu.memory_space<vmem>>, %arg15: memref<640x16xf32, #tpu.memory_space<vmem>>, %arg16: memref<128x64xf32, #tpu.memory_space<vmem>>, %arg17: memref<128x16xf32, #tpu.memory_space<vmem>>, %arg18: memref<!tpu.dma_semaphore, #tpu.memory_space<semaphore_mem>>, %arg19: memref<!tpu.dma_semaphore, #tpu.memory_space<semaphore_mem>>, %arg20: memref<!tpu.dma_semaphore, #tpu.memory_space<semaphore_mem>>, %arg21: memref<!tpu.dma_semaphore, #tpu.memory_space<semaphore_mem>>) attributes {dimension_semantics = [#tpu.dimension_semantics<core_parallel>, #tpu.dimension_semantics<subcore_parallel>], iteration_bounds = array<i64: 2, 16>, scalar_prefetch = 0 : i64, scratch_operands = 14 : i64, tpu.core_type = #tpu.core_type<sc_vector_subcore>, window_params = [{transform_indices = #map}, {transform_indices = #map}, {transform_indices = #map}, {transform_indices = #map1}, {transform_indices = #map1}, {transform_indices = #map1}]} {
    %mul3A = arith.constant 640 : i32
    %mul3A_0 = arith.muli %arg1, %mul3A : i32
    %broadcast_in_dim3A = arith.constant 0.000000e+00 : f32
    %broadcast_in_dim3A_1 = vector.broadcast %broadcast_in_dim3A : f32 to vector<16xf32>
    %broadcast_in_dim3A_2 = arith.constant 1.000000e+00 : f32
    %broadcast_in_dim3A_3 = vector.broadcast %broadcast_in_dim3A_2 : f32 to vector<16xf32>
    "tpu.region"() ({
      %run_scoped3A = tpu.sem_alloc : memref<!tpu.dma_semaphore, #tpu.memory_space<semaphore_mem>>
      %dma_start3A_288 = arith.constant 0 : i32
      %dma_start3A_289 = arith.constant 0 : i32
      %dma_start3A_290 = tpu.memref_slice %arg3[%arg1, %dma_start3A_288, %dma_start3A_289] : memref<16x125x80xi32, #tpu.memory_space<hbm>> -> memref<1x125x80xi32, #tpu.memory_space<hbm>>
      %dma_start3A_291 = tpu.memref_squeeze %dma_start3A_290 : memref<1x125x80xi32, #tpu.memory_space<hbm>> -> memref<125x80xi32, #tpu.memory_space<hbm>>
      %dma_start3A_292 = arith.constant 0 : i32
      %dma_start3A_293 = arith.constant 0 : i32
      %dma_start3A_294 = tpu.memref_slice %arg3[%arg1, %dma_start3A_292, %dma_start3A_293] : memref<16x125x80xi32, #tpu.memory_space<hbm>> -> memref<1x125x80xi32, #tpu.memory_space<hbm>>
      %dma_start3A_295 = tpu.memref_squeeze %dma_start3A_294 : memref<1x125x80xi32, #tpu.memory_space<hbm>> -> memref<125x80xi32, #tpu.memory_space<hbm>>
      tpu.enqueue_dma source(%dma_start3A_295 : memref<125x80xi32, #tpu.memory_space<hbm>>) target(%arg11 : memref<125x80xi32, #tpu.memory_space<vmem>>) target_semaphore(%run_scoped3A : memref<!tpu.dma_semaphore, #tpu.memory_space<semaphore_mem>>)
      %dma_wait3A_296 = arith.constant 0 : i32
      %dma_wait3A_297 = arith.constant 0 : i32
      %dma_wait3A_298 = tpu.memref_slice %arg3[%arg1, %dma_wait3A_296, %dma_wait3A_297] : memref<16x125x80xi32, #tpu.memory_space<hbm>> -> memref<1x125x80xi32, #tpu.memory_space<hbm>>
      %dma_wait3A_299 = tpu.memref_squeeze %dma_wait3A_298 : memref<1x125x80xi32, #tpu.memory_space<hbm>> -> memref<125x80xi32, #tpu.memory_space<hbm>>
      %dma_wait3A_300 = arith.constant 0 : i32
      %dma_wait3A_301 = arith.constant 0 : i32
      %dma_wait3A_302 = tpu.memref_slice %arg3[%arg1, %dma_wait3A_300, %dma_wait3A_301] : memref<16x125x80xi32, #tpu.memory_space<hbm>> -> memref<1x125x80xi32, #tpu.memory_space<hbm>>
      %dma_wait3A_303 = tpu.memref_squeeze %dma_wait3A_302 : memref<1x125x80xi32, #tpu.memory_space<hbm>> -> memref<125x80xi32, #tpu.memory_space<hbm>>
      tpu.wait_dma2 semaphore(%run_scoped3A : memref<!tpu.dma_semaphore, #tpu.memory_space<semaphore_mem>>) src(%dma_wait3A_303 : memref<125x80xi32, #tpu.memory_space<hbm>>) dst(%arg11 : memref<125x80xi32, #tpu.memory_space<vmem>>)
      tpu.yield
    }) : () -> ()
    "tpu.region"() ({
      %run_scoped3A = tpu.sem_alloc : memref<!tpu.dma_semaphore, #tpu.memory_space<semaphore_mem>>
      %dma_start3A_288 = arith.constant 0 : i32
      %dma_start3A_289 = arith.constant 0 : i32
      %dma_start3A_290 = tpu.memref_slice %arg4[%arg1, %dma_start3A_288, %dma_start3A_289] : memref<16x125x80xi32, #tpu.memory_space<hbm>> -> memref<1x125x80xi32, #tpu.memory_space<hbm>>
      %dma_start3A_291 = tpu.memref_squeeze %dma_start3A_290 : memref<1x125x80xi32, #tpu.memory_space<hbm>> -> memref<125x80xi32, #tpu.memory_space<hbm>>
      %dma_start3A_292 = arith.constant 0 : i32
      %dma_start3A_293 = arith.constant 0 : i32
      %dma_start3A_294 = tpu.memref_slice %arg4[%arg1, %dma_start3A_292, %dma_start3A_293] : memref<16x125x80xi32, #tpu.memory_space<hbm>> -> memref<1x125x80xi32, #tpu.memory_space<hbm>>
      %dma_start3A_295 = tpu.memref_squeeze %dma_start3A_294 : memref<1x125x80xi32, #tpu.memory_space<hbm>> -> memref<125x80xi32, #tpu.memory_space<hbm>>
      tpu.enqueue_dma source(%dma_start3A_295 : memref<125x80xi32, #tpu.memory_space<hbm>>) target(%arg12 : memref<125x80xi32, #tpu.memory_space<vmem>>) target_semaphore(%run_scoped3A : memref<!tpu.dma_semaphore, #tpu.memory_space<semaphore_mem>>)
      %dma_wait3A_296 = arith.constant 0 : i32
      %dma_wait3A_297 = arith.constant 0 : i32
      %dma_wait3A_298 = tpu.memref_slice %arg4[%arg1, %dma_wait3A_296, %dma_wait3A_297] : memref<16x125x80xi32, #tpu.memory_space<hbm>> -> memref<1x125x80xi32, #tpu.memory_space<hbm>>
      %dma_wait3A_299 = tpu.memref_squeeze %dma_wait3A_298 : memref<1x125x80xi32, #tpu.memory_space<hbm>> -> memref<125x80xi32, #tpu.memory_space<hbm>>
      %dma_wait3A_300 = arith.constant 0 : i32
      %dma_wait3A_301 = arith.constant 0 : i32
      %dma_wait3A_302 = tpu.memref_slice %arg4[%arg1, %dma_wait3A_300, %dma_wait3A_301] : memref<16x125x80xi32, #tpu.memory_space<hbm>> -> memref<1x125x80xi32, #tpu.memory_space<hbm>>
      %dma_wait3A_303 = tpu.memref_squeeze %dma_wait3A_302 : memref<1x125x80xi32, #tpu.memory_space<hbm>> -> memref<125x80xi32, #tpu.memory_space<hbm>>
      tpu.wait_dma2 semaphore(%run_scoped3A : memref<!tpu.dma_semaphore, #tpu.memory_space<semaphore_mem>>) src(%dma_wait3A_303 : memref<125x80xi32, #tpu.memory_space<hbm>>) dst(%arg12 : memref<125x80xi32, #tpu.memory_space<vmem>>)
      tpu.yield
    }) : () -> ()
    %scan3A = arith.constant 0 : i32
    %scan3A_4 = arith.constant 128 : i32
    %scan3A_5 = arith.addi %scan3A, %scan3A_4 : i32
    %scan3A_6 = arith.constant 1 : i32
    scf.for %scan3A_288 = %scan3A to %scan3A_5 step %scan3A_6  : i32 {
      %mul3A_289 = arith.constant 1 : i32
      %mul3A_290 = arith.muli %scan3A_288, %mul3A_289 : i32
      %add3A_291 = arith.constant 0 : i32
      %add3A_292 = arith.addi %add3A_291, %mul3A_290 : i32
      %swap3A = arith.index_cast %add3A_292 : i32 to index
      %swap3A_293 = arith.constant 0 : index
      %swap3A_294 = tpu.vector_load %arg17[%swap3A, %swap3A_293] {strides = array<i32>} : memref<128x16xf32, #tpu.memory_space<vmem>>, vector<1x16xf32>,
      %swap3A_295 = vector.shape_cast %swap3A_294 : vector<1x16xf32> to vector<16xf32>
      %swap3A_296 = vector.shape_cast %broadcast_in_dim3A_1 : vector<16xf32> to vector<1x16xf32>
      tpu.vector_store %arg17[%swap3A, %swap3A_293], %swap3A_296 {strides = array<i32>} : memref<128x16xf32, #tpu.memory_space<vmem>>, vector<1x16xf32>,
      %swap3A_297 = arith.index_cast %add3A_292 : i32 to index
      %swap3A_298 = arith.constant 0 : index
      %swap3A_299 = tpu.vector_load %arg16[%swap3A_297, %swap3A_298] {strides = array<i32>} : memref<128x64xf32, #tpu.memory_space<vmem>>, vector<1x16xf32>,
      %swap3A_300 = vector.shape_cast %swap3A_299 : vector<1x16xf32> to vector<16xf32>
      %swap3A_301 = vector.shape_cast %broadcast_in_dim3A_1 : vector<16xf32> to vector<1x16xf32>
      tpu.vector_store %arg16[%swap3A_297, %swap3A_298], %swap3A_301 {strides = array<i32>} : memref<128x64xf32, #tpu.memory_space<vmem>>, vector<1x16xf32>,
      %swap3A_302 = arith.index_cast %add3A_292 : i32 to index
      %swap3A_303 = arith.constant 16 : index
      %swap3A_304 = tpu.vector_load %arg16[%swap3A_302, %swap3A_303] {strides = array<i32>} : memref<128x64xf32, #tpu.memory_space<vmem>>, vector<1x16xf32>,
      %swap3A_305 = vector.shape_cast %swap3A_304 : vector<1x16xf32> to vector<16xf32>
      %swap3A_306 = vector.shape_cast %broadcast_in_dim3A_1 : vector<16xf32> to vector<1x16xf32>
      tpu.vector_store %arg16[%swap3A_302, %swap3A_303], %swap3A_306 {strides = array<i32>} : memref<128x64xf32, #tpu.memory_space<vmem>>, vector<1x16xf32>,
      %swap3A_307 = arith.index_cast %add3A_292 : i32 to index
      %swap3A_308 = arith.constant 32 : index
      %swap3A_309 = tpu.vector_load %arg16[%swap3A_307, %swap3A_308] {strides = array<i32>} : memref<128x64xf32, #tpu.memory_space<vmem>>, vector<1x16xf32>,
      %swap3A_310 = vector.shape_cast %swap3A_309 : vector<1x16xf32> to vector<16xf32>
      %swap3A_311 = vector.shape_cast %broadcast_in_dim3A_1 : vector<16xf32> to vector<1x16xf32>
      tpu.vector_store %arg16[%swap3A_307, %swap3A_308], %swap3A_311 {strides = array<i32>} : memref<128x64xf32, #tpu.memory_space<vmem>>, vector<1x16xf32>,
      %swap3A_312 = arith.index_cast %add3A_292 : i32 to index
      %swap3A_313 = arith.constant 48 : index
      %swap3A_314 = tpu.vector_load %arg16[%swap3A_312, %swap3A_313] {strides = array<i32>} : memref<128x64xf32, #tpu.memory_space<vmem>>, vector<1x16xf32>,
      %swap3A_315 = vector.shape_cast %swap3A_314 : vector<1x16xf32> to vector<16xf32>
      %swap3A_316 = vector.shape_cast %broadcast_in_dim3A_1 : vector<16xf32> to vector<1x16xf32>
      tpu.vector_store %arg16[%swap3A_312, %swap3A_313], %swap3A_316 {strides = array<i32>} : memref<128x64xf32, #tpu.memory_space<vmem>>, vector<1x16xf32>,
    }
    %scan3A_7 = arith.constant 128 : i32
    %scan3A_8 = arith.constant 0 : i32
    %scan3A_9 = arith.constant 80 : i32
    %scan3A_10 = arith.addi %scan3A_8, %scan3A_9 : i32
    %scan3A_11 = arith.constant 1 : i32
    scf.for %scan3A_288 = %scan3A_8 to %scan3A_10 step %scan3A_11  : i32 {
      %mul3A_289 = arith.constant 1 : i32
      %mul3A_290 = arith.muli %scan3A_288, %mul3A_289 : i32
      %add3A_291 = arith.constant 0 : i32
      %add3A_292 = arith.addi %add3A_291, %mul3A_290 : i32
      %swap3A = arith.index_cast %add3A_292 : i32 to index
      %swap3A_293 = arith.constant 0 : index
      %swap3A_294 = tpu.vector_load %arg10[%swap3A, %swap3A_293] {strides = array<i32>} : memref<80x16xf32, #tpu.memory_space<vmem>>, vector<1x16xf32>,
      %swap3A_295 = vector.shape_cast %swap3A_294 : vector<1x16xf32> to vector<16xf32>
      %swap3A_296 = vector.shape_cast %broadcast_in_dim3A_3 : vector<16xf32> to vector<1x16xf32>
      tpu.vector_store %arg10[%swap3A, %swap3A_293], %swap3A_296 {strides = array<i32>} : memref<80x16xf32, #tpu.memory_space<vmem>>, vector<1x16xf32>,
    }
    %scan3A_12 = arith.constant 80 : i32
    %add3A = arith.constant 0 : i32
    %add3A_13 = arith.addi %mul3A_0, %add3A : i32
    "tpu.region"() ({
      %run_scoped3A = tpu.sem_alloc : memref<!tpu.dma_semaphore, #tpu.memory_space<semaphore_mem>>
      %dma_start3A_288 = arith.constant 0 : i32
      %dma_start3A_289 = tpu.memref_slice %arg9[%add3A_13, %dma_start3A_288] : memref<10240x16xf32, #tpu.memory_space<vmem_shared>> -> memref<128x16xf32, #tpu.memory_space<vmem_shared>>
      %dma_start3A_290 = arith.constant 0 : i32
      %dma_start3A_291 = tpu.memref_slice %arg9[%add3A_13, %dma_start3A_290] : memref<10240x16xf32, #tpu.memory_space<vmem_shared>> -> memref<128x16xf32, #tpu.memory_space<vmem_shared>>
      tpu.enqueue_dma source(%arg17 : memref<128x16xf32, #tpu.memory_space<vmem>>) target(%dma_start3A_291 : memref<128x16xf32, #tpu.memory_space<vmem_shared>>) target_semaphore(%run_scoped3A : memref<!tpu.dma_semaphore, #tpu.memory_space<semaphore_mem>>)
      %dma_wait3A_292 = arith.constant 0 : i32
      %dma_wait3A_293 = tpu.memref_slice %arg9[%add3A_13, %dma_wait3A_292] : memref<10240x16xf32, #tpu.memory_space<vmem_shared>> -> memref<128x16xf32, #tpu.memory_space<vmem_shared>>
      %dma_wait3A_294 = arith.constant 0 : i32
      %dma_wait3A_295 = tpu.memref_slice %arg9[%add3A_13, %dma_wait3A_294] : memref<10240x16xf32, #tpu.memory_space<vmem_shared>> -> memref<128x16xf32, #tpu.memory_space<vmem_shared>>
      tpu.wait_dma2 semaphore(%run_scoped3A : memref<!tpu.dma_semaphore, #tpu.memory_space<semaphore_mem>>) src(%arg17 : memref<128x16xf32, #tpu.memory_space<vmem>>) dst(%dma_wait3A_295 : memref<128x16xf32, #tpu.memory_space<vmem_shared>>)
      tpu.yield
    }) : () -> ()
    %add3A_14 = arith.constant 128 : i32
    %add3A_15 = arith.addi %mul3A_0, %add3A_14 : i32
    "tpu.region"() ({
      %run_scoped3A = tpu.sem_alloc : memref<!tpu.dma_semaphore, #tpu.memory_space<semaphore_mem>>
      %dma_start3A_288 = arith.constant 0 : i32
      %dma_start3A_289 = tpu.memref_slice %arg9[%add3A_15, %dma_start3A_288] : memref<10240x16xf32, #tpu.memory_space<vmem_shared>> -> memref<128x16xf32, #tpu.memory_space<vmem_shared>>
      %dma_start3A_290 = arith.constant 0 : i32
      %dma_start3A_291 = tpu.memref_slice %arg9[%add3A_15, %dma_start3A_290] : memref<10240x16xf32, #tpu.memory_space<vmem_shared>> -> memref<128x16xf32, #tpu.memory_space<vmem_shared>>
      tpu.enqueue_dma source(%arg17 : memref<128x16xf32, #tpu.memory_space<vmem>>) target(%dma_start3A_291 : memref<128x16xf32, #tpu.memory_space<vmem_shared>>) target_semaphore(%run_scoped3A : memref<!tpu.dma_semaphore, #tpu.memory_space<semaphore_mem>>)
      %dma_wait3A_292 = arith.constant 0 : i32
      %dma_wait3A_293 = tpu.memref_slice %arg9[%add3A_15, %dma_wait3A_292] : memref<10240x16xf32, #tpu.memory_space<vmem_shared>> -> memref<128x16xf32, #tpu.memory_space<vmem_shared>>
      %dma_wait3A_294 = arith.constant 0 : i32
      %dma_wait3A_295 = tpu.memref_slice %arg9[%add3A_15, %dma_wait3A_294] : memref<10240x16xf32, #tpu.memory_space<vmem_shared>> -> memref<128x16xf32, #tpu.memory_space<vmem_shared>>
      tpu.wait_dma2 semaphore(%run_scoped3A : memref<!tpu.dma_semaphore, #tpu.memory_space<semaphore_mem>>) src(%arg17 : memref<128x16xf32, #tpu.memory_space<vmem>>) dst(%dma_wait3A_295 : memref<128x16xf32, #tpu.memory_space<vmem_shared>>)
      tpu.yield
    }) : () -> ()
    %add3A_16 = arith.constant 256 : i32
    %add3A_17 = arith.addi %mul3A_0, %add3A_16 : i32
    "tpu.region"() ({
      %run_scoped3A = tpu.sem_alloc : memref<!tpu.dma_semaphore, #tpu.memory_space<semaphore_mem>>
      %dma_start3A_288 = arith.constant 0 : i32
      %dma_start3A_289 = tpu.memref_slice %arg9[%add3A_17, %dma_start3A_288] : memref<10240x16xf32, #tpu.memory_space<vmem_shared>> -> memref<128x16xf32, #tpu.memory_space<vmem_shared>>
      %dma_start3A_290 = arith.constant 0 : i32
      %dma_start3A_291 = tpu.memref_slice %arg9[%add3A_17, %dma_start3A_290] : memref<10240x16xf32, #tpu.memory_space<vmem_shared>> -> memref<128x16xf32, #tpu.memory_space<vmem_shared>>
      tpu.enqueue_dma source(%arg17 : memref<128x16xf32, #tpu.memory_space<vmem>>) target(%dma_start3A_291 : memref<128x16xf32, #tpu.memory_space<vmem_shared>>) target_semaphore(%run_scoped3A : memref<!tpu.dma_semaphore, #tpu.memory_space<semaphore_mem>>)
      %dma_wait3A_292 = arith.constant 0 : i32
      %dma_wait3A_293 = tpu.memref_slice %arg9[%add3A_17, %dma_wait3A_292] : memref<10240x16xf32, #tpu.memory_space<vmem_shared>> -> memref<128x16xf32, #tpu.memory_space<vmem_shared>>
      %dma_wait3A_294 = arith.constant 0 : i32
      %dma_wait3A_295 = tpu.memref_slice %arg9[%add3A_17, %dma_wait3A_294] : memref<10240x16xf32, #tpu.memory_space<vmem_shared>> -> memref<128x16xf32, #tpu.memory_space<vmem_shared>>
      tpu.wait_dma2 semaphore(%run_scoped3A : memref<!tpu.dma_semaphore, #tpu.memory_space<semaphore_mem>>) src(%arg17 : memref<128x16xf32, #tpu.memory_space<vmem>>) dst(%dma_wait3A_295 : memref<128x16xf32, #tpu.memory_space<vmem_shared>>)
      tpu.yield
    }) : () -> ()
    %add3A_18 = arith.constant 384 : i32
    %add3A_19 = arith.addi %mul3A_0, %add3A_18 : i32
    "tpu.region"() ({
      %run_scoped3A = tpu.sem_alloc : memref<!tpu.dma_semaphore, #tpu.memory_space<semaphore_mem>>
      %dma_start3A_288 = arith.constant 0 : i32
      %dma_start3A_289 = tpu.memref_slice %arg9[%add3A_19, %dma_start3A_288] : memref<10240x16xf32, #tpu.memory_space<vmem_shared>> -> memref<128x16xf32, #tpu.memory_space<vmem_shared>>
      %dma_start3A_290 = arith.constant 0 : i32
      %dma_start3A_291 = tpu.memref_slice %arg9[%add3A_19, %dma_start3A_290] : memref<10240x16xf32, #tpu.memory_space<vmem_shared>> -> memref<128x16xf32, #tpu.memory_space<vmem_shared>>
      tpu.enqueue_dma source(%arg17 : memref<128x16xf32, #tpu.memory_space<vmem>>) target(%dma_start3A_291 : memref<128x16xf32, #tpu.memory_space<vmem_shared>>) target_semaphore(%run_scoped3A : memref<!tpu.dma_semaphore, #tpu.memory_space<semaphore_mem>>)
      %dma_wait3A_292 = arith.constant 0 : i32
      %dma_wait3A_293 = tpu.memref_slice %arg9[%add3A_19, %dma_wait3A_292] : memref<10240x16xf32, #tpu.memory_space<vmem_shared>> -> memref<128x16xf32, #tpu.memory_space<vmem_shared>>
      %dma_wait3A_294 = arith.constant 0 : i32
      %dma_wait3A_295 = tpu.memref_slice %arg9[%add3A_19, %dma_wait3A_294] : memref<10240x16xf32, #tpu.memory_space<vmem_shared>> -> memref<128x16xf32, #tpu.memory_space<vmem_shared>>
      tpu.wait_dma2 semaphore(%run_scoped3A : memref<!tpu.dma_semaphore, #tpu.memory_space<semaphore_mem>>) src(%arg17 : memref<128x16xf32, #tpu.memory_space<vmem>>) dst(%dma_wait3A_295 : memref<128x16xf32, #tpu.memory_space<vmem_shared>>)
      tpu.yield
    }) : () -> ()
    %add3A_20 = arith.constant 512 : i32
    %add3A_21 = arith.addi %mul3A_0, %add3A_20 : i32
    "tpu.region"() ({
      %run_scoped3A = tpu.sem_alloc : memref<!tpu.dma_semaphore, #tpu.memory_space<semaphore_mem>>
      %dma_start3A_288 = arith.constant 0 : i32
      %dma_start3A_289 = tpu.memref_slice %arg9[%add3A_21, %dma_start3A_288] : memref<10240x16xf32, #tpu.memory_space<vmem_shared>> -> memref<128x16xf32, #tpu.memory_space<vmem_shared>>
      %dma_start3A_290 = arith.constant 0 : i32
      %dma_start3A_291 = tpu.memref_slice %arg9[%add3A_21, %dma_start3A_290] : memref<10240x16xf32, #tpu.memory_space<vmem_shared>> -> memref<128x16xf32, #tpu.memory_space<vmem_shared>>
      tpu.enqueue_dma source(%arg17 : memref<128x16xf32, #tpu.memory_space<vmem>>) target(%dma_start3A_291 : memref<128x16xf32, #tpu.memory_space<vmem_shared>>) target_semaphore(%run_scoped3A : memref<!tpu.dma_semaphore, #tpu.memory_space<semaphore_mem>>)
      %dma_wait3A_292 = arith.constant 0 : i32
      %dma_wait3A_293 = tpu.memref_slice %arg9[%add3A_21, %dma_wait3A_292] : memref<10240x16xf32, #tpu.memory_space<vmem_shared>> -> memref<128x16xf32, #tpu.memory_space<vmem_shared>>
      %dma_wait3A_294 = arith.constant 0 : i32
      %dma_wait3A_295 = tpu.memref_slice %arg9[%add3A_21, %dma_wait3A_294] : memref<10240x16xf32, #tpu.memory_space<vmem_shared>> -> memref<128x16xf32, #tpu.memory_space<vmem_shared>>
      tpu.wait_dma2 semaphore(%run_scoped3A : memref<!tpu.dma_semaphore, #tpu.memory_space<semaphore_mem>>) src(%arg17 : memref<128x16xf32, #tpu.memory_space<vmem>>) dst(%dma_wait3A_295 : memref<128x16xf32, #tpu.memory_space<vmem_shared>>)
      tpu.yield
    }) : () -> ()
    %barrier3A = arith.constant 0 : index
    tpu.barrier barrier_id(%barrier3A)
    %scan3A_22 = arith.constant 0 : i32
    %scan3A_23 = arith.constant 25 : i32
    %scan3A_24 = arith.addi %scan3A_22, %scan3A_23 : i32
    %scan3A_25 = arith.constant 1 : i32
    scf.for %scan3A_288 = %scan3A_22 to %scan3A_24 step %scan3A_25  : i32 {
      %mul3A_289 = arith.constant 1 : i32
      %mul3A_290 = arith.muli %scan3A_288, %mul3A_289 : i32
      %add3A_291 = arith.constant 0 : i32
      %add3A_292 = arith.addi %add3A_291, %mul3A_290 : i32
      %mul3A_293 = arith.constant 5 : i32
      %mul3A_294 = arith.muli %add3A_292, %mul3A_293 : i32
      %add3A_295 = arith.constant 0 : i32
      %add3A_296 = arith.addi %mul3A_294, %add3A_295 : i32
      %dma_start3A_297 = arith.constant 0 : i32
      %dma_start3A_298 = tpu.memref_slice %arg11[%add3A_296, %dma_start3A_297] : memref<125x80xi32, #tpu.memory_space<vmem>> -> memref<1x80xi32, #tpu.memory_space<vmem>>
      %dma_start3A_299 = tpu.memref_squeeze %dma_start3A_298 : memref<1x80xi32, #tpu.memory_space<vmem>> -> memref<80xi32, #tpu.memory_space<vmem>>
      %dma_start3A_300 = arith.constant 0 : i32
      %dma_start3A_301 = arith.constant 0 : i32
      %dma_start3A_302 = tpu.memref_slice %arg9[%dma_start3A_300, %dma_start3A_301] : memref<10240x16xf32, #tpu.memory_space<vmem_shared>> -> memref<10240x16xf32, #tpu.memory_space<vmem_shared>>
      tpu.enqueue_indirect_dma source(%arg10 : memref<80x16xf32, #tpu.memory_space<vmem>>) target(%dma_start3A_302 : memref<10240x16xf32, #tpu.memory_space<vmem_shared>>) offsets(%dma_start3A_299 : memref<80xi32, #tpu.memory_space<vmem>>) semaphore(%arg18 : memref<!tpu.dma_semaphore, #tpu.memory_space<semaphore_mem>>) {add = true}
      %mul3A_303 = arith.constant 5 : i32
      %mul3A_304 = arith.muli %add3A_292, %mul3A_303 : i32
      %add3A_305 = arith.constant 1 : i32
      %add3A_306 = arith.addi %mul3A_304, %add3A_305 : i32
      %dma_start3A_307 = arith.constant 0 : i32
      %dma_start3A_308 = tpu.memref_slice %arg11[%add3A_306, %dma_start3A_307] : memref<125x80xi32, #tpu.memory_space<vmem>> -> memref<1x80xi32, #tpu.memory_space<vmem>>
      %dma_start3A_309 = tpu.memref_squeeze %dma_start3A_308 : memref<1x80xi32, #tpu.memory_space<vmem>> -> memref<80xi32, #tpu.memory_space<vmem>>
      %dma_start3A_310 = arith.constant 0 : i32
      %dma_start3A_311 = arith.constant 0 : i32
      %dma_start3A_312 = tpu.memref_slice %arg9[%dma_start3A_310, %dma_start3A_311] : memref<10240x16xf32, #tpu.memory_space<vmem_shared>> -> memref<10240x16xf32, #tpu.memory_space<vmem_shared>>
      tpu.enqueue_indirect_dma source(%arg10 : memref<80x16xf32, #tpu.memory_space<vmem>>) target(%dma_start3A_312 : memref<10240x16xf32, #tpu.memory_space<vmem_shared>>) offsets(%dma_start3A_309 : memref<80xi32, #tpu.memory_space<vmem>>) semaphore(%arg18 : memref<!tpu.dma_semaphore, #tpu.memory_space<semaphore_mem>>) {add = true}
      %mul3A_313 = arith.constant 5 : i32
      %mul3A_314 = arith.muli %add3A_292, %mul3A_313 : i32
      %add3A_315 = arith.constant 2 : i32
      %add3A_316 = arith.addi %mul3A_314, %add3A_315 : i32
      %dma_start3A_317 = arith.constant 0 : i32
      %dma_start3A_318 = tpu.memref_slice %arg11[%add3A_316, %dma_start3A_317] : memref<125x80xi32, #tpu.memory_space<vmem>> -> memref<1x80xi32, #tpu.memory_space<vmem>>
      %dma_start3A_319 = tpu.memref_squeeze %dma_start3A_318 : memref<1x80xi32, #tpu.memory_space<vmem>> -> memref<80xi32, #tpu.memory_space<vmem>>
      %dma_start3A_320 = arith.constant 0 : i32
      %dma_start3A_321 = arith.constant 0 : i32
      %dma_start3A_322 = tpu.memref_slice %arg9[%dma_start3A_320, %dma_start3A_321] : memref<10240x16xf32, #tpu.memory_space<vmem_shared>> -> memref<10240x16xf32, #tpu.memory_space<vmem_shared>>
      tpu.enqueue_indirect_dma source(%arg10 : memref<80x16xf32, #tpu.memory_space<vmem>>) target(%dma_start3A_322 : memref<10240x16xf32, #tpu.memory_space<vmem_shared>>) offsets(%dma_start3A_319 : memref<80xi32, #tpu.memory_space<vmem>>) semaphore(%arg18 : memref<!tpu.dma_semaphore, #tpu.memory_space<semaphore_mem>>) {add = true}
      %mul3A_323 = arith.constant 5 : i32
      %mul3A_324 = arith.muli %add3A_292, %mul3A_323 : i32
      %add3A_325 = arith.constant 3 : i32
      %add3A_326 = arith.addi %mul3A_324, %add3A_325 : i32
      %dma_start3A_327 = arith.constant 0 : i32
      %dma_start3A_328 = tpu.memref_slice %arg11[%add3A_326, %dma_start3A_327] : memref<125x80xi32, #tpu.memory_space<vmem>> -> memref<1x80xi32, #tpu.memory_space<vmem>>
      %dma_start3A_329 = tpu.memref_squeeze %dma_start3A_328 : memref<1x80xi32, #tpu.memory_space<vmem>> -> memref<80xi32, #tpu.memory_space<vmem>>
      %dma_start3A_330 = arith.constant 0 : i32
      %dma_start3A_331 = arith.constant 0 : i32
      %dma_start3A_332 = tpu.memref_slice %arg9[%dma_start3A_330, %dma_start3A_331] : memref<10240x16xf32, #tpu.memory_space<vmem_shared>> -> memref<10240x16xf32, #tpu.memory_space<vmem_shared>>
      tpu.enqueue_indirect_dma source(%arg10 : memref<80x16xf32, #tpu.memory_space<vmem>>) target(%dma_start3A_332 : memref<10240x16xf32, #tpu.memory_space<vmem_shared>>) offsets(%dma_start3A_329 : memref<80xi32, #tpu.memory_space<vmem>>) semaphore(%arg18 : memref<!tpu.dma_semaphore, #tpu.memory_space<semaphore_mem>>) {add = true}
      %mul3A_333 = arith.constant 5 : i32
      %mul3A_334 = arith.muli %add3A_292, %mul3A_333 : i32
      %add3A_335 = arith.constant 4 : i32
      %add3A_336 = arith.addi %mul3A_334, %add3A_335 : i32
      %dma_start3A_337 = arith.constant 0 : i32
      %dma_start3A_338 = tpu.memref_slice %arg11[%add3A_336, %dma_start3A_337] : memref<125x80xi32, #tpu.memory_space<vmem>> -> memref<1x80xi32, #tpu.memory_space<vmem>>
      %dma_start3A_339 = tpu.memref_squeeze %dma_start3A_338 : memref<1x80xi32, #tpu.memory_space<vmem>> -> memref<80xi32, #tpu.memory_space<vmem>>
      %dma_start3A_340 = arith.constant 0 : i32
      %dma_start3A_341 = arith.constant 0 : i32
      %dma_start3A_342 = tpu.memref_slice %arg9[%dma_start3A_340, %dma_start3A_341] : memref<10240x16xf32, #tpu.memory_space<vmem_shared>> -> memref<10240x16xf32, #tpu.memory_space<vmem_shared>>
      tpu.enqueue_indirect_dma source(%arg10 : memref<80x16xf32, #tpu.memory_space<vmem>>) target(%dma_start3A_342 : memref<10240x16xf32, #tpu.memory_space<vmem_shared>>) offsets(%dma_start3A_339 : memref<80xi32, #tpu.memory_space<vmem>>) semaphore(%arg18 : memref<!tpu.dma_semaphore, #tpu.memory_space<semaphore_mem>>) {add = true}
      %dma_wait3A_343 = arith.constant 0 : i32
      %dma_wait3A_344 = tpu.memref_slice %arg11[%add3A_296, %dma_wait3A_343] : memref<125x80xi32, #tpu.memory_space<vmem>> -> memref<1x80xi32, #tpu.memory_space<vmem>>
      %dma_wait3A_345 = tpu.memref_squeeze %dma_wait3A_344 : memref<1x80xi32, #tpu.memory_space<vmem>> -> memref<80xi32, #tpu.memory_space<vmem>>
      %dma_wait3A_346 = arith.constant 0 : i32
      %dma_wait3A_347 = arith.constant 0 : i32
      %dma_wait3A_348 = tpu.memref_slice %arg9[%dma_wait3A_346, %dma_wait3A_347] : memref<10240x16xf32, #tpu.memory_space<vmem_shared>> -> memref<10240x16xf32, #tpu.memory_space<vmem_shared>>
      tpu.wait_indirect_dma semaphore(%arg18 : memref<!tpu.dma_semaphore, #tpu.memory_space<semaphore_mem>>) src(%arg10 : memref<80x16xf32, #tpu.memory_space<vmem>>) dst(%dma_wait3A_348 : memref<10240x16xf32, #tpu.memory_space<vmem_shared>>)
      %dma_wait3A_349 = arith.constant 0 : i32
      %dma_wait3A_350 = tpu.memref_slice %arg11[%add3A_306, %dma_wait3A_349] : memref<125x80xi32, #tpu.memory_space<vmem>> -> memref<1x80xi32, #tpu.memory_space<vmem>>
      %dma_wait3A_351 = tpu.memref_squeeze %dma_wait3A_350 : memref<1x80xi32, #tpu.memory_space<vmem>> -> memref<80xi32, #tpu.memory_space<vmem>>
      %dma_wait3A_352 = arith.constant 0 : i32
      %dma_wait3A_353 = arith.constant 0 : i32
      %dma_wait3A_354 = tpu.memref_slice %arg9[%dma_wait3A_352, %dma_wait3A_353] : memref<10240x16xf32, #tpu.memory_space<vmem_shared>> -> memref<10240x16xf32, #tpu.memory_space<vmem_shared>>
      tpu.wait_indirect_dma semaphore(%arg18 : memref<!tpu.dma_semaphore, #tpu.memory_space<semaphore_mem>>) src(%arg10 : memref<80x16xf32, #tpu.memory_space<vmem>>) dst(%dma_wait3A_354 : memref<10240x16xf32, #tpu.memory_space<vmem_shared>>)
      %dma_wait3A_355 = arith.constant 0 : i32
      %dma_wait3A_356 = tpu.memref_slice %arg11[%add3A_316, %dma_wait3A_355] : memref<125x80xi32, #tpu.memory_space<vmem>> -> memref<1x80xi32, #tpu.memory_space<vmem>>
      %dma_wait3A_357 = tpu.memref_squeeze %dma_wait3A_356 : memref<1x80xi32, #tpu.memory_space<vmem>> -> memref<80xi32, #tpu.memory_space<vmem>>
      %dma_wait3A_358 = arith.constant 0 : i32
      %dma_wait3A_359 = arith.constant 0 : i32
      %dma_wait3A_360 = tpu.memref_slice %arg9[%dma_wait3A_358, %dma_wait3A_359] : memref<10240x16xf32, #tpu.memory_space<vmem_shared>> -> memref<10240x16xf32, #tpu.memory_space<vmem_shared>>
      tpu.wait_indirect_dma semaphore(%arg18 : memref<!tpu.dma_semaphore, #tpu.memory_space<semaphore_mem>>) src(%arg10 : memref<80x16xf32, #tpu.memory_space<vmem>>) dst(%dma_wait3A_360 : memref<10240x16xf32, #tpu.memory_space<vmem_shared>>)
      %dma_wait3A_361 = arith.constant 0 : i32
      %dma_wait3A_362 = tpu.memref_slice %arg11[%add3A_326, %dma_wait3A_361] : memref<125x80xi32, #tpu.memory_space<vmem>> -> memref<1x80xi32, #tpu.memory_space<vmem>>
      %dma_wait3A_363 = tpu.memref_squeeze %dma_wait3A_362 : memref<1x80xi32, #tpu.memory_space<vmem>> -> memref<80xi32, #tpu.memory_space<vmem>>
      %dma_wait3A_364 = arith.constant 0 : i32
      %dma_wait3A_365 = arith.constant 0 : i32
      %dma_wait3A_366 = tpu.memref_slice %arg9[%dma_wait3A_364, %dma_wait3A_365] : memref<10240x16xf32, #tpu.memory_space<vmem_shared>> -> memref<10240x16xf32, #tpu.memory_space<vmem_shared>>
      tpu.wait_indirect_dma semaphore(%arg18 : memref<!tpu.dma_semaphore, #tpu.memory_space<semaphore_mem>>) src(%arg10 : memref<80x16xf32, #tpu.memory_space<vmem>>) dst(%dma_wait3A_366 : memref<10240x16xf32, #tpu.memory_space<vmem_shared>>)
      %dma_wait3A_367 = arith.constant 0 : i32
      %dma_wait3A_368 = tpu.memref_slice %arg11[%add3A_336, %dma_wait3A_367] : memref<125x80xi32, #tpu.memory_space<vmem>> -> memref<1x80xi32, #tpu.memory_space<vmem>>
      %dma_wait3A_369 = tpu.memref_squeeze %dma_wait3A_368 : memref<1x80xi32, #tpu.memory_space<vmem>> -> memref<80xi32, #tpu.memory_space<vmem>>
      %dma_wait3A_370 = arith.constant 0 : i32
      %dma_wait3A_371 = arith.constant 0 : i32
      %dma_wait3A_372 = tpu.memref_slice %arg9[%dma_wait3A_370, %dma_wait3A_371] : memref<10240x16xf32, #tpu.memory_space<vmem_shared>> -> memref<10240x16xf32, #tpu.memory_space<vmem_shared>>
      tpu.wait_indirect_dma semaphore(%arg18 : memref<!tpu.dma_semaphore, #tpu.memory_space<semaphore_mem>>) src(%arg10 : memref<80x16xf32, #tpu.memory_space<vmem>>) dst(%dma_wait3A_372 : memref<10240x16xf32, #tpu.memory_space<vmem_shared>>)
    }
    %scan3A_26 = arith.constant 25 : i32
    %barrier3A_27 = arith.constant 0 : index
    tpu.barrier barrier_id(%barrier3A_27)
    "tpu.region"() ({
      %run_scoped3A = tpu.sem_alloc : memref<!tpu.dma_semaphore, #tpu.memory_space<semaphore_mem>>
      %dma_start3A_288 = arith.constant 0 : i32
      %dma_start3A_289 = tpu.memref_slice %arg9[%mul3A_0, %dma_start3A_288] : memref<10240x16xf32, #tpu.memory_space<vmem_shared>> -> memref<640x16xf32, #tpu.memory_space<vmem_shared>>
      %dma_start3A_290 = arith.constant 0 : i32
      %dma_start3A_291 = tpu.memref_slice %arg9[%mul3A_0, %dma_start3A_290] : memref<10240x16xf32, #tpu.memory_space<vmem_shared>> -> memref<640x16xf32, #tpu.memory_space<vmem_shared>>
      tpu.enqueue_dma source(%dma_start3A_291 : memref<640x16xf32, #tpu.memory_space<vmem_shared>>) target(%arg15 : memref<640x16xf32, #tpu.memory_space<vmem>>) target_semaphore(%run_scoped3A : memref<!tpu.dma_semaphore, #tpu.memory_space<semaphore_mem>>)
      %dma_wait3A_292 = arith.constant 0 : i32
      %dma_wait3A_293 = tpu.memref_slice %arg9[%mul3A_0, %dma_wait3A_292] : memref<10240x16xf32, #tpu.memory_space<vmem_shared>> -> memref<640x16xf32, #tpu.memory_space<vmem_shared>>
      %dma_wait3A_294 = arith.constant 0 : i32
      %dma_wait3A_295 = tpu.memref_slice %arg9[%mul3A_0, %dma_wait3A_294] : memref<10240x16xf32, #tpu.memory_space<vmem_shared>> -> memref<640x16xf32, #tpu.memory_space<vmem_shared>>
      tpu.wait_dma2 semaphore(%run_scoped3A : memref<!tpu.dma_semaphore, #tpu.memory_space<semaphore_mem>>) src(%dma_wait3A_295 : memref<640x16xf32, #tpu.memory_space<vmem_shared>>) dst(%arg15 : memref<640x16xf32, #tpu.memory_space<vmem>>)
      tpu.yield
    }) : () -> ()
    %scan3A_28 = arith.constant 0 : i32
    %scan3A_29 = arith.constant 640 : i32
    %scan3A_30 = arith.addi %scan3A_28, %scan3A_29 : i32
    %scan3A_31 = arith.constant 1 : i32
    scf.for %scan3A_288 = %scan3A_28 to %scan3A_30 step %scan3A_31  : i32 {
      %mul3A_289 = arith.constant 1 : i32
      %mul3A_290 = arith.muli %scan3A_288, %mul3A_289 : i32
      %add3A_291 = arith.constant 0 : i32
      %add3A_292 = arith.addi %add3A_291, %mul3A_290 : i32
      %get3A = arith.index_cast %add3A_292 : i32 to index
      %get3A_293 = arith.constant 0 : index
      %get3A_294 = tpu.vector_load %arg15[%get3A, %get3A_293] {strides = array<i32>} : memref<640x16xf32, #tpu.memory_space<vmem>>, vector<1x16xf32>,
      %get3A_295 = vector.shape_cast %get3A_294 : vector<1x16xf32> to vector<16xf32>
      %bitcast_convert_type3A = tpu.bitcast %get3A_295 : vector<16xf32> -> vector<16xi32>
      %shift_right_arithmetic3A = arith.constant 1 : i32
      %shift_right_arithmetic3A_296 = vector.broadcast %shift_right_arithmetic3A : i32 to vector<16xi32>
      %shift_right_arithmetic3A_297 = arith.shrsi %bitcast_convert_type3A, %shift_right_arithmetic3A_296 : vector<16xi32>
      %sub3A = arith.constant 1597463007 : i32
      %sub3A_298 = vector.broadcast %sub3A : i32 to vector<16xi32>
      %sub3A_299 = arith.subi %sub3A_298, %shift_right_arithmetic3A_297 : vector<16xi32>
      %bitcast_convert_type3A_300 = tpu.bitcast %sub3A_299 : vector<16xi32> -> vector<16xf32>
      %mul3A_301 = arith.constant 5.000000e-01 : f32
      %mul3A_302 = vector.broadcast %mul3A_301 : f32 to vector<16xf32>
      %mul3A_303 = arith.mulf %mul3A_302, %get3A_295 : vector<16xf32>
      %mul3A_304 = arith.mulf %mul3A_303, %bitcast_convert_type3A_300 : vector<16xf32>
      %mul3A_305 = arith.mulf %mul3A_304, %bitcast_convert_type3A_300 : vector<16xf32>
      %sub3A_306 = arith.constant 1.500000e+00 : f32
      %sub3A_307 = vector.broadcast %sub3A_306 : f32 to vector<16xf32>
      %sub3A_308 = arith.subf %sub3A_307, %mul3A_305 : vector<16xf32>
      %mul3A_309 = arith.mulf %bitcast_convert_type3A_300, %sub3A_308 : vector<16xf32>
      %mul3A_310 = arith.constant 5.000000e-01 : f32
      %mul3A_311 = vector.broadcast %mul3A_310 : f32 to vector<16xf32>
      %mul3A_312 = arith.mulf %mul3A_311, %get3A_295 : vector<16xf32>
      %mul3A_313 = arith.mulf %mul3A_312, %mul3A_309 : vector<16xf32>
      %mul3A_314 = arith.mulf %mul3A_313, %mul3A_309 : vector<16xf32>
      %sub3A_315 = arith.constant 1.500000e+00 : f32
      %sub3A_316 = vector.broadcast %sub3A_315 : f32 to vector<16xf32>
      %sub3A_317 = arith.subf %sub3A_316, %mul3A_314 : vector<16xf32>
      %mul3A_318 = arith.mulf %mul3A_309, %sub3A_317 : vector<16xf32>
      %mul3A_319 = arith.constant 5.000000e-01 : f32
      %mul3A_320 = vector.broadcast %mul3A_319 : f32 to vector<16xf32>
      %mul3A_321 = arith.mulf %mul3A_320, %get3A_295 : vector<16xf32>
      %mul3A_322 = arith.mulf %mul3A_321, %mul3A_318 : vector<16xf32>
      %mul3A_323 = arith.mulf %mul3A_322, %mul3A_318 : vector<16xf32>
      %sub3A_324 = arith.constant 1.500000e+00 : f32
      %sub3A_325 = vector.broadcast %sub3A_324 : f32 to vector<16xf32>
      %sub3A_326 = arith.subf %sub3A_325, %mul3A_323 : vector<16xf32>
      %mul3A_327 = arith.mulf %mul3A_318, %sub3A_326 : vector<16xf32>
      %gt3A = arith.constant 5.000000e-01 : f32
      %gt3A_328 = vector.broadcast %gt3A : f32 to vector<16xf32>
      %gt3A_329 = arith.cmpf ogt, %get3A_295, %gt3A_328 : vector<16xf32>
      %jit3A = arith.constant 0.000000e+00 : f32
      %broadcast_in_dim3A_330 = vector.broadcast %jit3A : f32 to vector<16xf32>
      %select_n3A = arith.select %gt3A_329, %mul3A_327, %broadcast_in_dim3A_330 : vector<16xi1>, vector<16xf32>
      %swap3A = arith.index_cast %add3A_292 : i32 to index
      %swap3A_331 = arith.constant 0 : index
      %swap3A_332 = tpu.vector_load %arg15[%swap3A, %swap3A_331] {strides = array<i32>} : memref<640x16xf32, #tpu.memory_space<vmem>>, vector<1x16xf32>,
      %swap3A_333 = vector.shape_cast %swap3A_332 : vector<1x16xf32> to vector<16xf32>
      %swap3A_334 = vector.shape_cast %select_n3A : vector<16xf32> to vector<1x16xf32>
      tpu.vector_store %arg15[%swap3A, %swap3A_331], %swap3A_334 {strides = array<i32>} : memref<640x16xf32, #tpu.memory_space<vmem>>, vector<1x16xf32>,
    }
    %scan3A_32 = arith.constant 640 : i32
    %eq3A = arith.constant 0 : i32
    %eq3A_33 = arith.cmpi eq, %arg0, %eq3A : i32
    %convert_element_type3A = arith.extui %eq3A_33 : i1 to i32
    %cond3A = arith.constant 0 : i32
    %cond3A_34 = arith.cmpi ne, %convert_element_type3A, %cond3A : i32
    scf.if %cond3A_34 {
      "tpu.region"() ({
        %run_scoped3A = tpu.sem_alloc : memref<!tpu.dma_semaphore, #tpu.memory_space<semaphore_mem>>
        %dma_start3A_288 = arith.constant 0 : i32
        %dma_start3A_289 = tpu.memref_slice %arg6[%mul3A_0, %dma_start3A_288] : memref<10240x16xf32, #tpu.memory_space<hbm>> -> memref<640x16xf32, #tpu.memory_space<hbm>>
        %dma_start3A_290 = arith.constant 0 : i32
        %dma_start3A_291 = tpu.memref_slice %arg6[%mul3A_0, %dma_start3A_290] : memref<10240x16xf32, #tpu.memory_space<hbm>> -> memref<640x16xf32, #tpu.memory_space<hbm>>
        tpu.enqueue_dma source(%arg15 : memref<640x16xf32, #tpu.memory_space<vmem>>) target(%dma_start3A_291 : memref<640x16xf32, #tpu.memory_space<hbm>>) target_semaphore(%run_scoped3A : memref<!tpu.dma_semaphore, #tpu.memory_space<semaphore_mem>>)
        %dma_wait3A_292 = arith.constant 0 : i32
        %dma_wait3A_293 = tpu.memref_slice %arg6[%mul3A_0, %dma_wait3A_292] : memref<10240x16xf32, #tpu.memory_space<hbm>> -> memref<640x16xf32, #tpu.memory_space<hbm>>
        %dma_wait3A_294 = arith.constant 0 : i32
        %dma_wait3A_295 = tpu.memref_slice %arg6[%mul3A_0, %dma_wait3A_294] : memref<10240x16xf32, #tpu.memory_space<hbm>> -> memref<640x16xf32, #tpu.memory_space<hbm>>
        tpu.wait_dma2 semaphore(%run_scoped3A : memref<!tpu.dma_semaphore, #tpu.memory_space<semaphore_mem>>) src(%arg15 : memref<640x16xf32, #tpu.memory_space<vmem>>) dst(%dma_wait3A_295 : memref<640x16xf32, #tpu.memory_space<hbm>>)
        tpu.yield
      }) : () -> ()
    } else {
    }
    %mul3A_35 = arith.constant 2 : i32
    %mul3A_36 = arith.muli %arg0, %mul3A_35 : i32
    %add3A_37 = arith.constant 0 : i32
    %add3A_38 = arith.addi %mul3A_36, %add3A_37 : i32
    %mul3A_39 = arith.constant 10240 : i32
    %mul3A_40 = arith.muli %add3A_38, %mul3A_39 : i32
    %broadcast_in_dim3A_41 = vector.broadcast %mul3A_40 : i32 to vector<16xi32>
    %scan3A_42 = arith.constant 0 : i32
    %scan3A_43 = arith.constant 125 : i32
    %scan3A_44 = arith.addi %scan3A_42, %scan3A_43 : i32
    %scan3A_45 = arith.constant 1 : i32
    scf.for %scan3A_288 = %scan3A_42 to %scan3A_44 step %scan3A_45  : i32 {
      %mul3A_289 = arith.constant 1 : i32
      %mul3A_290 = arith.muli %scan3A_288, %mul3A_289 : i32
      %add3A_291 = arith.constant 0 : i32
      %add3A_292 = arith.addi %add3A_291, %mul3A_290 : i32
      %get3A = arith.index_cast %add3A_292 : i32 to index
      %get3A_293 = arith.constant 0 : index
      %get3A_294 = tpu.vector_load %arg12[%get3A, %get3A_293] {strides = array<i32>} : memref<125x80xi32, #tpu.memory_space<vmem>>, vector<1x16xi32>,
      %get3A_295 = vector.shape_cast %get3A_294 : vector<1x16xi32> to vector<16xi32>
      %add3A_296 = arith.addi %get3A_295, %broadcast_in_dim3A_41 : vector<16xi32>
      %swap3A = arith.index_cast %add3A_292 : i32 to index
      %swap3A_297 = arith.constant 0 : index
      %swap3A_298 = tpu.vector_load %arg12[%swap3A, %swap3A_297] {strides = array<i32>} : memref<125x80xi32, #tpu.memory_space<vmem>>, vector<1x16xi32>,
      %swap3A_299 = vector.shape_cast %swap3A_298 : vector<1x16xi32> to vector<16xi32>
      %swap3A_300 = vector.shape_cast %add3A_296 : vector<16xi32> to vector<1x16xi32>
      tpu.vector_store %arg12[%swap3A, %swap3A_297], %swap3A_300 {strides = array<i32>} : memref<125x80xi32, #tpu.memory_space<vmem>>, vector<1x16xi32>,
      %get3A_301 = arith.index_cast %add3A_292 : i32 to index
      %get3A_302 = arith.constant 16 : index
      %get3A_303 = tpu.vector_load %arg12[%get3A_301, %get3A_302] {strides = array<i32>} : memref<125x80xi32, #tpu.memory_space<vmem>>, vector<1x16xi32>,
      %get3A_304 = vector.shape_cast %get3A_303 : vector<1x16xi32> to vector<16xi32>
      %add3A_305 = arith.addi %get3A_304, %broadcast_in_dim3A_41 : vector<16xi32>
      %swap3A_306 = arith.index_cast %add3A_292 : i32 to index
      %swap3A_307 = arith.constant 16 : index
      %swap3A_308 = tpu.vector_load %arg12[%swap3A_306, %swap3A_307] {strides = array<i32>} : memref<125x80xi32, #tpu.memory_space<vmem>>, vector<1x16xi32>,
      %swap3A_309 = vector.shape_cast %swap3A_308 : vector<1x16xi32> to vector<16xi32>
      %swap3A_310 = vector.shape_cast %add3A_305 : vector<16xi32> to vector<1x16xi32>
      tpu.vector_store %arg12[%swap3A_306, %swap3A_307], %swap3A_310 {strides = array<i32>} : memref<125x80xi32, #tpu.memory_space<vmem>>, vector<1x16xi32>,
      %get3A_311 = arith.index_cast %add3A_292 : i32 to index
      %get3A_312 = arith.constant 32 : index
      %get3A_313 = tpu.vector_load %arg12[%get3A_311, %get3A_312] {strides = array<i32>} : memref<125x80xi32, #tpu.memory_space<vmem>>, vector<1x16xi32>,
      %get3A_314 = vector.shape_cast %get3A_313 : vector<1x16xi32> to vector<16xi32>
      %add3A_315 = arith.addi %get3A_314, %broadcast_in_dim3A_41 : vector<16xi32>
      %swap3A_316 = arith.index_cast %add3A_292 : i32 to index
      %swap3A_317 = arith.constant 32 : index
      %swap3A_318 = tpu.vector_load %arg12[%swap3A_316, %swap3A_317] {strides = array<i32>} : memref<125x80xi32, #tpu.memory_space<vmem>>, vector<1x16xi32>,
      %swap3A_319 = vector.shape_cast %swap3A_318 : vector<1x16xi32> to vector<16xi32>
      %swap3A_320 = vector.shape_cast %add3A_315 : vector<16xi32> to vector<1x16xi32>
      tpu.vector_store %arg12[%swap3A_316, %swap3A_317], %swap3A_320 {strides = array<i32>} : memref<125x80xi32, #tpu.memory_space<vmem>>, vector<1x16xi32>,
      %get3A_321 = arith.index_cast %add3A_292 : i32 to index
      %get3A_322 = arith.constant 48 : index
      %get3A_323 = tpu.vector_load %arg12[%get3A_321, %get3A_322] {strides = array<i32>} : memref<125x80xi32, #tpu.memory_space<vmem>>, vector<1x16xi32>,
      %get3A_324 = vector.shape_cast %get3A_323 : vector<1x16xi32> to vector<16xi32>
      %add3A_325 = arith.addi %get3A_324, %broadcast_in_dim3A_41 : vector<16xi32>
      %swap3A_326 = arith.index_cast %add3A_292 : i32 to index
      %swap3A_327 = arith.constant 48 : index
      %swap3A_328 = tpu.vector_load %arg12[%swap3A_326, %swap3A_327] {strides = array<i32>} : memref<125x80xi32, #tpu.memory_space<vmem>>, vector<1x16xi32>,
      %swap3A_329 = vector.shape_cast %swap3A_328 : vector<1x16xi32> to vector<16xi32>
      %swap3A_330 = vector.shape_cast %add3A_325 : vector<16xi32> to vector<1x16xi32>
      tpu.vector_store %arg12[%swap3A_326, %swap3A_327], %swap3A_330 {strides = array<i32>} : memref<125x80xi32, #tpu.memory_space<vmem>>, vector<1x16xi32>,
      %get3A_331 = arith.index_cast %add3A_292 : i32 to index
      %get3A_332 = arith.constant 64 : index
      %get3A_333 = tpu.vector_load %arg12[%get3A_331, %get3A_332] {strides = array<i32>} : memref<125x80xi32, #tpu.memory_space<vmem>>, vector<1x16xi32>,
      %get3A_334 = vector.shape_cast %get3A_333 : vector<1x16xi32> to vector<16xi32>
      %add3A_335 = arith.addi %get3A_334, %broadcast_in_dim3A_41 : vector<16xi32>
      %swap3A_336 = arith.index_cast %add3A_292 : i32 to index
      %swap3A_337 = arith.constant 64 : index
      %swap3A_338 = tpu.vector_load %arg12[%swap3A_336, %swap3A_337] {strides = array<i32>} : memref<125x80xi32, #tpu.memory_space<vmem>>, vector<1x16xi32>,
      %swap3A_339 = vector.shape_cast %swap3A_338 : vector<1x16xi32> to vector<16xi32>
      %swap3A_340 = vector.shape_cast %add3A_335 : vector<16xi32> to vector<1x16xi32>
      tpu.vector_store %arg12[%swap3A_336, %swap3A_337], %swap3A_340 {strides = array<i32>} : memref<125x80xi32, #tpu.memory_space<vmem>>, vector<1x16xi32>,
    }
    %scan3A_46 = arith.constant 125 : i32
    %scan3A_47 = arith.constant 0 : i32
    %scan3A_48 = arith.constant 128 : i32
    %scan3A_49 = arith.addi %scan3A_47, %scan3A_48 : i32
    %scan3A_50 = arith.constant 1 : i32
    scf.for %scan3A_288 = %scan3A_47 to %scan3A_49 step %scan3A_50  : i32 {
      %mul3A_289 = arith.constant 1 : i32
      %mul3A_290 = arith.muli %scan3A_288, %mul3A_289 : i32
      %add3A_291 = arith.constant 0 : i32
      %add3A_292 = arith.addi %add3A_291, %mul3A_290 : i32
      %swap3A = arith.index_cast %add3A_292 : i32 to index
      %swap3A_293 = arith.constant 0 : index
      %swap3A_294 = tpu.vector_load %arg16[%swap3A, %swap3A_293] {strides = array<i32>} : memref<128x64xf32, #tpu.memory_space<vmem>>, vector<1x16xf32>,
      %swap3A_295 = vector.shape_cast %swap3A_294 : vector<1x16xf32> to vector<16xf32>
      %swap3A_296 = vector.shape_cast %broadcast_in_dim3A_1 : vector<16xf32> to vector<1x16xf32>
      tpu.vector_store %arg16[%swap3A, %swap3A_293], %swap3A_296 {strides = array<i32>} : memref<128x64xf32, #tpu.memory_space<vmem>>, vector<1x16xf32>,
      %swap3A_297 = arith.index_cast %add3A_292 : i32 to index
      %swap3A_298 = arith.constant 16 : index
      %swap3A_299 = tpu.vector_load %arg16[%swap3A_297, %swap3A_298] {strides = array<i32>} : memref<128x64xf32, #tpu.memory_space<vmem>>, vector<1x16xf32>,
      %swap3A_300 = vector.shape_cast %swap3A_299 : vector<1x16xf32> to vector<16xf32>
      %swap3A_301 = vector.shape_cast %broadcast_in_dim3A_1 : vector<16xf32> to vector<1x16xf32>
      tpu.vector_store %arg16[%swap3A_297, %swap3A_298], %swap3A_301 {strides = array<i32>} : memref<128x64xf32, #tpu.memory_space<vmem>>, vector<1x16xf32>,
      %swap3A_302 = arith.index_cast %add3A_292 : i32 to index
      %swap3A_303 = arith.constant 32 : index
      %swap3A_304 = tpu.vector_load %arg16[%swap3A_302, %swap3A_303] {strides = array<i32>} : memref<128x64xf32, #tpu.memory_space<vmem>>, vector<1x16xf32>,
      %swap3A_305 = vector.shape_cast %swap3A_304 : vector<1x16xf32> to vector<16xf32>
      %swap3A_306 = vector.shape_cast %broadcast_in_dim3A_1 : vector<16xf32> to vector<1x16xf32>
      tpu.vector_store %arg16[%swap3A_302, %swap3A_303], %swap3A_306 {strides = array<i32>} : memref<128x64xf32, #tpu.memory_space<vmem>>, vector<1x16xf32>,
      %swap3A_307 = arith.index_cast %add3A_292 : i32 to index
      %swap3A_308 = arith.constant 48 : index
      %swap3A_309 = tpu.vector_load %arg16[%swap3A_307, %swap3A_308] {strides = array<i32>} : memref<128x64xf32, #tpu.memory_space<vmem>>, vector<1x16xf32>,
      %swap3A_310 = vector.shape_cast %swap3A_309 : vector<1x16xf32> to vector<16xf32>
      %swap3A_311 = vector.shape_cast %broadcast_in_dim3A_1 : vector<16xf32> to vector<1x16xf32>
      tpu.vector_store %arg16[%swap3A_307, %swap3A_308], %swap3A_311 {strides = array<i32>} : memref<128x64xf32, #tpu.memory_space<vmem>>, vector<1x16xf32>,
    }
    %scan3A_51 = arith.constant 128 : i32
    %add3A_52 = arith.constant 0 : i32
    %add3A_53 = arith.addi %mul3A_0, %add3A_52 : i32
    "tpu.region"() ({
      %run_scoped3A = tpu.sem_alloc : memref<!tpu.dma_semaphore, #tpu.memory_space<semaphore_mem>>
      %dma_start3A_288 = arith.constant 0 : i32
      %dma_start3A_289 = tpu.memref_slice %arg8[%add3A_53, %dma_start3A_288] : memref<10240x64xf32, #tpu.memory_space<vmem_shared>> -> memref<128x64xf32, #tpu.memory_space<vmem_shared>>
      %dma_start3A_290 = arith.constant 0 : i32
      %dma_start3A_291 = tpu.memref_slice %arg8[%add3A_53, %dma_start3A_290] : memref<10240x64xf32, #tpu.memory_space<vmem_shared>> -> memref<128x64xf32, #tpu.memory_space<vmem_shared>>
      tpu.enqueue_dma source(%arg16 : memref<128x64xf32, #tpu.memory_space<vmem>>) target(%dma_start3A_291 : memref<128x64xf32, #tpu.memory_space<vmem_shared>>) target_semaphore(%run_scoped3A : memref<!tpu.dma_semaphore, #tpu.memory_space<semaphore_mem>>)
      %dma_wait3A_292 = arith.constant 0 : i32
      %dma_wait3A_293 = tpu.memref_slice %arg8[%add3A_53, %dma_wait3A_292] : memref<10240x64xf32, #tpu.memory_space<vmem_shared>> -> memref<128x64xf32, #tpu.memory_space<vmem_shared>>
      %dma_wait3A_294 = arith.constant 0 : i32
      %dma_wait3A_295 = tpu.memref_slice %arg8[%add3A_53, %dma_wait3A_294] : memref<10240x64xf32, #tpu.memory_space<vmem_shared>> -> memref<128x64xf32, #tpu.memory_space<vmem_shared>>
      tpu.wait_dma2 semaphore(%run_scoped3A : memref<!tpu.dma_semaphore, #tpu.memory_space<semaphore_mem>>) src(%arg16 : memref<128x64xf32, #tpu.memory_space<vmem>>) dst(%dma_wait3A_295 : memref<128x64xf32, #tpu.memory_space<vmem_shared>>)
      tpu.yield
    }) : () -> ()
    %add3A_54 = arith.constant 128 : i32
    %add3A_55 = arith.addi %mul3A_0, %add3A_54 : i32
    "tpu.region"() ({
      %run_scoped3A = tpu.sem_alloc : memref<!tpu.dma_semaphore, #tpu.memory_space<semaphore_mem>>
      %dma_start3A_288 = arith.constant 0 : i32
      %dma_start3A_289 = tpu.memref_slice %arg8[%add3A_55, %dma_start3A_288] : memref<10240x64xf32, #tpu.memory_space<vmem_shared>> -> memref<128x64xf32, #tpu.memory_space<vmem_shared>>
      %dma_start3A_290 = arith.constant 0 : i32
      %dma_start3A_291 = tpu.memref_slice %arg8[%add3A_55, %dma_start3A_290] : memref<10240x64xf32, #tpu.memory_space<vmem_shared>> -> memref<128x64xf32, #tpu.memory_space<vmem_shared>>
      tpu.enqueue_dma source(%arg16 : memref<128x64xf32, #tpu.memory_space<vmem>>) target(%dma_start3A_291 : memref<128x64xf32, #tpu.memory_space<vmem_shared>>) target_semaphore(%run_scoped3A : memref<!tpu.dma_semaphore, #tpu.memory_space<semaphore_mem>>)
      %dma_wait3A_292 = arith.constant 0 : i32
      %dma_wait3A_293 = tpu.memref_slice %arg8[%add3A_55, %dma_wait3A_292] : memref<10240x64xf32, #tpu.memory_space<vmem_shared>> -> memref<128x64xf32, #tpu.memory_space<vmem_shared>>
      %dma_wait3A_294 = arith.constant 0 : i32
      %dma_wait3A_295 = tpu.memref_slice %arg8[%add3A_55, %dma_wait3A_294] : memref<10240x64xf32, #tpu.memory_space<vmem_shared>> -> memref<128x64xf32, #tpu.memory_space<vmem_shared>>
      tpu.wait_dma2 semaphore(%run_scoped3A : memref<!tpu.dma_semaphore, #tpu.memory_space<semaphore_mem>>) src(%arg16 : memref<128x64xf32, #tpu.memory_space<vmem>>) dst(%dma_wait3A_295 : memref<128x64xf32, #tpu.memory_space<vmem_shared>>)
      tpu.yield
    }) : () -> ()
    %add3A_56 = arith.constant 256 : i32
    %add3A_57 = arith.addi %mul3A_0, %add3A_56 : i32
    "tpu.region"() ({
      %run_scoped3A = tpu.sem_alloc : memref<!tpu.dma_semaphore, #tpu.memory_space<semaphore_mem>>
      %dma_start3A_288 = arith.constant 0 : i32
      %dma_start3A_289 = tpu.memref_slice %arg8[%add3A_57, %dma_start3A_288] : memref<10240x64xf32, #tpu.memory_space<vmem_shared>> -> memref<128x64xf32, #tpu.memory_space<vmem_shared>>
      %dma_start3A_290 = arith.constant 0 : i32
      %dma_start3A_291 = tpu.memref_slice %arg8[%add3A_57, %dma_start3A_290] : memref<10240x64xf32, #tpu.memory_space<vmem_shared>> -> memref<128x64xf32, #tpu.memory_space<vmem_shared>>
      tpu.enqueue_dma source(%arg16 : memref<128x64xf32, #tpu.memory_space<vmem>>) target(%dma_start3A_291 : memref<128x64xf32, #tpu.memory_space<vmem_shared>>) target_semaphore(%run_scoped3A : memref<!tpu.dma_semaphore, #tpu.memory_space<semaphore_mem>>)
      %dma_wait3A_292 = arith.constant 0 : i32
      %dma_wait3A_293 = tpu.memref_slice %arg8[%add3A_57, %dma_wait3A_292] : memref<10240x64xf32, #tpu.memory_space<vmem_shared>> -> memref<128x64xf32, #tpu.memory_space<vmem_shared>>
      %dma_wait3A_294 = arith.constant 0 : i32
      %dma_wait3A_295 = tpu.memref_slice %arg8[%add3A_57, %dma_wait3A_294] : memref<10240x64xf32, #tpu.memory_space<vmem_shared>> -> memref<128x64xf32, #tpu.memory_space<vmem_shared>>
      tpu.wait_dma2 semaphore(%run_scoped3A : memref<!tpu.dma_semaphore, #tpu.memory_space<semaphore_mem>>) src(%arg16 : memref<128x64xf32, #tpu.memory_space<vmem>>) dst(%dma_wait3A_295 : memref<128x64xf32, #tpu.memory_space<vmem_shared>>)
      tpu.yield
    }) : () -> ()
    %add3A_58 = arith.constant 384 : i32
    %add3A_59 = arith.addi %mul3A_0, %add3A_58 : i32
    "tpu.region"() ({
      %run_scoped3A = tpu.sem_alloc : memref<!tpu.dma_semaphore, #tpu.memory_space<semaphore_mem>>
      %dma_start3A_288 = arith.constant 0 : i32
      %dma_start3A_289 = tpu.memref_slice %arg8[%add3A_59, %dma_start3A_288] : memref<10240x64xf32, #tpu.memory_space<vmem_shared>> -> memref<128x64xf32, #tpu.memory_space<vmem_shared>>
      %dma_start3A_290 = arith.constant 0 : i32
      %dma_start3A_291 = tpu.memref_slice %arg8[%add3A_59, %dma_start3A_290] : memref<10240x64xf32, #tpu.memory_space<vmem_shared>> -> memref<128x64xf32, #tpu.memory_space<vmem_shared>>
      tpu.enqueue_dma source(%arg16 : memref<128x64xf32, #tpu.memory_space<vmem>>) target(%dma_start3A_291 : memref<128x64xf32, #tpu.memory_space<vmem_shared>>) target_semaphore(%run_scoped3A : memref<!tpu.dma_semaphore, #tpu.memory_space<semaphore_mem>>)
      %dma_wait3A_292 = arith.constant 0 : i32
      %dma_wait3A_293 = tpu.memref_slice %arg8[%add3A_59, %dma_wait3A_292] : memref<10240x64xf32, #tpu.memory_space<vmem_shared>> -> memref<128x64xf32, #tpu.memory_space<vmem_shared>>
      %dma_wait3A_294 = arith.constant 0 : i32
      %dma_wait3A_295 = tpu.memref_slice %arg8[%add3A_59, %dma_wait3A_294] : memref<10240x64xf32, #tpu.memory_space<vmem_shared>> -> memref<128x64xf32, #tpu.memory_space<vmem_shared>>
      tpu.wait_dma2 semaphore(%run_scoped3A : memref<!tpu.dma_semaphore, #tpu.memory_space<semaphore_mem>>) src(%arg16 : memref<128x64xf32, #tpu.memory_space<vmem>>) dst(%dma_wait3A_295 : memref<128x64xf32, #tpu.memory_space<vmem_shared>>)
      tpu.yield
    }) : () -> ()
    %add3A_60 = arith.constant 512 : i32
    %add3A_61 = arith.addi %mul3A_0, %add3A_60 : i32
    "tpu.region"() ({
      %run_scoped3A = tpu.sem_alloc : memref<!tpu.dma_semaphore, #tpu.memory_space<semaphore_mem>>
      %dma_start3A_288 = arith.constant 0 : i32
      %dma_start3A_289 = tpu.memref_slice %arg8[%add3A_61, %dma_start3A_288] : memref<10240x64xf32, #tpu.memory_space<vmem_shared>> -> memref<128x64xf32, #tpu.memory_space<vmem_shared>>
      %dma_start3A_290 = arith.constant 0 : i32
      %dma_start3A_291 = tpu.memref_slice %arg8[%add3A_61, %dma_start3A_290] : memref<10240x64xf32, #tpu.memory_space<vmem_shared>> -> memref<128x64xf32, #tpu.memory_space<vmem_shared>>
      tpu.enqueue_dma source(%arg16 : memref<128x64xf32, #tpu.memory_space<vmem>>) target(%dma_start3A_291 : memref<128x64xf32, #tpu.memory_space<vmem_shared>>) target_semaphore(%run_scoped3A : memref<!tpu.dma_semaphore, #tpu.memory_space<semaphore_mem>>)
      %dma_wait3A_292 = arith.constant 0 : i32
      %dma_wait3A_293 = tpu.memref_slice %arg8[%add3A_61, %dma_wait3A_292] : memref<10240x64xf32, #tpu.memory_space<vmem_shared>> -> memref<128x64xf32, #tpu.memory_space<vmem_shared>>
      %dma_wait3A_294 = arith.constant 0 : i32
      %dma_wait3A_295 = tpu.memref_slice %arg8[%add3A_61, %dma_wait3A_294] : memref<10240x64xf32, #tpu.memory_space<vmem_shared>> -> memref<128x64xf32, #tpu.memory_space<vmem_shared>>
      tpu.wait_dma2 semaphore(%run_scoped3A : memref<!tpu.dma_semaphore, #tpu.memory_space<semaphore_mem>>) src(%arg16 : memref<128x64xf32, #tpu.memory_space<vmem>>) dst(%dma_wait3A_295 : memref<128x64xf32, #tpu.memory_space<vmem_shared>>)
      tpu.yield
    }) : () -> ()
    %add3A_62 = arith.constant 0 : i32
    %add3A_63 = arith.addi %mul3A_0, %add3A_62 : i32
    "tpu.region"() ({
      %run_scoped3A = tpu.sem_alloc : memref<!tpu.dma_semaphore, #tpu.memory_space<semaphore_mem>>
      %dma_start3A_288 = arith.constant 0 : i32
      %dma_start3A_289 = tpu.memref_slice %arg2[%add3A_38, %add3A_63, %dma_start3A_288] : memref<4x10240x64xf32, #tpu.memory_space<hbm>> -> memref<1x128x64xf32, #tpu.memory_space<hbm>>
      %dma_start3A_290 = tpu.memref_squeeze %dma_start3A_289 : memref<1x128x64xf32, #tpu.memory_space<hbm>> -> memref<128x64xf32, #tpu.memory_space<hbm>>
      %dma_start3A_291 = arith.constant 0 : i32
      %dma_start3A_292 = tpu.memref_slice %arg2[%add3A_38, %add3A_63, %dma_start3A_291] : memref<4x10240x64xf32, #tpu.memory_space<hbm>> -> memref<1x128x64xf32, #tpu.memory_space<hbm>>
      %dma_start3A_293 = tpu.memref_squeeze %dma_start3A_292 : memref<1x128x64xf32, #tpu.memory_space<hbm>> -> memref<128x64xf32, #tpu.memory_space<hbm>>
      tpu.enqueue_dma source(%dma_start3A_293 : memref<128x64xf32, #tpu.memory_space<hbm>>) target(%arg16 : memref<128x64xf32, #tpu.memory_space<vmem>>) target_semaphore(%run_scoped3A : memref<!tpu.dma_semaphore, #tpu.memory_space<semaphore_mem>>)
      %dma_wait3A_294 = arith.constant 0 : i32
      %dma_wait3A_295 = tpu.memref_slice %arg2[%add3A_38, %add3A_63, %dma_wait3A_294] : memref<4x10240x64xf32, #tpu.memory_space<hbm>> -> memref<1x128x64xf32, #tpu.memory_space<hbm>>
      %dma_wait3A_296 = tpu.memref_squeeze %dma_wait3A_295 : memref<1x128x64xf32, #tpu.memory_space<hbm>> -> memref<128x64xf32, #tpu.memory_space<hbm>>
      %dma_wait3A_297 = arith.constant 0 : i32
      %dma_wait3A_298 = tpu.memref_slice %arg2[%add3A_38, %add3A_63, %dma_wait3A_297] : memref<4x10240x64xf32, #tpu.memory_space<hbm>> -> memref<1x128x64xf32, #tpu.memory_space<hbm>>
      %dma_wait3A_299 = tpu.memref_squeeze %dma_wait3A_298 : memref<1x128x64xf32, #tpu.memory_space<hbm>> -> memref<128x64xf32, #tpu.memory_space<hbm>>
      tpu.wait_dma2 semaphore(%run_scoped3A : memref<!tpu.dma_semaphore, #tpu.memory_space<semaphore_mem>>) src(%dma_wait3A_299 : memref<128x64xf32, #tpu.memory_space<hbm>>) dst(%arg16 : memref<128x64xf32, #tpu.memory_space<vmem>>)
      tpu.yield
    }) : () -> ()
    %scan3A_64 = arith.constant 0 : i32
    %scan3A_65 = arith.constant 128 : i32
    %scan3A_66 = arith.addi %scan3A_64, %scan3A_65 : i32
    %scan3A_67 = arith.constant 1 : i32
    scf.for %scan3A_288 = %scan3A_64 to %scan3A_66 step %scan3A_67  : i32 {
      %mul3A_289 = arith.constant 1 : i32
      %mul3A_290 = arith.muli %scan3A_288, %mul3A_289 : i32
      %add3A_291 = arith.constant 0 : i32
      %add3A_292 = arith.addi %add3A_291, %mul3A_290 : i32
      %add3A_293 = arith.constant 0 : i32
      %add3A_294 = arith.addi %add3A_293, %add3A_292 : i32
      %get3A = arith.index_cast %add3A_294 : i32 to index
      %get3A_295 = arith.constant 0 : index
      %get3A_296 = tpu.vector_load %arg15[%get3A, %get3A_295] {strides = array<i32>} : memref<640x16xf32, #tpu.memory_space<vmem>>, vector<1x16xf32>,
      %get3A_297 = vector.shape_cast %get3A_296 : vector<1x16xf32> to vector<16xf32>
      %slice3A = vector.extract_strided_slice %get3A_297 {offsets = [0], sizes = [1], strides = [1]} : vector<16xf32> to vector<1xf32>
      %squeeze3A = vector.extract %slice3A[0] : f32 from vector<1xf32>
      %broadcast_in_dim3A_298 = vector.broadcast %squeeze3A : f32 to vector<16xf32>
      %get3A_299 = arith.index_cast %add3A_292 : i32 to index
      %get3A_300 = arith.constant 0 : index
      %get3A_301 = tpu.vector_load %arg16[%get3A_299, %get3A_300] {strides = array<i32>} : memref<128x64xf32, #tpu.memory_space<vmem>>, vector<1x16xf32>,
      %get3A_302 = vector.shape_cast %get3A_301 : vector<1x16xf32> to vector<16xf32>
      %mul3A_303 = arith.mulf %get3A_302, %broadcast_in_dim3A_298 : vector<16xf32>
      %swap3A = arith.index_cast %add3A_292 : i32 to index
      %swap3A_304 = arith.constant 0 : index
      %swap3A_305 = tpu.vector_load %arg16[%swap3A, %swap3A_304] {strides = array<i32>} : memref<128x64xf32, #tpu.memory_space<vmem>>, vector<1x16xf32>,
      %swap3A_306 = vector.shape_cast %swap3A_305 : vector<1x16xf32> to vector<16xf32>
      %swap3A_307 = vector.shape_cast %mul3A_303 : vector<16xf32> to vector<1x16xf32>
      tpu.vector_store %arg16[%swap3A, %swap3A_304], %swap3A_307 {strides = array<i32>} : memref<128x64xf32, #tpu.memory_space<vmem>>, vector<1x16xf32>,
      %get3A_308 = arith.index_cast %add3A_292 : i32 to index
      %get3A_309 = arith.constant 16 : index
      %get3A_310 = tpu.vector_load %arg16[%get3A_308, %get3A_309] {strides = array<i32>} : memref<128x64xf32, #tpu.memory_space<vmem>>, vector<1x16xf32>,
      %get3A_311 = vector.shape_cast %get3A_310 : vector<1x16xf32> to vector<16xf32>
      %mul3A_312 = arith.mulf %get3A_311, %broadcast_in_dim3A_298 : vector<16xf32>
      %swap3A_313 = arith.index_cast %add3A_292 : i32 to index
      %swap3A_314 = arith.constant 16 : index
      %swap3A_315 = tpu.vector_load %arg16[%swap3A_313, %swap3A_314] {strides = array<i32>} : memref<128x64xf32, #tpu.memory_space<vmem>>, vector<1x16xf32>,
      %swap3A_316 = vector.shape_cast %swap3A_315 : vector<1x16xf32> to vector<16xf32>
      %swap3A_317 = vector.shape_cast %mul3A_312 : vector<16xf32> to vector<1x16xf32>
      tpu.vector_store %arg16[%swap3A_313, %swap3A_314], %swap3A_317 {strides = array<i32>} : memref<128x64xf32, #tpu.memory_space<vmem>>, vector<1x16xf32>,
      %get3A_318 = arith.index_cast %add3A_292 : i32 to index
      %get3A_319 = arith.constant 32 : index
      %get3A_320 = tpu.vector_load %arg16[%get3A_318, %get3A_319] {strides = array<i32>} : memref<128x64xf32, #tpu.memory_space<vmem>>, vector<1x16xf32>,
      %get3A_321 = vector.shape_cast %get3A_320 : vector<1x16xf32> to vector<16xf32>
      %mul3A_322 = arith.mulf %get3A_321, %broadcast_in_dim3A_298 : vector<16xf32>
      %swap3A_323 = arith.index_cast %add3A_292 : i32 to index
      %swap3A_324 = arith.constant 32 : index
      %swap3A_325 = tpu.vector_load %arg16[%swap3A_323, %swap3A_324] {strides = array<i32>} : memref<128x64xf32, #tpu.memory_space<vmem>>, vector<1x16xf32>,
      %swap3A_326 = vector.shape_cast %swap3A_325 : vector<1x16xf32> to vector<16xf32>
      %swap3A_327 = vector.shape_cast %mul3A_322 : vector<16xf32> to vector<1x16xf32>
      tpu.vector_store %arg16[%swap3A_323, %swap3A_324], %swap3A_327 {strides = array<i32>} : memref<128x64xf32, #tpu.memory_space<vmem>>, vector<1x16xf32>,
      %get3A_328 = arith.index_cast %add3A_292 : i32 to index
      %get3A_329 = arith.constant 48 : index
      %get3A_330 = tpu.vector_load %arg16[%get3A_328, %get3A_329] {strides = array<i32>} : memref<128x64xf32, #tpu.memory_space<vmem>>, vector<1x16xf32>,
      %get3A_331 = vector.shape_cast %get3A_330 : vector<1x16xf32> to vector<16xf32>
      %mul3A_332 = arith.mulf %get3A_331, %broadcast_in_dim3A_298 : vector<16xf32>
      %swap3A_333 = arith.index_cast %add3A_292 : i32 to index
      %swap3A_334 = arith.constant 48 : index
      %swap3A_335 = tpu.vector_load %arg16[%swap3A_333, %swap3A_334] {strides = array<i32>} : memref<128x64xf32, #tpu.memory_space<vmem>>, vector<1x16xf32>,
      %swap3A_336 = vector.shape_cast %swap3A_335 : vector<1x16xf32> to vector<16xf32>
      %swap3A_337 = vector.shape_cast %mul3A_332 : vector<16xf32> to vector<1x16xf32>
      tpu.vector_store %arg16[%swap3A_333, %swap3A_334], %swap3A_337 {strides = array<i32>} : memref<128x64xf32, #tpu.memory_space<vmem>>, vector<1x16xf32>,
    }
    %scan3A_68 = arith.constant 128 : i32
    %add3A_69 = arith.addi %mul3A_40, %add3A_63 : i32
    "tpu.region"() ({
      %run_scoped3A = tpu.sem_alloc : memref<!tpu.dma_semaphore, #tpu.memory_space<semaphore_mem>>
      %dma_start3A_288 = arith.constant 0 : i32
      %dma_start3A_289 = tpu.memref_slice %arg7[%add3A_69, %dma_start3A_288] : memref<40960x64xf32, #tpu.memory_space<hbm>> -> memref<128x64xf32, #tpu.memory_space<hbm>>
      %dma_start3A_290 = arith.constant 0 : i32
      %dma_start3A_291 = tpu.memref_slice %arg7[%add3A_69, %dma_start3A_290] : memref<40960x64xf32, #tpu.memory_space<hbm>> -> memref<128x64xf32, #tpu.memory_space<hbm>>
      tpu.enqueue_dma source(%arg16 : memref<128x64xf32, #tpu.memory_space<vmem>>) target(%dma_start3A_291 : memref<128x64xf32, #tpu.memory_space<hbm>>) target_semaphore(%run_scoped3A : memref<!tpu.dma_semaphore, #tpu.memory_space<semaphore_mem>>)
      %dma_wait3A_292 = arith.constant 0 : i32
      %dma_wait3A_293 = tpu.memref_slice %arg7[%add3A_69, %dma_wait3A_292] : memref<40960x64xf32, #tpu.memory_space<hbm>> -> memref<128x64xf32, #tpu.memory_space<hbm>>
      %dma_wait3A_294 = arith.constant 0 : i32
      %dma_wait3A_295 = tpu.memref_slice %arg7[%add3A_69, %dma_wait3A_294] : memref<40960x64xf32, #tpu.memory_space<hbm>> -> memref<128x64xf32, #tpu.memory_space<hbm>>
      tpu.wait_dma2 semaphore(%run_scoped3A : memref<!tpu.dma_semaphore, #tpu.memory_space<semaphore_mem>>) src(%arg16 : memref<128x64xf32, #tpu.memory_space<vmem>>) dst(%dma_wait3A_295 : memref<128x64xf32, #tpu.memory_space<hbm>>)
      tpu.yield
    }) : () -> ()
    %add3A_70 = arith.constant 128 : i32
    %add3A_71 = arith.addi %mul3A_0, %add3A_70 : i32
    "tpu.region"() ({
      %run_scoped3A = tpu.sem_alloc : memref<!tpu.dma_semaphore, #tpu.memory_space<semaphore_mem>>
      %dma_start3A_288 = arith.constant 0 : i32
      %dma_start3A_289 = tpu.memref_slice %arg2[%add3A_38, %add3A_71, %dma_start3A_288] : memref<4x10240x64xf32, #tpu.memory_space<hbm>> -> memref<1x128x64xf32, #tpu.memory_space<hbm>>
      %dma_start3A_290 = tpu.memref_squeeze %dma_start3A_289 : memref<1x128x64xf32, #tpu.memory_space<hbm>> -> memref<128x64xf32, #tpu.memory_space<hbm>>
      %dma_start3A_291 = arith.constant 0 : i32
      %dma_start3A_292 = tpu.memref_slice %arg2[%add3A_38, %add3A_71, %dma_start3A_291] : memref<4x10240x64xf32, #tpu.memory_space<hbm>> -> memref<1x128x64xf32, #tpu.memory_space<hbm>>
      %dma_start3A_293 = tpu.memref_squeeze %dma_start3A_292 : memref<1x128x64xf32, #tpu.memory_space<hbm>> -> memref<128x64xf32, #tpu.memory_space<hbm>>
      tpu.enqueue_dma source(%dma_start3A_293 : memref<128x64xf32, #tpu.memory_space<hbm>>) target(%arg16 : memref<128x64xf32, #tpu.memory_space<vmem>>) target_semaphore(%run_scoped3A : memref<!tpu.dma_semaphore, #tpu.memory_space<semaphore_mem>>)
      %dma_wait3A_294 = arith.constant 0 : i32
      %dma_wait3A_295 = tpu.memref_slice %arg2[%add3A_38, %add3A_71, %dma_wait3A_294] : memref<4x10240x64xf32, #tpu.memory_space<hbm>> -> memref<1x128x64xf32, #tpu.memory_space<hbm>>
      %dma_wait3A_296 = tpu.memref_squeeze %dma_wait3A_295 : memref<1x128x64xf32, #tpu.memory_space<hbm>> -> memref<128x64xf32, #tpu.memory_space<hbm>>
      %dma_wait3A_297 = arith.constant 0 : i32
      %dma_wait3A_298 = tpu.memref_slice %arg2[%add3A_38, %add3A_71, %dma_wait3A_297] : memref<4x10240x64xf32, #tpu.memory_space<hbm>> -> memref<1x128x64xf32, #tpu.memory_space<hbm>>
      %dma_wait3A_299 = tpu.memref_squeeze %dma_wait3A_298 : memref<1x128x64xf32, #tpu.memory_space<hbm>> -> memref<128x64xf32, #tpu.memory_space<hbm>>
      tpu.wait_dma2 semaphore(%run_scoped3A : memref<!tpu.dma_semaphore, #tpu.memory_space<semaphore_mem>>) src(%dma_wait3A_299 : memref<128x64xf32, #tpu.memory_space<hbm>>) dst(%arg16 : memref<128x64xf32, #tpu.memory_space<vmem>>)
      tpu.yield
    }) : () -> ()
    %scan3A_72 = arith.constant 0 : i32
    %scan3A_73 = arith.constant 128 : i32
    %scan3A_74 = arith.addi %scan3A_72, %scan3A_73 : i32
    %scan3A_75 = arith.constant 1 : i32
    scf.for %scan3A_288 = %scan3A_72 to %scan3A_74 step %scan3A_75  : i32 {
      %mul3A_289 = arith.constant 1 : i32
      %mul3A_290 = arith.muli %scan3A_288, %mul3A_289 : i32
      %add3A_291 = arith.constant 0 : i32
      %add3A_292 = arith.addi %add3A_291, %mul3A_290 : i32
      %add3A_293 = arith.constant 128 : i32
      %add3A_294 = arith.addi %add3A_293, %add3A_292 : i32
      %get3A = arith.index_cast %add3A_294 : i32 to index
      %get3A_295 = arith.constant 0 : index
      %get3A_296 = tpu.vector_load %arg15[%get3A, %get3A_295] {strides = array<i32>} : memref<640x16xf32, #tpu.memory_space<vmem>>, vector<1x16xf32>,
      %get3A_297 = vector.shape_cast %get3A_296 : vector<1x16xf32> to vector<16xf32>
      %slice3A = vector.extract_strided_slice %get3A_297 {offsets = [0], sizes = [1], strides = [1]} : vector<16xf32> to vector<1xf32>
      %squeeze3A = vector.extract %slice3A[0] : f32 from vector<1xf32>
      %broadcast_in_dim3A_298 = vector.broadcast %squeeze3A : f32 to vector<16xf32>
      %get3A_299 = arith.index_cast %add3A_292 : i32 to index
      %get3A_300 = arith.constant 0 : index
      %get3A_301 = tpu.vector_load %arg16[%get3A_299, %get3A_300] {strides = array<i32>} : memref<128x64xf32, #tpu.memory_space<vmem>>, vector<1x16xf32>,
      %get3A_302 = vector.shape_cast %get3A_301 : vector<1x16xf32> to vector<16xf32>
      %mul3A_303 = arith.mulf %get3A_302, %broadcast_in_dim3A_298 : vector<16xf32>
      %swap3A = arith.index_cast %add3A_292 : i32 to index
      %swap3A_304 = arith.constant 0 : index
      %swap3A_305 = tpu.vector_load %arg16[%swap3A, %swap3A_304] {strides = array<i32>} : memref<128x64xf32, #tpu.memory_space<vmem>>, vector<1x16xf32>,
      %swap3A_306 = vector.shape_cast %swap3A_305 : vector<1x16xf32> to vector<16xf32>
      %swap3A_307 = vector.shape_cast %mul3A_303 : vector<16xf32> to vector<1x16xf32>
      tpu.vector_store %arg16[%swap3A, %swap3A_304], %swap3A_307 {strides = array<i32>} : memref<128x64xf32, #tpu.memory_space<vmem>>, vector<1x16xf32>,
      %get3A_308 = arith.index_cast %add3A_292 : i32 to index
      %get3A_309 = arith.constant 16 : index
      %get3A_310 = tpu.vector_load %arg16[%get3A_308, %get3A_309] {strides = array<i32>} : memref<128x64xf32, #tpu.memory_space<vmem>>, vector<1x16xf32>,
      %get3A_311 = vector.shape_cast %get3A_310 : vector<1x16xf32> to vector<16xf32>
      %mul3A_312 = arith.mulf %get3A_311, %broadcast_in_dim3A_298 : vector<16xf32>
      %swap3A_313 = arith.index_cast %add3A_292 : i32 to index
      %swap3A_314 = arith.constant 16 : index
      %swap3A_315 = tpu.vector_load %arg16[%swap3A_313, %swap3A_314] {strides = array<i32>} : memref<128x64xf32, #tpu.memory_space<vmem>>, vector<1x16xf32>,
      %swap3A_316 = vector.shape_cast %swap3A_315 : vector<1x16xf32> to vector<16xf32>
      %swap3A_317 = vector.shape_cast %mul3A_312 : vector<16xf32> to vector<1x16xf32>
      tpu.vector_store %arg16[%swap3A_313, %swap3A_314], %swap3A_317 {strides = array<i32>} : memref<128x64xf32, #tpu.memory_space<vmem>>, vector<1x16xf32>,
      %get3A_318 = arith.index_cast %add3A_292 : i32 to index
      %get3A_319 = arith.constant 32 : index
      %get3A_320 = tpu.vector_load %arg16[%get3A_318, %get3A_319] {strides = array<i32>} : memref<128x64xf32, #tpu.memory_space<vmem>>, vector<1x16xf32>,
      %get3A_321 = vector.shape_cast %get3A_320 : vector<1x16xf32> to vector<16xf32>
      %mul3A_322 = arith.mulf %get3A_321, %broadcast_in_dim3A_298 : vector<16xf32>
      %swap3A_323 = arith.index_cast %add3A_292 : i32 to index
      %swap3A_324 = arith.constant 32 : index
      %swap3A_325 = tpu.vector_load %arg16[%swap3A_323, %swap3A_324] {strides = array<i32>} : memref<128x64xf32, #tpu.memory_space<vmem>>, vector<1x16xf32>,
      %swap3A_326 = vector.shape_cast %swap3A_325 : vector<1x16xf32> to vector<16xf32>
      %swap3A_327 = vector.shape_cast %mul3A_322 : vector<16xf32> to vector<1x16xf32>
      tpu.vector_store %arg16[%swap3A_323, %swap3A_324], %swap3A_327 {strides = array<i32>} : memref<128x64xf32, #tpu.memory_space<vmem>>, vector<1x16xf32>,
      %get3A_328 = arith.index_cast %add3A_292 : i32 to index
      %get3A_329 = arith.constant 48 : index
      %get3A_330 = tpu.vector_load %arg16[%get3A_328, %get3A_329] {strides = array<i32>} : memref<128x64xf32, #tpu.memory_space<vmem>>, vector<1x16xf32>,
      %get3A_331 = vector.shape_cast %get3A_330 : vector<1x16xf32> to vector<16xf32>
      %mul3A_332 = arith.mulf %get3A_331, %broadcast_in_dim3A_298 : vector<16xf32>
      %swap3A_333 = arith.index_cast %add3A_292 : i32 to index
      %swap3A_334 = arith.constant 48 : index
      %swap3A_335 = tpu.vector_load %arg16[%swap3A_333, %swap3A_334] {strides = array<i32>} : memref<128x64xf32, #tpu.memory_space<vmem>>, vector<1x16xf32>,
      %swap3A_336 = vector.shape_cast %swap3A_335 : vector<1x16xf32> to vector<16xf32>
      %swap3A_337 = vector.shape_cast %mul3A_332 : vector<16xf32> to vector<1x16xf32>
      tpu.vector_store %arg16[%swap3A_333, %swap3A_334], %swap3A_337 {strides = array<i32>} : memref<128x64xf32, #tpu.memory_space<vmem>>, vector<1x16xf32>,
    }
    %scan3A_76 = arith.constant 128 : i32
    %add3A_77 = arith.addi %mul3A_40, %add3A_71 : i32
    "tpu.region"() ({
      %run_scoped3A = tpu.sem_alloc : memref<!tpu.dma_semaphore, #tpu.memory_space<semaphore_mem>>
      %dma_start3A_288 = arith.constant 0 : i32
      %dma_start3A_289 = tpu.memref_slice %arg7[%add3A_77, %dma_start3A_288] : memref<40960x64xf32, #tpu.memory_space<hbm>> -> memref<128x64xf32, #tpu.memory_space<hbm>>
      %dma_start3A_290 = arith.constant 0 : i32
      %dma_start3A_291 = tpu.memref_slice %arg7[%add3A_77, %dma_start3A_290] : memref<40960x64xf32, #tpu.memory_space<hbm>> -> memref<128x64xf32, #tpu.memory_space<hbm>>
      tpu.enqueue_dma source(%arg16 : memref<128x64xf32, #tpu.memory_space<vmem>>) target(%dma_start3A_291 : memref<128x64xf32, #tpu.memory_space<hbm>>) target_semaphore(%run_scoped3A : memref<!tpu.dma_semaphore, #tpu.memory_space<semaphore_mem>>)
      %dma_wait3A_292 = arith.constant 0 : i32
      %dma_wait3A_293 = tpu.memref_slice %arg7[%add3A_77, %dma_wait3A_292] : memref<40960x64xf32, #tpu.memory_space<hbm>> -> memref<128x64xf32, #tpu.memory_space<hbm>>
      %dma_wait3A_294 = arith.constant 0 : i32
      %dma_wait3A_295 = tpu.memref_slice %arg7[%add3A_77, %dma_wait3A_294] : memref<40960x64xf32, #tpu.memory_space<hbm>> -> memref<128x64xf32, #tpu.memory_space<hbm>>
      tpu.wait_dma2 semaphore(%run_scoped3A : memref<!tpu.dma_semaphore, #tpu.memory_space<semaphore_mem>>) src(%arg16 : memref<128x64xf32, #tpu.memory_space<vmem>>) dst(%dma_wait3A_295 : memref<128x64xf32, #tpu.memory_space<hbm>>)
      tpu.yield
    }) : () -> ()
    %add3A_78 = arith.constant 256 : i32
    %add3A_79 = arith.addi %mul3A_0, %add3A_78 : i32
    "tpu.region"() ({
      %run_scoped3A = tpu.sem_alloc : memref<!tpu.dma_semaphore, #tpu.memory_space<semaphore_mem>>
      %dma_start3A_288 = arith.constant 0 : i32
      %dma_start3A_289 = tpu.memref_slice %arg2[%add3A_38, %add3A_79, %dma_start3A_288] : memref<4x10240x64xf32, #tpu.memory_space<hbm>> -> memref<1x128x64xf32, #tpu.memory_space<hbm>>
      %dma_start3A_290 = tpu.memref_squeeze %dma_start3A_289 : memref<1x128x64xf32, #tpu.memory_space<hbm>> -> memref<128x64xf32, #tpu.memory_space<hbm>>
      %dma_start3A_291 = arith.constant 0 : i32
      %dma_start3A_292 = tpu.memref_slice %arg2[%add3A_38, %add3A_79, %dma_start3A_291] : memref<4x10240x64xf32, #tpu.memory_space<hbm>> -> memref<1x128x64xf32, #tpu.memory_space<hbm>>
      %dma_start3A_293 = tpu.memref_squeeze %dma_start3A_292 : memref<1x128x64xf32, #tpu.memory_space<hbm>> -> memref<128x64xf32, #tpu.memory_space<hbm>>
      tpu.enqueue_dma source(%dma_start3A_293 : memref<128x64xf32, #tpu.memory_space<hbm>>) target(%arg16 : memref<128x64xf32, #tpu.memory_space<vmem>>) target_semaphore(%run_scoped3A : memref<!tpu.dma_semaphore, #tpu.memory_space<semaphore_mem>>)
      %dma_wait3A_294 = arith.constant 0 : i32
      %dma_wait3A_295 = tpu.memref_slice %arg2[%add3A_38, %add3A_79, %dma_wait3A_294] : memref<4x10240x64xf32, #tpu.memory_space<hbm>> -> memref<1x128x64xf32, #tpu.memory_space<hbm>>
      %dma_wait3A_296 = tpu.memref_squeeze %dma_wait3A_295 : memref<1x128x64xf32, #tpu.memory_space<hbm>> -> memref<128x64xf32, #tpu.memory_space<hbm>>
      %dma_wait3A_297 = arith.constant 0 : i32
      %dma_wait3A_298 = tpu.memref_slice %arg2[%add3A_38, %add3A_79, %dma_wait3A_297] : memref<4x10240x64xf32, #tpu.memory_space<hbm>> -> memref<1x128x64xf32, #tpu.memory_space<hbm>>
      %dma_wait3A_299 = tpu.memref_squeeze %dma_wait3A_298 : memref<1x128x64xf32, #tpu.memory_space<hbm>> -> memref<128x64xf32, #tpu.memory_space<hbm>>
      tpu.wait_dma2 semaphore(%run_scoped3A : memref<!tpu.dma_semaphore, #tpu.memory_space<semaphore_mem>>) src(%dma_wait3A_299 : memref<128x64xf32, #tpu.memory_space<hbm>>) dst(%arg16 : memref<128x64xf32, #tpu.memory_space<vmem>>)
      tpu.yield
    }) : () -> ()
    %scan3A_80 = arith.constant 0 : i32
    %scan3A_81 = arith.constant 128 : i32
    %scan3A_82 = arith.addi %scan3A_80, %scan3A_81 : i32
    %scan3A_83 = arith.constant 1 : i32
    scf.for %scan3A_288 = %scan3A_80 to %scan3A_82 step %scan3A_83  : i32 {
      %mul3A_289 = arith.constant 1 : i32
      %mul3A_290 = arith.muli %scan3A_288, %mul3A_289 : i32
      %add3A_291 = arith.constant 0 : i32
      %add3A_292 = arith.addi %add3A_291, %mul3A_290 : i32
      %add3A_293 = arith.constant 256 : i32
      %add3A_294 = arith.addi %add3A_293, %add3A_292 : i32
      %get3A = arith.index_cast %add3A_294 : i32 to index
      %get3A_295 = arith.constant 0 : index
      %get3A_296 = tpu.vector_load %arg15[%get3A, %get3A_295] {strides = array<i32>} : memref<640x16xf32, #tpu.memory_space<vmem>>, vector<1x16xf32>,
      %get3A_297 = vector.shape_cast %get3A_296 : vector<1x16xf32> to vector<16xf32>
      %slice3A = vector.extract_strided_slice %get3A_297 {offsets = [0], sizes = [1], strides = [1]} : vector<16xf32> to vector<1xf32>
      %squeeze3A = vector.extract %slice3A[0] : f32 from vector<1xf32>
      %broadcast_in_dim3A_298 = vector.broadcast %squeeze3A : f32 to vector<16xf32>
      %get3A_299 = arith.index_cast %add3A_292 : i32 to index
      %get3A_300 = arith.constant 0 : index
      %get3A_301 = tpu.vector_load %arg16[%get3A_299, %get3A_300] {strides = array<i32>} : memref<128x64xf32, #tpu.memory_space<vmem>>, vector<1x16xf32>,
      %get3A_302 = vector.shape_cast %get3A_301 : vector<1x16xf32> to vector<16xf32>
      %mul3A_303 = arith.mulf %get3A_302, %broadcast_in_dim3A_298 : vector<16xf32>
      %swap3A = arith.index_cast %add3A_292 : i32 to index
      %swap3A_304 = arith.constant 0 : index
      %swap3A_305 = tpu.vector_load %arg16[%swap3A, %swap3A_304] {strides = array<i32>} : memref<128x64xf32, #tpu.memory_space<vmem>>, vector<1x16xf32>,
      %swap3A_306 = vector.shape_cast %swap3A_305 : vector<1x16xf32> to vector<16xf32>
      %swap3A_307 = vector.shape_cast %mul3A_303 : vector<16xf32> to vector<1x16xf32>
      tpu.vector_store %arg16[%swap3A, %swap3A_304], %swap3A_307 {strides = array<i32>} : memref<128x64xf32, #tpu.memory_space<vmem>>, vector<1x16xf32>,
      %get3A_308 = arith.index_cast %add3A_292 : i32 to index
      %get3A_309 = arith.constant 16 : index
      %get3A_310 = tpu.vector_load %arg16[%get3A_308, %get3A_309] {strides = array<i32>} : memref<128x64xf32, #tpu.memory_space<vmem>>, vector<1x16xf32>,
      %get3A_311 = vector.shape_cast %get3A_310 : vector<1x16xf32> to vector<16xf32>
      %mul3A_312 = arith.mulf %get3A_311, %broadcast_in_dim3A_298 : vector<16xf32>
      %swap3A_313 = arith.index_cast %add3A_292 : i32 to index
      %swap3A_314 = arith.constant 16 : index
      %swap3A_315 = tpu.vector_load %arg16[%swap3A_313, %swap3A_314] {strides = array<i32>} : memref<128x64xf32, #tpu.memory_space<vmem>>, vector<1x16xf32>,
      %swap3A_316 = vector.shape_cast %swap3A_315 : vector<1x16xf32> to vector<16xf32>
      %swap3A_317 = vector.shape_cast %mul3A_312 : vector<16xf32> to vector<1x16xf32>
      tpu.vector_store %arg16[%swap3A_313, %swap3A_314], %swap3A_317 {strides = array<i32>} : memref<128x64xf32, #tpu.memory_space<vmem>>, vector<1x16xf32>,
      %get3A_318 = arith.index_cast %add3A_292 : i32 to index
      %get3A_319 = arith.constant 32 : index
      %get3A_320 = tpu.vector_load %arg16[%get3A_318, %get3A_319] {strides = array<i32>} : memref<128x64xf32, #tpu.memory_space<vmem>>, vector<1x16xf32>,
      %get3A_321 = vector.shape_cast %get3A_320 : vector<1x16xf32> to vector<16xf32>
      %mul3A_322 = arith.mulf %get3A_321, %broadcast_in_dim3A_298 : vector<16xf32>
      %swap3A_323 = arith.index_cast %add3A_292 : i32 to index
      %swap3A_324 = arith.constant 32 : index
      %swap3A_325 = tpu.vector_load %arg16[%swap3A_323, %swap3A_324] {strides = array<i32>} : memref<128x64xf32, #tpu.memory_space<vmem>>, vector<1x16xf32>,
      %swap3A_326 = vector.shape_cast %swap3A_325 : vector<1x16xf32> to vector<16xf32>
      %swap3A_327 = vector.shape_cast %mul3A_322 : vector<16xf32> to vector<1x16xf32>
      tpu.vector_store %arg16[%swap3A_323, %swap3A_324], %swap3A_327 {strides = array<i32>} : memref<128x64xf32, #tpu.memory_space<vmem>>, vector<1x16xf32>,
      %get3A_328 = arith.index_cast %add3A_292 : i32 to index
      %get3A_329 = arith.constant 48 : index
      %get3A_330 = tpu.vector_load %arg16[%get3A_328, %get3A_329] {strides = array<i32>} : memref<128x64xf32, #tpu.memory_space<vmem>>, vector<1x16xf32>,
      %get3A_331 = vector.shape_cast %get3A_330 : vector<1x16xf32> to vector<16xf32>
      %mul3A_332 = arith.mulf %get3A_331, %broadcast_in_dim3A_298 : vector<16xf32>
      %swap3A_333 = arith.index_cast %add3A_292 : i32 to index
      %swap3A_334 = arith.constant 48 : index
      %swap3A_335 = tpu.vector_load %arg16[%swap3A_333, %swap3A_334] {strides = array<i32>} : memref<128x64xf32, #tpu.memory_space<vmem>>, vector<1x16xf32>,
      %swap3A_336 = vector.shape_cast %swap3A_335 : vector<1x16xf32> to vector<16xf32>
      %swap3A_337 = vector.shape_cast %mul3A_332 : vector<16xf32> to vector<1x16xf32>
      tpu.vector_store %arg16[%swap3A_333, %swap3A_334], %swap3A_337 {strides = array<i32>} : memref<128x64xf32, #tpu.memory_space<vmem>>, vector<1x16xf32>,
    }
    %scan3A_84 = arith.constant 128 : i32
    %add3A_85 = arith.addi %mul3A_40, %add3A_79 : i32
    "tpu.region"() ({
      %run_scoped3A = tpu.sem_alloc : memref<!tpu.dma_semaphore, #tpu.memory_space<semaphore_mem>>
      %dma_start3A_288 = arith.constant 0 : i32
      %dma_start3A_289 = tpu.memref_slice %arg7[%add3A_85, %dma_start3A_288] : memref<40960x64xf32, #tpu.memory_space<hbm>> -> memref<128x64xf32, #tpu.memory_space<hbm>>
      %dma_start3A_290 = arith.constant 0 : i32
      %dma_start3A_291 = tpu.memref_slice %arg7[%add3A_85, %dma_start3A_290] : memref<40960x64xf32, #tpu.memory_space<hbm>> -> memref<128x64xf32, #tpu.memory_space<hbm>>
      tpu.enqueue_dma source(%arg16 : memref<128x64xf32, #tpu.memory_space<vmem>>) target(%dma_start3A_291 : memref<128x64xf32, #tpu.memory_space<hbm>>) target_semaphore(%run_scoped3A : memref<!tpu.dma_semaphore, #tpu.memory_space<semaphore_mem>>)
      %dma_wait3A_292 = arith.constant 0 : i32
      %dma_wait3A_293 = tpu.memref_slice %arg7[%add3A_85, %dma_wait3A_292] : memref<40960x64xf32, #tpu.memory_space<hbm>> -> memref<128x64xf32, #tpu.memory_space<hbm>>
      %dma_wait3A_294 = arith.constant 0 : i32
      %dma_wait3A_295 = tpu.memref_slice %arg7[%add3A_85, %dma_wait3A_294] : memref<40960x64xf32, #tpu.memory_space<hbm>> -> memref<128x64xf32, #tpu.memory_space<hbm>>
      tpu.wait_dma2 semaphore(%run_scoped3A : memref<!tpu.dma_semaphore, #tpu.memory_space<semaphore_mem>>) src(%arg16 : memref<128x64xf32, #tpu.memory_space<vmem>>) dst(%dma_wait3A_295 : memref<128x64xf32, #tpu.memory_space<hbm>>)
      tpu.yield
    }) : () -> ()
    %add3A_86 = arith.constant 384 : i32
    %add3A_87 = arith.addi %mul3A_0, %add3A_86 : i32
    "tpu.region"() ({
      %run_scoped3A = tpu.sem_alloc : memref<!tpu.dma_semaphore, #tpu.memory_space<semaphore_mem>>
      %dma_start3A_288 = arith.constant 0 : i32
      %dma_start3A_289 = tpu.memref_slice %arg2[%add3A_38, %add3A_87, %dma_start3A_288] : memref<4x10240x64xf32, #tpu.memory_space<hbm>> -> memref<1x128x64xf32, #tpu.memory_space<hbm>>
      %dma_start3A_290 = tpu.memref_squeeze %dma_start3A_289 : memref<1x128x64xf32, #tpu.memory_space<hbm>> -> memref<128x64xf32, #tpu.memory_space<hbm>>
      %dma_start3A_291 = arith.constant 0 : i32
      %dma_start3A_292 = tpu.memref_slice %arg2[%add3A_38, %add3A_87, %dma_start3A_291] : memref<4x10240x64xf32, #tpu.memory_space<hbm>> -> memref<1x128x64xf32, #tpu.memory_space<hbm>>
      %dma_start3A_293 = tpu.memref_squeeze %dma_start3A_292 : memref<1x128x64xf32, #tpu.memory_space<hbm>> -> memref<128x64xf32, #tpu.memory_space<hbm>>
      tpu.enqueue_dma source(%dma_start3A_293 : memref<128x64xf32, #tpu.memory_space<hbm>>) target(%arg16 : memref<128x64xf32, #tpu.memory_space<vmem>>) target_semaphore(%run_scoped3A : memref<!tpu.dma_semaphore, #tpu.memory_space<semaphore_mem>>)
      %dma_wait3A_294 = arith.constant 0 : i32
      %dma_wait3A_295 = tpu.memref_slice %arg2[%add3A_38, %add3A_87, %dma_wait3A_294] : memref<4x10240x64xf32, #tpu.memory_space<hbm>> -> memref<1x128x64xf32, #tpu.memory_space<hbm>>
      %dma_wait3A_296 = tpu.memref_squeeze %dma_wait3A_295 : memref<1x128x64xf32, #tpu.memory_space<hbm>> -> memref<128x64xf32, #tpu.memory_space<hbm>>
      %dma_wait3A_297 = arith.constant 0 : i32
      %dma_wait3A_298 = tpu.memref_slice %arg2[%add3A_38, %add3A_87, %dma_wait3A_297] : memref<4x10240x64xf32, #tpu.memory_space<hbm>> -> memref<1x128x64xf32, #tpu.memory_space<hbm>>
      %dma_wait3A_299 = tpu.memref_squeeze %dma_wait3A_298 : memref<1x128x64xf32, #tpu.memory_space<hbm>> -> memref<128x64xf32, #tpu.memory_space<hbm>>
      tpu.wait_dma2 semaphore(%run_scoped3A : memref<!tpu.dma_semaphore, #tpu.memory_space<semaphore_mem>>) src(%dma_wait3A_299 : memref<128x64xf32, #tpu.memory_space<hbm>>) dst(%arg16 : memref<128x64xf32, #tpu.memory_space<vmem>>)
      tpu.yield
    }) : () -> ()
    %scan3A_88 = arith.constant 0 : i32
    %scan3A_89 = arith.constant 128 : i32
    %scan3A_90 = arith.addi %scan3A_88, %scan3A_89 : i32
    %scan3A_91 = arith.constant 1 : i32
    scf.for %scan3A_288 = %scan3A_88 to %scan3A_90 step %scan3A_91  : i32 {
      %mul3A_289 = arith.constant 1 : i32
      %mul3A_290 = arith.muli %scan3A_288, %mul3A_289 : i32
      %add3A_291 = arith.constant 0 : i32
      %add3A_292 = arith.addi %add3A_291, %mul3A_290 : i32
      %add3A_293 = arith.constant 384 : i32
      %add3A_294 = arith.addi %add3A_293, %add3A_292 : i32
      %get3A = arith.index_cast %add3A_294 : i32 to index
      %get3A_295 = arith.constant 0 : index
      %get3A_296 = tpu.vector_load %arg15[%get3A, %get3A_295] {strides = array<i32>} : memref<640x16xf32, #tpu.memory_space<vmem>>, vector<1x16xf32>,
      %get3A_297 = vector.shape_cast %get3A_296 : vector<1x16xf32> to vector<16xf32>
      %slice3A = vector.extract_strided_slice %get3A_297 {offsets = [0], sizes = [1], strides = [1]} : vector<16xf32> to vector<1xf32>
      %squeeze3A = vector.extract %slice3A[0] : f32 from vector<1xf32>
      %broadcast_in_dim3A_298 = vector.broadcast %squeeze3A : f32 to vector<16xf32>
      %get3A_299 = arith.index_cast %add3A_292 : i32 to index
      %get3A_300 = arith.constant 0 : index
      %get3A_301 = tpu.vector_load %arg16[%get3A_299, %get3A_300] {strides = array<i32>} : memref<128x64xf32, #tpu.memory_space<vmem>>, vector<1x16xf32>,
      %get3A_302 = vector.shape_cast %get3A_301 : vector<1x16xf32> to vector<16xf32>
      %mul3A_303 = arith.mulf %get3A_302, %broadcast_in_dim3A_298 : vector<16xf32>
      %swap3A = arith.index_cast %add3A_292 : i32 to index
      %swap3A_304 = arith.constant 0 : index
      %swap3A_305 = tpu.vector_load %arg16[%swap3A, %swap3A_304] {strides = array<i32>} : memref<128x64xf32, #tpu.memory_space<vmem>>, vector<1x16xf32>,
      %swap3A_306 = vector.shape_cast %swap3A_305 : vector<1x16xf32> to vector<16xf32>
      %swap3A_307 = vector.shape_cast %mul3A_303 : vector<16xf32> to vector<1x16xf32>
      tpu.vector_store %arg16[%swap3A, %swap3A_304], %swap3A_307 {strides = array<i32>} : memref<128x64xf32, #tpu.memory_space<vmem>>, vector<1x16xf32>,
      %get3A_308 = arith.index_cast %add3A_292 : i32 to index
      %get3A_309 = arith.constant 16 : index
      %get3A_310 = tpu.vector_load %arg16[%get3A_308, %get3A_309] {strides = array<i32>} : memref<128x64xf32, #tpu.memory_space<vmem>>, vector<1x16xf32>,
      %get3A_311 = vector.shape_cast %get3A_310 : vector<1x16xf32> to vector<16xf32>
      %mul3A_312 = arith.mulf %get3A_311, %broadcast_in_dim3A_298 : vector<16xf32>
      %swap3A_313 = arith.index_cast %add3A_292 : i32 to index
      %swap3A_314 = arith.constant 16 : index
      %swap3A_315 = tpu.vector_load %arg16[%swap3A_313, %swap3A_314] {strides = array<i32>} : memref<128x64xf32, #tpu.memory_space<vmem>>, vector<1x16xf32>,
      %swap3A_316 = vector.shape_cast %swap3A_315 : vector<1x16xf32> to vector<16xf32>
      %swap3A_317 = vector.shape_cast %mul3A_312 : vector<16xf32> to vector<1x16xf32>
      tpu.vector_store %arg16[%swap3A_313, %swap3A_314], %swap3A_317 {strides = array<i32>} : memref<128x64xf32, #tpu.memory_space<vmem>>, vector<1x16xf32>,
      %get3A_318 = arith.index_cast %add3A_292 : i32 to index
      %get3A_319 = arith.constant 32 : index
      %get3A_320 = tpu.vector_load %arg16[%get3A_318, %get3A_319] {strides = array<i32>} : memref<128x64xf32, #tpu.memory_space<vmem>>, vector<1x16xf32>,
      %get3A_321 = vector.shape_cast %get3A_320 : vector<1x16xf32> to vector<16xf32>
      %mul3A_322 = arith.mulf %get3A_321, %broadcast_in_dim3A_298 : vector<16xf32>
      %swap3A_323 = arith.index_cast %add3A_292 : i32 to index
      %swap3A_324 = arith.constant 32 : index
      %swap3A_325 = tpu.vector_load %arg16[%swap3A_323, %swap3A_324] {strides = array<i32>} : memref<128x64xf32, #tpu.memory_space<vmem>>, vector<1x16xf32>,
      %swap3A_326 = vector.shape_cast %swap3A_325 : vector<1x16xf32> to vector<16xf32>
      %swap3A_327 = vector.shape_cast %mul3A_322 : vector<16xf32> to vector<1x16xf32>
      tpu.vector_store %arg16[%swap3A_323, %swap3A_324], %swap3A_327 {strides = array<i32>} : memref<128x64xf32, #tpu.memory_space<vmem>>, vector<1x16xf32>,
      %get3A_328 = arith.index_cast %add3A_292 : i32 to index
      %get3A_329 = arith.constant 48 : index
      %get3A_330 = tpu.vector_load %arg16[%get3A_328, %get3A_329] {strides = array<i32>} : memref<128x64xf32, #tpu.memory_space<vmem>>, vector<1x16xf32>,
      %get3A_331 = vector.shape_cast %get3A_330 : vector<1x16xf32> to vector<16xf32>
      %mul3A_332 = arith.mulf %get3A_331, %broadcast_in_dim3A_298 : vector<16xf32>
      %swap3A_333 = arith.index_cast %add3A_292 : i32 to index
      %swap3A_334 = arith.constant 48 : index
      %swap3A_335 = tpu.vector_load %arg16[%swap3A_333, %swap3A_334] {strides = array<i32>} : memref<128x64xf32, #tpu.memory_space<vmem>>, vector<1x16xf32>,
      %swap3A_336 = vector.shape_cast %swap3A_335 : vector<1x16xf32> to vector<16xf32>
      %swap3A_337 = vector.shape_cast %mul3A_332 : vector<16xf32> to vector<1x16xf32>
      tpu.vector_store %arg16[%swap3A_333, %swap3A_334], %swap3A_337 {strides = array<i32>} : memref<128x64xf32, #tpu.memory_space<vmem>>, vector<1x16xf32>,
    }
    %scan3A_92 = arith.constant 128 : i32
    %add3A_93 = arith.addi %mul3A_40, %add3A_87 : i32
    "tpu.region"() ({
      %run_scoped3A = tpu.sem_alloc : memref<!tpu.dma_semaphore, #tpu.memory_space<semaphore_mem>>
      %dma_start3A_288 = arith.constant 0 : i32
      %dma_start3A_289 = tpu.memref_slice %arg7[%add3A_93, %dma_start3A_288] : memref<40960x64xf32, #tpu.memory_space<hbm>> -> memref<128x64xf32, #tpu.memory_space<hbm>>
      %dma_start3A_290 = arith.constant 0 : i32
      %dma_start3A_291 = tpu.memref_slice %arg7[%add3A_93, %dma_start3A_290] : memref<40960x64xf32, #tpu.memory_space<hbm>> -> memref<128x64xf32, #tpu.memory_space<hbm>>
      tpu.enqueue_dma source(%arg16 : memref<128x64xf32, #tpu.memory_space<vmem>>) target(%dma_start3A_291 : memref<128x64xf32, #tpu.memory_space<hbm>>) target_semaphore(%run_scoped3A : memref<!tpu.dma_semaphore, #tpu.memory_space<semaphore_mem>>)
      %dma_wait3A_292 = arith.constant 0 : i32
      %dma_wait3A_293 = tpu.memref_slice %arg7[%add3A_93, %dma_wait3A_292] : memref<40960x64xf32, #tpu.memory_space<hbm>> -> memref<128x64xf32, #tpu.memory_space<hbm>>
      %dma_wait3A_294 = arith.constant 0 : i32
      %dma_wait3A_295 = tpu.memref_slice %arg7[%add3A_93, %dma_wait3A_294] : memref<40960x64xf32, #tpu.memory_space<hbm>> -> memref<128x64xf32, #tpu.memory_space<hbm>>
      tpu.wait_dma2 semaphore(%run_scoped3A : memref<!tpu.dma_semaphore, #tpu.memory_space<semaphore_mem>>) src(%arg16 : memref<128x64xf32, #tpu.memory_space<vmem>>) dst(%dma_wait3A_295 : memref<128x64xf32, #tpu.memory_space<hbm>>)
      tpu.yield
    }) : () -> ()
    %add3A_94 = arith.constant 512 : i32
    %add3A_95 = arith.addi %mul3A_0, %add3A_94 : i32
    "tpu.region"() ({
      %run_scoped3A = tpu.sem_alloc : memref<!tpu.dma_semaphore, #tpu.memory_space<semaphore_mem>>
      %dma_start3A_288 = arith.constant 0 : i32
      %dma_start3A_289 = tpu.memref_slice %arg2[%add3A_38, %add3A_95, %dma_start3A_288] : memref<4x10240x64xf32, #tpu.memory_space<hbm>> -> memref<1x128x64xf32, #tpu.memory_space<hbm>>
      %dma_start3A_290 = tpu.memref_squeeze %dma_start3A_289 : memref<1x128x64xf32, #tpu.memory_space<hbm>> -> memref<128x64xf32, #tpu.memory_space<hbm>>
      %dma_start3A_291 = arith.constant 0 : i32
      %dma_start3A_292 = tpu.memref_slice %arg2[%add3A_38, %add3A_95, %dma_start3A_291] : memref<4x10240x64xf32, #tpu.memory_space<hbm>> -> memref<1x128x64xf32, #tpu.memory_space<hbm>>
      %dma_start3A_293 = tpu.memref_squeeze %dma_start3A_292 : memref<1x128x64xf32, #tpu.memory_space<hbm>> -> memref<128x64xf32, #tpu.memory_space<hbm>>
      tpu.enqueue_dma source(%dma_start3A_293 : memref<128x64xf32, #tpu.memory_space<hbm>>) target(%arg16 : memref<128x64xf32, #tpu.memory_space<vmem>>) target_semaphore(%run_scoped3A : memref<!tpu.dma_semaphore, #tpu.memory_space<semaphore_mem>>)
      %dma_wait3A_294 = arith.constant 0 : i32
      %dma_wait3A_295 = tpu.memref_slice %arg2[%add3A_38, %add3A_95, %dma_wait3A_294] : memref<4x10240x64xf32, #tpu.memory_space<hbm>> -> memref<1x128x64xf32, #tpu.memory_space<hbm>>
      %dma_wait3A_296 = tpu.memref_squeeze %dma_wait3A_295 : memref<1x128x64xf32, #tpu.memory_space<hbm>> -> memref<128x64xf32, #tpu.memory_space<hbm>>
      %dma_wait3A_297 = arith.constant 0 : i32
      %dma_wait3A_298 = tpu.memref_slice %arg2[%add3A_38, %add3A_95, %dma_wait3A_297] : memref<4x10240x64xf32, #tpu.memory_space<hbm>> -> memref<1x128x64xf32, #tpu.memory_space<hbm>>
      %dma_wait3A_299 = tpu.memref_squeeze %dma_wait3A_298 : memref<1x128x64xf32, #tpu.memory_space<hbm>> -> memref<128x64xf32, #tpu.memory_space<hbm>>
      tpu.wait_dma2 semaphore(%run_scoped3A : memref<!tpu.dma_semaphore, #tpu.memory_space<semaphore_mem>>) src(%dma_wait3A_299 : memref<128x64xf32, #tpu.memory_space<hbm>>) dst(%arg16 : memref<128x64xf32, #tpu.memory_space<vmem>>)
      tpu.yield
    }) : () -> ()
    %scan3A_96 = arith.constant 0 : i32
    %scan3A_97 = arith.constant 128 : i32
    %scan3A_98 = arith.addi %scan3A_96, %scan3A_97 : i32
    %scan3A_99 = arith.constant 1 : i32
    scf.for %scan3A_288 = %scan3A_96 to %scan3A_98 step %scan3A_99  : i32 {
      %mul3A_289 = arith.constant 1 : i32
      %mul3A_290 = arith.muli %scan3A_288, %mul3A_289 : i32
      %add3A_291 = arith.constant 0 : i32
      %add3A_292 = arith.addi %add3A_291, %mul3A_290 : i32
      %add3A_293 = arith.constant 512 : i32
      %add3A_294 = arith.addi %add3A_293, %add3A_292 : i32
      %get3A = arith.index_cast %add3A_294 : i32 to index
      %get3A_295 = arith.constant 0 : index
      %get3A_296 = tpu.vector_load %arg15[%get3A, %get3A_295] {strides = array<i32>} : memref<640x16xf32, #tpu.memory_space<vmem>>, vector<1x16xf32>,
      %get3A_297 = vector.shape_cast %get3A_296 : vector<1x16xf32> to vector<16xf32>
      %slice3A = vector.extract_strided_slice %get3A_297 {offsets = [0], sizes = [1], strides = [1]} : vector<16xf32> to vector<1xf32>
      %squeeze3A = vector.extract %slice3A[0] : f32 from vector<1xf32>
      %broadcast_in_dim3A_298 = vector.broadcast %squeeze3A : f32 to vector<16xf32>
      %get3A_299 = arith.index_cast %add3A_292 : i32 to index
      %get3A_300 = arith.constant 0 : index
      %get3A_301 = tpu.vector_load %arg16[%get3A_299, %get3A_300] {strides = array<i32>} : memref<128x64xf32, #tpu.memory_space<vmem>>, vector<1x16xf32>,
      %get3A_302 = vector.shape_cast %get3A_301 : vector<1x16xf32> to vector<16xf32>
      %mul3A_303 = arith.mulf %get3A_302, %broadcast_in_dim3A_298 : vector<16xf32>
      %swap3A = arith.index_cast %add3A_292 : i32 to index
      %swap3A_304 = arith.constant 0 : index
      %swap3A_305 = tpu.vector_load %arg16[%swap3A, %swap3A_304] {strides = array<i32>} : memref<128x64xf32, #tpu.memory_space<vmem>>, vector<1x16xf32>,
      %swap3A_306 = vector.shape_cast %swap3A_305 : vector<1x16xf32> to vector<16xf32>
      %swap3A_307 = vector.shape_cast %mul3A_303 : vector<16xf32> to vector<1x16xf32>
      tpu.vector_store %arg16[%swap3A, %swap3A_304], %swap3A_307 {strides = array<i32>} : memref<128x64xf32, #tpu.memory_space<vmem>>, vector<1x16xf32>,
      %get3A_308 = arith.index_cast %add3A_292 : i32 to index
      %get3A_309 = arith.constant 16 : index
      %get3A_310 = tpu.vector_load %arg16[%get3A_308, %get3A_309] {strides = array<i32>} : memref<128x64xf32, #tpu.memory_space<vmem>>, vector<1x16xf32>,
      %get3A_311 = vector.shape_cast %get3A_310 : vector<1x16xf32> to vector<16xf32>
      %mul3A_312 = arith.mulf %get3A_311, %broadcast_in_dim3A_298 : vector<16xf32>
      %swap3A_313 = arith.index_cast %add3A_292 : i32 to index
      %swap3A_314 = arith.constant 16 : index
      %swap3A_315 = tpu.vector_load %arg16[%swap3A_313, %swap3A_314] {strides = array<i32>} : memref<128x64xf32, #tpu.memory_space<vmem>>, vector<1x16xf32>,
      %swap3A_316 = vector.shape_cast %swap3A_315 : vector<1x16xf32> to vector<16xf32>
      %swap3A_317 = vector.shape_cast %mul3A_312 : vector<16xf32> to vector<1x16xf32>
      tpu.vector_store %arg16[%swap3A_313, %swap3A_314], %swap3A_317 {strides = array<i32>} : memref<128x64xf32, #tpu.memory_space<vmem>>, vector<1x16xf32>,
      %get3A_318 = arith.index_cast %add3A_292 : i32 to index
      %get3A_319 = arith.constant 32 : index
      %get3A_320 = tpu.vector_load %arg16[%get3A_318, %get3A_319] {strides = array<i32>} : memref<128x64xf32, #tpu.memory_space<vmem>>, vector<1x16xf32>,
      %get3A_321 = vector.shape_cast %get3A_320 : vector<1x16xf32> to vector<16xf32>
      %mul3A_322 = arith.mulf %get3A_321, %broadcast_in_dim3A_298 : vector<16xf32>
      %swap3A_323 = arith.index_cast %add3A_292 : i32 to index
      %swap3A_324 = arith.constant 32 : index
      %swap3A_325 = tpu.vector_load %arg16[%swap3A_323, %swap3A_324] {strides = array<i32>} : memref<128x64xf32, #tpu.memory_space<vmem>>, vector<1x16xf32>,
      %swap3A_326 = vector.shape_cast %swap3A_325 : vector<1x16xf32> to vector<16xf32>
      %swap3A_327 = vector.shape_cast %mul3A_322 : vector<16xf32> to vector<1x16xf32>
      tpu.vector_store %arg16[%swap3A_323, %swap3A_324], %swap3A_327 {strides = array<i32>} : memref<128x64xf32, #tpu.memory_space<vmem>>, vector<1x16xf32>,
      %get3A_328 = arith.index_cast %add3A_292 : i32 to index
      %get3A_329 = arith.constant 48 : index
      %get3A_330 = tpu.vector_load %arg16[%get3A_328, %get3A_329] {strides = array<i32>} : memref<128x64xf32, #tpu.memory_space<vmem>>, vector<1x16xf32>,
      %get3A_331 = vector.shape_cast %get3A_330 : vector<1x16xf32> to vector<16xf32>
      %mul3A_332 = arith.mulf %get3A_331, %broadcast_in_dim3A_298 : vector<16xf32>
      %swap3A_333 = arith.index_cast %add3A_292 : i32 to index
      %swap3A_334 = arith.constant 48 : index
      %swap3A_335 = tpu.vector_load %arg16[%swap3A_333, %swap3A_334] {strides = array<i32>} : memref<128x64xf32, #tpu.memory_space<vmem>>, vector<1x16xf32>,
      %swap3A_336 = vector.shape_cast %swap3A_335 : vector<1x16xf32> to vector<16xf32>
      %swap3A_337 = vector.shape_cast %mul3A_332 : vector<16xf32> to vector<1x16xf32>
      tpu.vector_store %arg16[%swap3A_333, %swap3A_334], %swap3A_337 {strides = array<i32>} : memref<128x64xf32, #tpu.memory_space<vmem>>, vector<1x16xf32>,
    }
    %scan3A_100 = arith.constant 128 : i32
    %add3A_101 = arith.addi %mul3A_40, %add3A_95 : i32
    "tpu.region"() ({
      %run_scoped3A = tpu.sem_alloc : memref<!tpu.dma_semaphore, #tpu.memory_space<semaphore_mem>>
      %dma_start3A_288 = arith.constant 0 : i32
      %dma_start3A_289 = tpu.memref_slice %arg7[%add3A_101, %dma_start3A_288] : memref<40960x64xf32, #tpu.memory_space<hbm>> -> memref<128x64xf32, #tpu.memory_space<hbm>>
      %dma_start3A_290 = arith.constant 0 : i32
      %dma_start3A_291 = tpu.memref_slice %arg7[%add3A_101, %dma_start3A_290] : memref<40960x64xf32, #tpu.memory_space<hbm>> -> memref<128x64xf32, #tpu.memory_space<hbm>>
      tpu.enqueue_dma source(%arg16 : memref<128x64xf32, #tpu.memory_space<vmem>>) target(%dma_start3A_291 : memref<128x64xf32, #tpu.memory_space<hbm>>) target_semaphore(%run_scoped3A : memref<!tpu.dma_semaphore, #tpu.memory_space<semaphore_mem>>)
      %dma_wait3A_292 = arith.constant 0 : i32
      %dma_wait3A_293 = tpu.memref_slice %arg7[%add3A_101, %dma_wait3A_292] : memref<40960x64xf32, #tpu.memory_space<hbm>> -> memref<128x64xf32, #tpu.memory_space<hbm>>
      %dma_wait3A_294 = arith.constant 0 : i32
      %dma_wait3A_295 = tpu.memref_slice %arg7[%add3A_101, %dma_wait3A_294] : memref<40960x64xf32, #tpu.memory_space<hbm>> -> memref<128x64xf32, #tpu.memory_space<hbm>>
      tpu.wait_dma2 semaphore(%run_scoped3A : memref<!tpu.dma_semaphore, #tpu.memory_space<semaphore_mem>>) src(%arg16 : memref<128x64xf32, #tpu.memory_space<vmem>>) dst(%dma_wait3A_295 : memref<128x64xf32, #tpu.memory_space<hbm>>)
      tpu.yield
    }) : () -> ()
    %barrier3A_102 = arith.constant 0 : index
    tpu.barrier barrier_id(%barrier3A_102)
    %scan3A_103 = arith.constant 0 : i32
    %scan3A_104 = arith.constant 62 : i32
    %scan3A_105 = arith.addi %scan3A_103, %scan3A_104 : i32
    %scan3A_106 = arith.constant 1 : i32
    scf.for %scan3A_288 = %scan3A_103 to %scan3A_105 step %scan3A_106  : i32 {
      %mul3A_289 = arith.constant 1 : i32
      %mul3A_290 = arith.muli %scan3A_288, %mul3A_289 : i32
      %add3A_291 = arith.constant 0 : i32
      %add3A_292 = arith.addi %add3A_291, %mul3A_290 : i32
      %mul3A_293 = arith.constant 2 : i32
      %mul3A_294 = arith.muli %add3A_292, %mul3A_293 : i32
      %mul3A_295 = arith.constant 2 : i32
      %mul3A_296 = arith.muli %add3A_292, %mul3A_295 : i32
      %add3A_297 = arith.constant 1 : i32
      %add3A_298 = arith.addi %mul3A_296, %add3A_297 : i32
      %dma_start3A_299 = arith.constant 0 : i32
      %dma_start3A_300 = tpu.memref_slice %arg12[%mul3A_294, %dma_start3A_299] : memref<125x80xi32, #tpu.memory_space<vmem>> -> memref<1x80xi32, #tpu.memory_space<vmem>>
      %dma_start3A_301 = tpu.memref_squeeze %dma_start3A_300 : memref<1x80xi32, #tpu.memory_space<vmem>> -> memref<80xi32, #tpu.memory_space<vmem>>
      %dma_start3A_302 = arith.constant 0 : i32
      %dma_start3A_303 = arith.constant 0 : i32
      %dma_start3A_304 = tpu.memref_slice %arg7[%dma_start3A_302, %dma_start3A_303] : memref<40960x64xf32, #tpu.memory_space<hbm>> -> memref<40960x64xf32, #tpu.memory_space<hbm>>
      tpu.enqueue_indirect_dma source(%dma_start3A_304 : memref<40960x64xf32, #tpu.memory_space<hbm>>) target(%arg13 : memref<80x64xf32, #tpu.memory_space<vmem>>) offsets(%dma_start3A_301 : memref<80xi32, #tpu.memory_space<vmem>>) semaphore(%arg18 : memref<!tpu.dma_semaphore, #tpu.memory_space<semaphore_mem>>)
      %dma_start3A_305 = arith.constant 0 : i32
      %dma_start3A_306 = tpu.memref_slice %arg12[%add3A_298, %dma_start3A_305] : memref<125x80xi32, #tpu.memory_space<vmem>> -> memref<1x80xi32, #tpu.memory_space<vmem>>
      %dma_start3A_307 = tpu.memref_squeeze %dma_start3A_306 : memref<1x80xi32, #tpu.memory_space<vmem>> -> memref<80xi32, #tpu.memory_space<vmem>>
      %dma_start3A_308 = arith.constant 0 : i32
      %dma_start3A_309 = arith.constant 0 : i32
      %dma_start3A_310 = tpu.memref_slice %arg7[%dma_start3A_308, %dma_start3A_309] : memref<40960x64xf32, #tpu.memory_space<hbm>> -> memref<40960x64xf32, #tpu.memory_space<hbm>>
      tpu.enqueue_indirect_dma source(%dma_start3A_310 : memref<40960x64xf32, #tpu.memory_space<hbm>>) target(%arg14 : memref<80x64xf32, #tpu.memory_space<vmem>>) offsets(%dma_start3A_307 : memref<80xi32, #tpu.memory_space<vmem>>) semaphore(%arg19 : memref<!tpu.dma_semaphore, #tpu.memory_space<semaphore_mem>>)
      %dma_wait3A_311 = arith.constant 0 : i32
      %dma_wait3A_312 = tpu.memref_slice %arg12[%mul3A_294, %dma_wait3A_311] : memref<125x80xi32, #tpu.memory_space<vmem>> -> memref<1x80xi32, #tpu.memory_space<vmem>>
      %dma_wait3A_313 = tpu.memref_squeeze %dma_wait3A_312 : memref<1x80xi32, #tpu.memory_space<vmem>> -> memref<80xi32, #tpu.memory_space<vmem>>
      %dma_wait3A_314 = arith.constant 0 : i32
      %dma_wait3A_315 = arith.constant 0 : i32
      %dma_wait3A_316 = tpu.memref_slice %arg7[%dma_wait3A_314, %dma_wait3A_315] : memref<40960x64xf32, #tpu.memory_space<hbm>> -> memref<40960x64xf32, #tpu.memory_space<hbm>>
      tpu.wait_indirect_dma semaphore(%arg18 : memref<!tpu.dma_semaphore, #tpu.memory_space<semaphore_mem>>) src(%dma_wait3A_316 : memref<40960x64xf32, #tpu.memory_space<hbm>>) dst(%arg13 : memref<80x64xf32, #tpu.memory_space<vmem>>)
      %dma_start3A_317 = arith.constant 0 : i32
      %dma_start3A_318 = tpu.memref_slice %arg11[%mul3A_294, %dma_start3A_317] : memref<125x80xi32, #tpu.memory_space<vmem>> -> memref<1x80xi32, #tpu.memory_space<vmem>>
      %dma_start3A_319 = tpu.memref_squeeze %dma_start3A_318 : memref<1x80xi32, #tpu.memory_space<vmem>> -> memref<80xi32, #tpu.memory_space<vmem>>
      %dma_start3A_320 = arith.constant 0 : i32
      %dma_start3A_321 = arith.constant 0 : i32
      %dma_start3A_322 = tpu.memref_slice %arg8[%dma_start3A_320, %dma_start3A_321] : memref<10240x64xf32, #tpu.memory_space<vmem_shared>> -> memref<10240x64xf32, #tpu.memory_space<vmem_shared>>
      tpu.enqueue_indirect_dma source(%arg13 : memref<80x64xf32, #tpu.memory_space<vmem>>) target(%dma_start3A_322 : memref<10240x64xf32, #tpu.memory_space<vmem_shared>>) offsets(%dma_start3A_319 : memref<80xi32, #tpu.memory_space<vmem>>) semaphore(%arg20 : memref<!tpu.dma_semaphore, #tpu.memory_space<semaphore_mem>>) {add = true}
      %dma_wait3A_323 = arith.constant 0 : i32
      %dma_wait3A_324 = tpu.memref_slice %arg12[%add3A_298, %dma_wait3A_323] : memref<125x80xi32, #tpu.memory_space<vmem>> -> memref<1x80xi32, #tpu.memory_space<vmem>>
      %dma_wait3A_325 = tpu.memref_squeeze %dma_wait3A_324 : memref<1x80xi32, #tpu.memory_space<vmem>> -> memref<80xi32, #tpu.memory_space<vmem>>
      %dma_wait3A_326 = arith.constant 0 : i32
      %dma_wait3A_327 = arith.constant 0 : i32
      %dma_wait3A_328 = tpu.memref_slice %arg7[%dma_wait3A_326, %dma_wait3A_327] : memref<40960x64xf32, #tpu.memory_space<hbm>> -> memref<40960x64xf32, #tpu.memory_space<hbm>>
      tpu.wait_indirect_dma semaphore(%arg19 : memref<!tpu.dma_semaphore, #tpu.memory_space<semaphore_mem>>) src(%dma_wait3A_328 : memref<40960x64xf32, #tpu.memory_space<hbm>>) dst(%arg14 : memref<80x64xf32, #tpu.memory_space<vmem>>)
      %dma_start3A_329 = arith.constant 0 : i32
      %dma_start3A_330 = tpu.memref_slice %arg11[%add3A_298, %dma_start3A_329] : memref<125x80xi32, #tpu.memory_space<vmem>> -> memref<1x80xi32, #tpu.memory_space<vmem>>
      %dma_start3A_331 = tpu.memref_squeeze %dma_start3A_330 : memref<1x80xi32, #tpu.memory_space<vmem>> -> memref<80xi32, #tpu.memory_space<vmem>>
      %dma_start3A_332 = arith.constant 0 : i32
      %dma_start3A_333 = arith.constant 0 : i32
      %dma_start3A_334 = tpu.memref_slice %arg8[%dma_start3A_332, %dma_start3A_333] : memref<10240x64xf32, #tpu.memory_space<vmem_shared>> -> memref<10240x64xf32, #tpu.memory_space<vmem_shared>>
      tpu.enqueue_indirect_dma source(%arg14 : memref<80x64xf32, #tpu.memory_space<vmem>>) target(%dma_start3A_334 : memref<10240x64xf32, #tpu.memory_space<vmem_shared>>) offsets(%dma_start3A_331 : memref<80xi32, #tpu.memory_space<vmem>>) semaphore(%arg21 : memref<!tpu.dma_semaphore, #tpu.memory_space<semaphore_mem>>) {add = true}
      %dma_wait3A_335 = arith.constant 0 : i32
      %dma_wait3A_336 = tpu.memref_slice %arg11[%mul3A_294, %dma_wait3A_335] : memref<125x80xi32, #tpu.memory_space<vmem>> -> memref<1x80xi32, #tpu.memory_space<vmem>>
      %dma_wait3A_337 = tpu.memref_squeeze %dma_wait3A_336 : memref<1x80xi32, #tpu.memory_space<vmem>> -> memref<80xi32, #tpu.memory_space<vmem>>
      %dma_wait3A_338 = arith.constant 0 : i32
      %dma_wait3A_339 = arith.constant 0 : i32
      %dma_wait3A_340 = tpu.memref_slice %arg8[%dma_wait3A_338, %dma_wait3A_339] : memref<10240x64xf32, #tpu.memory_space<vmem_shared>> -> memref<10240x64xf32, #tpu.memory_space<vmem_shared>>
      tpu.wait_indirect_dma semaphore(%arg20 : memref<!tpu.dma_semaphore, #tpu.memory_space<semaphore_mem>>) src(%arg13 : memref<80x64xf32, #tpu.memory_space<vmem>>) dst(%dma_wait3A_340 : memref<10240x64xf32, #tpu.memory_space<vmem_shared>>)
      %dma_wait3A_341 = arith.constant 0 : i32
      %dma_wait3A_342 = tpu.memref_slice %arg11[%add3A_298, %dma_wait3A_341] : memref<125x80xi32, #tpu.memory_space<vmem>> -> memref<1x80xi32, #tpu.memory_space<vmem>>
      %dma_wait3A_343 = tpu.memref_squeeze %dma_wait3A_342 : memref<1x80xi32, #tpu.memory_space<vmem>> -> memref<80xi32, #tpu.memory_space<vmem>>
      %dma_wait3A_344 = arith.constant 0 : i32
      %dma_wait3A_345 = arith.constant 0 : i32
      %dma_wait3A_346 = tpu.memref_slice %arg8[%dma_wait3A_344, %dma_wait3A_345] : memref<10240x64xf32, #tpu.memory_space<vmem_shared>> -> memref<10240x64xf32, #tpu.memory_space<vmem_shared>>
      tpu.wait_indirect_dma semaphore(%arg21 : memref<!tpu.dma_semaphore, #tpu.memory_space<semaphore_mem>>) src(%arg14 : memref<80x64xf32, #tpu.memory_space<vmem>>) dst(%dma_wait3A_346 : memref<10240x64xf32, #tpu.memory_space<vmem_shared>>)
    }
    %scan3A_107 = arith.constant 62 : i32
    %dma_start3A = arith.constant 124 : i32
    %dma_start3A_108 = arith.constant 0 : i32
    %dma_start3A_109 = tpu.memref_slice %arg12[%dma_start3A, %dma_start3A_108] : memref<125x80xi32, #tpu.memory_space<vmem>> -> memref<1x80xi32, #tpu.memory_space<vmem>>
    %dma_start3A_110 = tpu.memref_squeeze %dma_start3A_109 : memref<1x80xi32, #tpu.memory_space<vmem>> -> memref<80xi32, #tpu.memory_space<vmem>>
    %dma_start3A_111 = arith.constant 0 : i32
    %dma_start3A_112 = arith.constant 0 : i32
    %dma_start3A_113 = tpu.memref_slice %arg7[%dma_start3A_111, %dma_start3A_112] : memref<40960x64xf32, #tpu.memory_space<hbm>> -> memref<40960x64xf32, #tpu.memory_space<hbm>>
    tpu.enqueue_indirect_dma source(%dma_start3A_113 : memref<40960x64xf32, #tpu.memory_space<hbm>>) target(%arg13 : memref<80x64xf32, #tpu.memory_space<vmem>>) offsets(%dma_start3A_110 : memref<80xi32, #tpu.memory_space<vmem>>) semaphore(%arg18 : memref<!tpu.dma_semaphore, #tpu.memory_space<semaphore_mem>>)
    %dma_wait3A = arith.constant 124 : i32
    %dma_wait3A_114 = arith.constant 0 : i32
    %dma_wait3A_115 = tpu.memref_slice %arg12[%dma_wait3A, %dma_wait3A_114] : memref<125x80xi32, #tpu.memory_space<vmem>> -> memref<1x80xi32, #tpu.memory_space<vmem>>
    %dma_wait3A_116 = tpu.memref_squeeze %dma_wait3A_115 : memref<1x80xi32, #tpu.memory_space<vmem>> -> memref<80xi32, #tpu.memory_space<vmem>>
    %dma_wait3A_117 = arith.constant 0 : i32
    %dma_wait3A_118 = arith.constant 0 : i32
    %dma_wait3A_119 = tpu.memref_slice %arg7[%dma_wait3A_117, %dma_wait3A_118] : memref<40960x64xf32, #tpu.memory_space<hbm>> -> memref<40960x64xf32, #tpu.memory_space<hbm>>
    tpu.wait_indirect_dma semaphore(%arg18 : memref<!tpu.dma_semaphore, #tpu.memory_space<semaphore_mem>>) src(%dma_wait3A_119 : memref<40960x64xf32, #tpu.memory_space<hbm>>) dst(%arg13 : memref<80x64xf32, #tpu.memory_space<vmem>>)
    %dma_start3A_120 = arith.constant 124 : i32
    %dma_start3A_121 = arith.constant 0 : i32
    %dma_start3A_122 = tpu.memref_slice %arg11[%dma_start3A_120, %dma_start3A_121] : memref<125x80xi32, #tpu.memory_space<vmem>> -> memref<1x80xi32, #tpu.memory_space<vmem>>
    %dma_start3A_123 = tpu.memref_squeeze %dma_start3A_122 : memref<1x80xi32, #tpu.memory_space<vmem>> -> memref<80xi32, #tpu.memory_space<vmem>>
    %dma_start3A_124 = arith.constant 0 : i32
    %dma_start3A_125 = arith.constant 0 : i32
    %dma_start3A_126 = tpu.memref_slice %arg8[%dma_start3A_124, %dma_start3A_125] : memref<10240x64xf32, #tpu.memory_space<vmem_shared>> -> memref<10240x64xf32, #tpu.memory_space<vmem_shared>>
    tpu.enqueue_indirect_dma source(%arg13 : memref<80x64xf32, #tpu.memory_space<vmem>>) target(%dma_start3A_126 : memref<10240x64xf32, #tpu.memory_space<vmem_shared>>) offsets(%dma_start3A_123 : memref<80xi32, #tpu.memory_space<vmem>>) semaphore(%arg20 : memref<!tpu.dma_semaphore, #tpu.memory_space<semaphore_mem>>) {add = true}
    %dma_wait3A_127 = arith.constant 124 : i32
    %dma_wait3A_128 = arith.constant 0 : i32
    %dma_wait3A_129 = tpu.memref_slice %arg11[%dma_wait3A_127, %dma_wait3A_128] : memref<125x80xi32, #tpu.memory_space<vmem>> -> memref<1x80xi32, #tpu.memory_space<vmem>>
    %dma_wait3A_130 = tpu.memref_squeeze %dma_wait3A_129 : memref<1x80xi32, #tpu.memory_space<vmem>> -> memref<80xi32, #tpu.memory_space<vmem>>
    %dma_wait3A_131 = arith.constant 0 : i32
    %dma_wait3A_132 = arith.constant 0 : i32
    %dma_wait3A_133 = tpu.memref_slice %arg8[%dma_wait3A_131, %dma_wait3A_132] : memref<10240x64xf32, #tpu.memory_space<vmem_shared>> -> memref<10240x64xf32, #tpu.memory_space<vmem_shared>>
    tpu.wait_indirect_dma semaphore(%arg20 : memref<!tpu.dma_semaphore, #tpu.memory_space<semaphore_mem>>) src(%arg13 : memref<80x64xf32, #tpu.memory_space<vmem>>) dst(%dma_wait3A_133 : memref<10240x64xf32, #tpu.memory_space<vmem_shared>>)
    %barrier3A_134 = arith.constant 0 : index
    tpu.barrier barrier_id(%barrier3A_134)
    %add3A_135 = arith.constant 0 : i32
    %add3A_136 = arith.addi %mul3A_0, %add3A_135 : i32
    "tpu.region"() ({
      %run_scoped3A = tpu.sem_alloc : memref<!tpu.dma_semaphore, #tpu.memory_space<semaphore_mem>>
      %dma_start3A_288 = arith.constant 0 : i32
      %dma_start3A_289 = tpu.memref_slice %arg8[%add3A_136, %dma_start3A_288] : memref<10240x64xf32, #tpu.memory_space<vmem_shared>> -> memref<128x64xf32, #tpu.memory_space<vmem_shared>>
      %dma_start3A_290 = arith.constant 0 : i32
      %dma_start3A_291 = tpu.memref_slice %arg8[%add3A_136, %dma_start3A_290] : memref<10240x64xf32, #tpu.memory_space<vmem_shared>> -> memref<128x64xf32, #tpu.memory_space<vmem_shared>>
      tpu.enqueue_dma source(%dma_start3A_291 : memref<128x64xf32, #tpu.memory_space<vmem_shared>>) target(%arg16 : memref<128x64xf32, #tpu.memory_space<vmem>>) target_semaphore(%run_scoped3A : memref<!tpu.dma_semaphore, #tpu.memory_space<semaphore_mem>>)
      %dma_wait3A_292 = arith.constant 0 : i32
      %dma_wait3A_293 = tpu.memref_slice %arg8[%add3A_136, %dma_wait3A_292] : memref<10240x64xf32, #tpu.memory_space<vmem_shared>> -> memref<128x64xf32, #tpu.memory_space<vmem_shared>>
      %dma_wait3A_294 = arith.constant 0 : i32
      %dma_wait3A_295 = tpu.memref_slice %arg8[%add3A_136, %dma_wait3A_294] : memref<10240x64xf32, #tpu.memory_space<vmem_shared>> -> memref<128x64xf32, #tpu.memory_space<vmem_shared>>
      tpu.wait_dma2 semaphore(%run_scoped3A : memref<!tpu.dma_semaphore, #tpu.memory_space<semaphore_mem>>) src(%dma_wait3A_295 : memref<128x64xf32, #tpu.memory_space<vmem_shared>>) dst(%arg16 : memref<128x64xf32, #tpu.memory_space<vmem>>)
      tpu.yield
    }) : () -> ()
    %add3A_137 = arith.addi %mul3A_40, %mul3A_0 : i32
    %add3A_138 = arith.constant 0 : i32
    %add3A_139 = arith.addi %add3A_137, %add3A_138 : i32
    "tpu.region"() ({
      %run_scoped3A = tpu.sem_alloc : memref<!tpu.dma_semaphore, #tpu.memory_space<semaphore_mem>>
      %dma_start3A_288 = arith.constant 0 : i32
      %dma_start3A_289 = tpu.memref_slice %arg5[%add3A_139, %dma_start3A_288] : memref<40960x64xf32, #tpu.memory_space<hbm>> -> memref<128x64xf32, #tpu.memory_space<hbm>>
      %dma_start3A_290 = arith.constant 0 : i32
      %dma_start3A_291 = tpu.memref_slice %arg5[%add3A_139, %dma_start3A_290] : memref<40960x64xf32, #tpu.memory_space<hbm>> -> memref<128x64xf32, #tpu.memory_space<hbm>>
      tpu.enqueue_dma source(%arg16 : memref<128x64xf32, #tpu.memory_space<vmem>>) target(%dma_start3A_291 : memref<128x64xf32, #tpu.memory_space<hbm>>) target_semaphore(%run_scoped3A : memref<!tpu.dma_semaphore, #tpu.memory_space<semaphore_mem>>)
      %dma_wait3A_292 = arith.constant 0 : i32
      %dma_wait3A_293 = tpu.memref_slice %arg5[%add3A_139, %dma_wait3A_292] : memref<40960x64xf32, #tpu.memory_space<hbm>> -> memref<128x64xf32, #tpu.memory_space<hbm>>
      %dma_wait3A_294 = arith.constant 0 : i32
      %dma_wait3A_295 = tpu.memref_slice %arg5[%add3A_139, %dma_wait3A_294] : memref<40960x64xf32, #tpu.memory_space<hbm>> -> memref<128x64xf32, #tpu.memory_space<hbm>>
      tpu.wait_dma2 semaphore(%run_scoped3A : memref<!tpu.dma_semaphore, #tpu.memory_space<semaphore_mem>>) src(%arg16 : memref<128x64xf32, #tpu.memory_space<vmem>>) dst(%dma_wait3A_295 : memref<128x64xf32, #tpu.memory_space<hbm>>)
      tpu.yield
    }) : () -> ()
    %add3A_140 = arith.constant 128 : i32
    %add3A_141 = arith.addi %mul3A_0, %add3A_140 : i32
    "tpu.region"() ({
      %run_scoped3A = tpu.sem_alloc : memref<!tpu.dma_semaphore, #tpu.memory_space<semaphore_mem>>
      %dma_start3A_288 = arith.constant 0 : i32
      %dma_start3A_289 = tpu.memref_slice %arg8[%add3A_141, %dma_start3A_288] : memref<10240x64xf32, #tpu.memory_space<vmem_shared>> -> memref<128x64xf32, #tpu.memory_space<vmem_shared>>
      %dma_start3A_290 = arith.constant 0 : i32
      %dma_start3A_291 = tpu.memref_slice %arg8[%add3A_141, %dma_start3A_290] : memref<10240x64xf32, #tpu.memory_space<vmem_shared>> -> memref<128x64xf32, #tpu.memory_space<vmem_shared>>
      tpu.enqueue_dma source(%dma_start3A_291 : memref<128x64xf32, #tpu.memory_space<vmem_shared>>) target(%arg16 : memref<128x64xf32, #tpu.memory_space<vmem>>) target_semaphore(%run_scoped3A : memref<!tpu.dma_semaphore, #tpu.memory_space<semaphore_mem>>)
      %dma_wait3A_292 = arith.constant 0 : i32
      %dma_wait3A_293 = tpu.memref_slice %arg8[%add3A_141, %dma_wait3A_292] : memref<10240x64xf32, #tpu.memory_space<vmem_shared>> -> memref<128x64xf32, #tpu.memory_space<vmem_shared>>
      %dma_wait3A_294 = arith.constant 0 : i32
      %dma_wait3A_295 = tpu.memref_slice %arg8[%add3A_141, %dma_wait3A_294] : memref<10240x64xf32, #tpu.memory_space<vmem_shared>> -> memref<128x64xf32, #tpu.memory_space<vmem_shared>>
      tpu.wait_dma2 semaphore(%run_scoped3A : memref<!tpu.dma_semaphore, #tpu.memory_space<semaphore_mem>>) src(%dma_wait3A_295 : memref<128x64xf32, #tpu.memory_space<vmem_shared>>) dst(%arg16 : memref<128x64xf32, #tpu.memory_space<vmem>>)
      tpu.yield
    }) : () -> ()
    %add3A_142 = arith.addi %mul3A_40, %mul3A_0 : i32
    %add3A_143 = arith.constant 128 : i32
    %add3A_144 = arith.addi %add3A_142, %add3A_143 : i32
    "tpu.region"() ({
      %run_scoped3A = tpu.sem_alloc : memref<!tpu.dma_semaphore, #tpu.memory_space<semaphore_mem>>
      %dma_start3A_288 = arith.constant 0 : i32
      %dma_start3A_289 = tpu.memref_slice %arg5[%add3A_144, %dma_start3A_288] : memref<40960x64xf32, #tpu.memory_space<hbm>> -> memref<128x64xf32, #tpu.memory_space<hbm>>
      %dma_start3A_290 = arith.constant 0 : i32
      %dma_start3A_291 = tpu.memref_slice %arg5[%add3A_144, %dma_start3A_290] : memref<40960x64xf32, #tpu.memory_space<hbm>> -> memref<128x64xf32, #tpu.memory_space<hbm>>
      tpu.enqueue_dma source(%arg16 : memref<128x64xf32, #tpu.memory_space<vmem>>) target(%dma_start3A_291 : memref<128x64xf32, #tpu.memory_space<hbm>>) target_semaphore(%run_scoped3A : memref<!tpu.dma_semaphore, #tpu.memory_space<semaphore_mem>>)
      %dma_wait3A_292 = arith.constant 0 : i32
      %dma_wait3A_293 = tpu.memref_slice %arg5[%add3A_144, %dma_wait3A_292] : memref<40960x64xf32, #tpu.memory_space<hbm>> -> memref<128x64xf32, #tpu.memory_space<hbm>>
      %dma_wait3A_294 = arith.constant 0 : i32
      %dma_wait3A_295 = tpu.memref_slice %arg5[%add3A_144, %dma_wait3A_294] : memref<40960x64xf32, #tpu.memory_space<hbm>> -> memref<128x64xf32, #tpu.memory_space<hbm>>
      tpu.wait_dma2 semaphore(%run_scoped3A : memref<!tpu.dma_semaphore, #tpu.memory_space<semaphore_mem>>) src(%arg16 : memref<128x64xf32, #tpu.memory_space<vmem>>) dst(%dma_wait3A_295 : memref<128x64xf32, #tpu.memory_space<hbm>>)
      tpu.yield
    }) : () -> ()
    %add3A_145 = arith.constant 256 : i32
    %add3A_146 = arith.addi %mul3A_0, %add3A_145 : i32
    "tpu.region"() ({
      %run_scoped3A = tpu.sem_alloc : memref<!tpu.dma_semaphore, #tpu.memory_space<semaphore_mem>>
      %dma_start3A_288 = arith.constant 0 : i32
      %dma_start3A_289 = tpu.memref_slice %arg8[%add3A_146, %dma_start3A_288] : memref<10240x64xf32, #tpu.memory_space<vmem_shared>> -> memref<128x64xf32, #tpu.memory_space<vmem_shared>>
      %dma_start3A_290 = arith.constant 0 : i32
      %dma_start3A_291 = tpu.memref_slice %arg8[%add3A_146, %dma_start3A_290] : memref<10240x64xf32, #tpu.memory_space<vmem_shared>> -> memref<128x64xf32, #tpu.memory_space<vmem_shared>>
      tpu.enqueue_dma source(%dma_start3A_291 : memref<128x64xf32, #tpu.memory_space<vmem_shared>>) target(%arg16 : memref<128x64xf32, #tpu.memory_space<vmem>>) target_semaphore(%run_scoped3A : memref<!tpu.dma_semaphore, #tpu.memory_space<semaphore_mem>>)
      %dma_wait3A_292 = arith.constant 0 : i32
      %dma_wait3A_293 = tpu.memref_slice %arg8[%add3A_146, %dma_wait3A_292] : memref<10240x64xf32, #tpu.memory_space<vmem_shared>> -> memref<128x64xf32, #tpu.memory_space<vmem_shared>>
      %dma_wait3A_294 = arith.constant 0 : i32
      %dma_wait3A_295 = tpu.memref_slice %arg8[%add3A_146, %dma_wait3A_294] : memref<10240x64xf32, #tpu.memory_space<vmem_shared>> -> memref<128x64xf32, #tpu.memory_space<vmem_shared>>
      tpu.wait_dma2 semaphore(%run_scoped3A : memref<!tpu.dma_semaphore, #tpu.memory_space<semaphore_mem>>) src(%dma_wait3A_295 : memref<128x64xf32, #tpu.memory_space<vmem_shared>>) dst(%arg16 : memref<128x64xf32, #tpu.memory_space<vmem>>)
      tpu.yield
    }) : () -> ()
    %add3A_147 = arith.addi %mul3A_40, %mul3A_0 : i32
    %add3A_148 = arith.constant 256 : i32
    %add3A_149 = arith.addi %add3A_147, %add3A_148 : i32
    "tpu.region"() ({
      %run_scoped3A = tpu.sem_alloc : memref<!tpu.dma_semaphore, #tpu.memory_space<semaphore_mem>>
      %dma_start3A_288 = arith.constant 0 : i32
      %dma_start3A_289 = tpu.memref_slice %arg5[%add3A_149, %dma_start3A_288] : memref<40960x64xf32, #tpu.memory_space<hbm>> -> memref<128x64xf32, #tpu.memory_space<hbm>>
      %dma_start3A_290 = arith.constant 0 : i32
      %dma_start3A_291 = tpu.memref_slice %arg5[%add3A_149, %dma_start3A_290] : memref<40960x64xf32, #tpu.memory_space<hbm>> -> memref<128x64xf32, #tpu.memory_space<hbm>>
      tpu.enqueue_dma source(%arg16 : memref<128x64xf32, #tpu.memory_space<vmem>>) target(%dma_start3A_291 : memref<128x64xf32, #tpu.memory_space<hbm>>) target_semaphore(%run_scoped3A : memref<!tpu.dma_semaphore, #tpu.memory_space<semaphore_mem>>)
      %dma_wait3A_292 = arith.constant 0 : i32
      %dma_wait3A_293 = tpu.memref_slice %arg5[%add3A_149, %dma_wait3A_292] : memref<40960x64xf32, #tpu.memory_space<hbm>> -> memref<128x64xf32, #tpu.memory_space<hbm>>
      %dma_wait3A_294 = arith.constant 0 : i32
      %dma_wait3A_295 = tpu.memref_slice %arg5[%add3A_149, %dma_wait3A_294] : memref<40960x64xf32, #tpu.memory_space<hbm>> -> memref<128x64xf32, #tpu.memory_space<hbm>>
      tpu.wait_dma2 semaphore(%run_scoped3A : memref<!tpu.dma_semaphore, #tpu.memory_space<semaphore_mem>>) src(%arg16 : memref<128x64xf32, #tpu.memory_space<vmem>>) dst(%dma_wait3A_295 : memref<128x64xf32, #tpu.memory_space<hbm>>)
      tpu.yield
    }) : () -> ()
    %add3A_150 = arith.constant 384 : i32
    %add3A_151 = arith.addi %mul3A_0, %add3A_150 : i32
    "tpu.region"() ({
      %run_scoped3A = tpu.sem_alloc : memref<!tpu.dma_semaphore, #tpu.memory_space<semaphore_mem>>
      %dma_start3A_288 = arith.constant 0 : i32
      %dma_start3A_289 = tpu.memref_slice %arg8[%add3A_151, %dma_start3A_288] : memref<10240x64xf32, #tpu.memory_space<vmem_shared>> -> memref<128x64xf32, #tpu.memory_space<vmem_shared>>
      %dma_start3A_290 = arith.constant 0 : i32
      %dma_start3A_291 = tpu.memref_slice %arg8[%add3A_151, %dma_start3A_290] : memref<10240x64xf32, #tpu.memory_space<vmem_shared>> -> memref<128x64xf32, #tpu.memory_space<vmem_shared>>
      tpu.enqueue_dma source(%dma_start3A_291 : memref<128x64xf32, #tpu.memory_space<vmem_shared>>) target(%arg16 : memref<128x64xf32, #tpu.memory_space<vmem>>) target_semaphore(%run_scoped3A : memref<!tpu.dma_semaphore, #tpu.memory_space<semaphore_mem>>)
      %dma_wait3A_292 = arith.constant 0 : i32
      %dma_wait3A_293 = tpu.memref_slice %arg8[%add3A_151, %dma_wait3A_292] : memref<10240x64xf32, #tpu.memory_space<vmem_shared>> -> memref<128x64xf32, #tpu.memory_space<vmem_shared>>
      %dma_wait3A_294 = arith.constant 0 : i32
      %dma_wait3A_295 = tpu.memref_slice %arg8[%add3A_151, %dma_wait3A_294] : memref<10240x64xf32, #tpu.memory_space<vmem_shared>> -> memref<128x64xf32, #tpu.memory_space<vmem_shared>>
      tpu.wait_dma2 semaphore(%run_scoped3A : memref<!tpu.dma_semaphore, #tpu.memory_space<semaphore_mem>>) src(%dma_wait3A_295 : memref<128x64xf32, #tpu.memory_space<vmem_shared>>) dst(%arg16 : memref<128x64xf32, #tpu.memory_space<vmem>>)
      tpu.yield
    }) : () -> ()
    %add3A_152 = arith.addi %mul3A_40, %mul3A_0 : i32
    %add3A_153 = arith.constant 384 : i32
    %add3A_154 = arith.addi %add3A_152, %add3A_153 : i32
    "tpu.region"() ({
      %run_scoped3A = tpu.sem_alloc : memref<!tpu.dma_semaphore, #tpu.memory_space<semaphore_mem>>
      %dma_start3A_288 = arith.constant 0 : i32
      %dma_start3A_289 = tpu.memref_slice %arg5[%add3A_154, %dma_start3A_288] : memref<40960x64xf32, #tpu.memory_space<hbm>> -> memref<128x64xf32, #tpu.memory_space<hbm>>
      %dma_start3A_290 = arith.constant 0 : i32
      %dma_start3A_291 = tpu.memref_slice %arg5[%add3A_154, %dma_start3A_290] : memref<40960x64xf32, #tpu.memory_space<hbm>> -> memref<128x64xf32, #tpu.memory_space<hbm>>
      tpu.enqueue_dma source(%arg16 : memref<128x64xf32, #tpu.memory_space<vmem>>) target(%dma_start3A_291 : memref<128x64xf32, #tpu.memory_space<hbm>>) target_semaphore(%run_scoped3A : memref<!tpu.dma_semaphore, #tpu.memory_space<semaphore_mem>>)
      %dma_wait3A_292 = arith.constant 0 : i32
      %dma_wait3A_293 = tpu.memref_slice %arg5[%add3A_154, %dma_wait3A_292] : memref<40960x64xf32, #tpu.memory_space<hbm>> -> memref<128x64xf32, #tpu.memory_space<hbm>>
      %dma_wait3A_294 = arith.constant 0 : i32
      %dma_wait3A_295 = tpu.memref_slice %arg5[%add3A_154, %dma_wait3A_294] : memref<40960x64xf32, #tpu.memory_space<hbm>> -> memref<128x64xf32, #tpu.memory_space<hbm>>
      tpu.wait_dma2 semaphore(%run_scoped3A : memref<!tpu.dma_semaphore, #tpu.memory_space<semaphore_mem>>) src(%arg16 : memref<128x64xf32, #tpu.memory_space<vmem>>) dst(%dma_wait3A_295 : memref<128x64xf32, #tpu.memory_space<hbm>>)
      tpu.yield
    }) : () -> ()
    %add3A_155 = arith.constant 512 : i32
    %add3A_156 = arith.addi %mul3A_0, %add3A_155 : i32
    "tpu.region"() ({
      %run_scoped3A = tpu.sem_alloc : memref<!tpu.dma_semaphore, #tpu.memory_space<semaphore_mem>>
      %dma_start3A_288 = arith.constant 0 : i32
      %dma_start3A_289 = tpu.memref_slice %arg8[%add3A_156, %dma_start3A_288] : memref<10240x64xf32, #tpu.memory_space<vmem_shared>> -> memref<128x64xf32, #tpu.memory_space<vmem_shared>>
      %dma_start3A_290 = arith.constant 0 : i32
      %dma_start3A_291 = tpu.memref_slice %arg8[%add3A_156, %dma_start3A_290] : memref<10240x64xf32, #tpu.memory_space<vmem_shared>> -> memref<128x64xf32, #tpu.memory_space<vmem_shared>>
      tpu.enqueue_dma source(%dma_start3A_291 : memref<128x64xf32, #tpu.memory_space<vmem_shared>>) target(%arg16 : memref<128x64xf32, #tpu.memory_space<vmem>>) target_semaphore(%run_scoped3A : memref<!tpu.dma_semaphore, #tpu.memory_space<semaphore_mem>>)
      %dma_wait3A_292 = arith.constant 0 : i32
      %dma_wait3A_293 = tpu.memref_slice %arg8[%add3A_156, %dma_wait3A_292] : memref<10240x64xf32, #tpu.memory_space<vmem_shared>> -> memref<128x64xf32, #tpu.memory_space<vmem_shared>>
      %dma_wait3A_294 = arith.constant 0 : i32
      %dma_wait3A_295 = tpu.memref_slice %arg8[%add3A_156, %dma_wait3A_294] : memref<10240x64xf32, #tpu.memory_space<vmem_shared>> -> memref<128x64xf32, #tpu.memory_space<vmem_shared>>
      tpu.wait_dma2 semaphore(%run_scoped3A : memref<!tpu.dma_semaphore, #tpu.memory_space<semaphore_mem>>) src(%dma_wait3A_295 : memref<128x64xf32, #tpu.memory_space<vmem_shared>>) dst(%arg16 : memref<128x64xf32, #tpu.memory_space<vmem>>)
      tpu.yield
    }) : () -> ()
    %add3A_157 = arith.addi %mul3A_40, %mul3A_0 : i32
    %add3A_158 = arith.constant 512 : i32
    %add3A_159 = arith.addi %add3A_157, %add3A_158 : i32
    "tpu.region"() ({
      %run_scoped3A = tpu.sem_alloc : memref<!tpu.dma_semaphore, #tpu.memory_space<semaphore_mem>>
      %dma_start3A_288 = arith.constant 0 : i32
      %dma_start3A_289 = tpu.memref_slice %arg5[%add3A_159, %dma_start3A_288] : memref<40960x64xf32, #tpu.memory_space<hbm>> -> memref<128x64xf32, #tpu.memory_space<hbm>>
      %dma_start3A_290 = arith.constant 0 : i32
      %dma_start3A_291 = tpu.memref_slice %arg5[%add3A_159, %dma_start3A_290] : memref<40960x64xf32, #tpu.memory_space<hbm>> -> memref<128x64xf32, #tpu.memory_space<hbm>>
      tpu.enqueue_dma source(%arg16 : memref<128x64xf32, #tpu.memory_space<vmem>>) target(%dma_start3A_291 : memref<128x64xf32, #tpu.memory_space<hbm>>) target_semaphore(%run_scoped3A : memref<!tpu.dma_semaphore, #tpu.memory_space<semaphore_mem>>)
      %dma_wait3A_292 = arith.constant 0 : i32
      %dma_wait3A_293 = tpu.memref_slice %arg5[%add3A_159, %dma_wait3A_292] : memref<40960x64xf32, #tpu.memory_space<hbm>> -> memref<128x64xf32, #tpu.memory_space<hbm>>
      %dma_wait3A_294 = arith.constant 0 : i32
      %dma_wait3A_295 = tpu.memref_slice %arg5[%add3A_159, %dma_wait3A_294] : memref<40960x64xf32, #tpu.memory_space<hbm>> -> memref<128x64xf32, #tpu.memory_space<hbm>>
      tpu.wait_dma2 semaphore(%run_scoped3A : memref<!tpu.dma_semaphore, #tpu.memory_space<semaphore_mem>>) src(%arg16 : memref<128x64xf32, #tpu.memory_space<vmem>>) dst(%dma_wait3A_295 : memref<128x64xf32, #tpu.memory_space<hbm>>)
      tpu.yield
    }) : () -> ()
    %mul3A_160 = arith.constant 2 : i32
    %mul3A_161 = arith.muli %arg0, %mul3A_160 : i32
    %add3A_162 = arith.constant 1 : i32
    %add3A_163 = arith.addi %mul3A_161, %add3A_162 : i32
    %mul3A_164 = arith.constant 10240 : i32
    %mul3A_165 = arith.muli %add3A_163, %mul3A_164 : i32
    %broadcast_in_dim3A_166 = arith.constant 10240 : i32
    %broadcast_in_dim3A_167 = vector.broadcast %broadcast_in_dim3A_166 : i32 to vector<16xi32>
    %scan3A_168 = arith.constant 0 : i32
    %scan3A_169 = arith.constant 125 : i32
    %scan3A_170 = arith.addi %scan3A_168, %scan3A_169 : i32
    %scan3A_171 = arith.constant 1 : i32
    scf.for %scan3A_288 = %scan3A_168 to %scan3A_170 step %scan3A_171  : i32 {
      %mul3A_289 = arith.constant 1 : i32
      %mul3A_290 = arith.muli %scan3A_288, %mul3A_289 : i32
      %add3A_291 = arith.constant 0 : i32
      %add3A_292 = arith.addi %add3A_291, %mul3A_290 : i32
      %get3A = arith.index_cast %add3A_292 : i32 to index
      %get3A_293 = arith.constant 0 : index
      %get3A_294 = tpu.vector_load %arg12[%get3A, %get3A_293] {strides = array<i32>} : memref<125x80xi32, #tpu.memory_space<vmem>>, vector<1x16xi32>,
      %get3A_295 = vector.shape_cast %get3A_294 : vector<1x16xi32> to vector<16xi32>
      %add3A_296 = arith.addi %get3A_295, %broadcast_in_dim3A_167 : vector<16xi32>
      %swap3A = arith.index_cast %add3A_292 : i32 to index
      %swap3A_297 = arith.constant 0 : index
      %swap3A_298 = tpu.vector_load %arg12[%swap3A, %swap3A_297] {strides = array<i32>} : memref<125x80xi32, #tpu.memory_space<vmem>>, vector<1x16xi32>,
      %swap3A_299 = vector.shape_cast %swap3A_298 : vector<1x16xi32> to vector<16xi32>
      %swap3A_300 = vector.shape_cast %add3A_296 : vector<16xi32> to vector<1x16xi32>
      tpu.vector_store %arg12[%swap3A, %swap3A_297], %swap3A_300 {strides = array<i32>} : memref<125x80xi32, #tpu.memory_space<vmem>>, vector<1x16xi32>,
      %get3A_301 = arith.index_cast %add3A_292 : i32 to index
      %get3A_302 = arith.constant 16 : index
      %get3A_303 = tpu.vector_load %arg12[%get3A_301, %get3A_302] {strides = array<i32>} : memref<125x80xi32, #tpu.memory_space<vmem>>, vector<1x16xi32>,
      %get3A_304 = vector.shape_cast %get3A_303 : vector<1x16xi32> to vector<16xi32>
      %add3A_305 = arith.addi %get3A_304, %broadcast_in_dim3A_167 : vector<16xi32>
      %swap3A_306 = arith.index_cast %add3A_292 : i32 to index
      %swap3A_307 = arith.constant 16 : index
      %swap3A_308 = tpu.vector_load %arg12[%swap3A_306, %swap3A_307] {strides = array<i32>} : memref<125x80xi32, #tpu.memory_space<vmem>>, vector<1x16xi32>,
      %swap3A_309 = vector.shape_cast %swap3A_308 : vector<1x16xi32> to vector<16xi32>
      %swap3A_310 = vector.shape_cast %add3A_305 : vector<16xi32> to vector<1x16xi32>
      tpu.vector_store %arg12[%swap3A_306, %swap3A_307], %swap3A_310 {strides = array<i32>} : memref<125x80xi32, #tpu.memory_space<vmem>>, vector<1x16xi32>,
      %get3A_311 = arith.index_cast %add3A_292 : i32 to index
      %get3A_312 = arith.constant 32 : index
      %get3A_313 = tpu.vector_load %arg12[%get3A_311, %get3A_312] {strides = array<i32>} : memref<125x80xi32, #tpu.memory_space<vmem>>, vector<1x16xi32>,
      %get3A_314 = vector.shape_cast %get3A_313 : vector<1x16xi32> to vector<16xi32>
      %add3A_315 = arith.addi %get3A_314, %broadcast_in_dim3A_167 : vector<16xi32>
      %swap3A_316 = arith.index_cast %add3A_292 : i32 to index
      %swap3A_317 = arith.constant 32 : index
      %swap3A_318 = tpu.vector_load %arg12[%swap3A_316, %swap3A_317] {strides = array<i32>} : memref<125x80xi32, #tpu.memory_space<vmem>>, vector<1x16xi32>,
      %swap3A_319 = vector.shape_cast %swap3A_318 : vector<1x16xi32> to vector<16xi32>
      %swap3A_320 = vector.shape_cast %add3A_315 : vector<16xi32> to vector<1x16xi32>
      tpu.vector_store %arg12[%swap3A_316, %swap3A_317], %swap3A_320 {strides = array<i32>} : memref<125x80xi32, #tpu.memory_space<vmem>>, vector<1x16xi32>,
      %get3A_321 = arith.index_cast %add3A_292 : i32 to index
      %get3A_322 = arith.constant 48 : index
      %get3A_323 = tpu.vector_load %arg12[%get3A_321, %get3A_322] {strides = array<i32>} : memref<125x80xi32, #tpu.memory_space<vmem>>, vector<1x16xi32>,
      %get3A_324 = vector.shape_cast %get3A_323 : vector<1x16xi32> to vector<16xi32>
      %add3A_325 = arith.addi %get3A_324, %broadcast_in_dim3A_167 : vector<16xi32>
      %swap3A_326 = arith.index_cast %add3A_292 : i32 to index
      %swap3A_327 = arith.constant 48 : index
      %swap3A_328 = tpu.vector_load %arg12[%swap3A_326, %swap3A_327] {strides = array<i32>} : memref<125x80xi32, #tpu.memory_space<vmem>>, vector<1x16xi32>,
      %swap3A_329 = vector.shape_cast %swap3A_328 : vector<1x16xi32> to vector<16xi32>
      %swap3A_330 = vector.shape_cast %add3A_325 : vector<16xi32> to vector<1x16xi32>
      tpu.vector_store %arg12[%swap3A_326, %swap3A_327], %swap3A_330 {strides = array<i32>} : memref<125x80xi32, #tpu.memory_space<vmem>>, vector<1x16xi32>,
      %get3A_331 = arith.index_cast %add3A_292 : i32 to index
      %get3A_332 = arith.constant 64 : index
      %get3A_333 = tpu.vector_load %arg12[%get3A_331, %get3A_332] {strides = array<i32>} : memref<125x80xi32, #tpu.memory_space<vmem>>, vector<1x16xi32>,
      %get3A_334 = vector.shape_cast %get3A_333 : vector<1x16xi32> to vector<16xi32>
      %add3A_335 = arith.addi %get3A_334, %broadcast_in_dim3A_167 : vector<16xi32>
      %swap3A_336 = arith.index_cast %add3A_292 : i32 to index
      %swap3A_337 = arith.constant 64 : index
      %swap3A_338 = tpu.vector_load %arg12[%swap3A_336, %swap3A_337] {strides = array<i32>} : memref<125x80xi32, #tpu.memory_space<vmem>>, vector<1x16xi32>,
      %swap3A_339 = vector.shape_cast %swap3A_338 : vector<1x16xi32> to vector<16xi32>
      %swap3A_340 = vector.shape_cast %add3A_335 : vector<16xi32> to vector<1x16xi32>
      tpu.vector_store %arg12[%swap3A_336, %swap3A_337], %swap3A_340 {strides = array<i32>} : memref<125x80xi32, #tpu.memory_space<vmem>>, vector<1x16xi32>,
    }
    %scan3A_172 = arith.constant 125 : i32
    %scan3A_173 = arith.constant 0 : i32
    %scan3A_174 = arith.constant 128 : i32
    %scan3A_175 = arith.addi %scan3A_173, %scan3A_174 : i32
    %scan3A_176 = arith.constant 1 : i32
    scf.for %scan3A_288 = %scan3A_173 to %scan3A_175 step %scan3A_176  : i32 {
      %mul3A_289 = arith.constant 1 : i32
      %mul3A_290 = arith.muli %scan3A_288, %mul3A_289 : i32
      %add3A_291 = arith.constant 0 : i32
      %add3A_292 = arith.addi %add3A_291, %mul3A_290 : i32
      %swap3A = arith.index_cast %add3A_292 : i32 to index
      %swap3A_293 = arith.constant 0 : index
      %swap3A_294 = tpu.vector_load %arg16[%swap3A, %swap3A_293] {strides = array<i32>} : memref<128x64xf32, #tpu.memory_space<vmem>>, vector<1x16xf32>,
      %swap3A_295 = vector.shape_cast %swap3A_294 : vector<1x16xf32> to vector<16xf32>
      %swap3A_296 = vector.shape_cast %broadcast_in_dim3A_1 : vector<16xf32> to vector<1x16xf32>
      tpu.vector_store %arg16[%swap3A, %swap3A_293], %swap3A_296 {strides = array<i32>} : memref<128x64xf32, #tpu.memory_space<vmem>>, vector<1x16xf32>,
      %swap3A_297 = arith.index_cast %add3A_292 : i32 to index
      %swap3A_298 = arith.constant 16 : index
      %swap3A_299 = tpu.vector_load %arg16[%swap3A_297, %swap3A_298] {strides = array<i32>} : memref<128x64xf32, #tpu.memory_space<vmem>>, vector<1x16xf32>,
      %swap3A_300 = vector.shape_cast %swap3A_299 : vector<1x16xf32> to vector<16xf32>
      %swap3A_301 = vector.shape_cast %broadcast_in_dim3A_1 : vector<16xf32> to vector<1x16xf32>
      tpu.vector_store %arg16[%swap3A_297, %swap3A_298], %swap3A_301 {strides = array<i32>} : memref<128x64xf32, #tpu.memory_space<vmem>>, vector<1x16xf32>,
      %swap3A_302 = arith.index_cast %add3A_292 : i32 to index
      %swap3A_303 = arith.constant 32 : index
      %swap3A_304 = tpu.vector_load %arg16[%swap3A_302, %swap3A_303] {strides = array<i32>} : memref<128x64xf32, #tpu.memory_space<vmem>>, vector<1x16xf32>,
      %swap3A_305 = vector.shape_cast %swap3A_304 : vector<1x16xf32> to vector<16xf32>
      %swap3A_306 = vector.shape_cast %broadcast_in_dim3A_1 : vector<16xf32> to vector<1x16xf32>
      tpu.vector_store %arg16[%swap3A_302, %swap3A_303], %swap3A_306 {strides = array<i32>} : memref<128x64xf32, #tpu.memory_space<vmem>>, vector<1x16xf32>,
      %swap3A_307 = arith.index_cast %add3A_292 : i32 to index
      %swap3A_308 = arith.constant 48 : index
      %swap3A_309 = tpu.vector_load %arg16[%swap3A_307, %swap3A_308] {strides = array<i32>} : memref<128x64xf32, #tpu.memory_space<vmem>>, vector<1x16xf32>,
      %swap3A_310 = vector.shape_cast %swap3A_309 : vector<1x16xf32> to vector<16xf32>
      %swap3A_311 = vector.shape_cast %broadcast_in_dim3A_1 : vector<16xf32> to vector<1x16xf32>
      tpu.vector_store %arg16[%swap3A_307, %swap3A_308], %swap3A_311 {strides = array<i32>} : memref<128x64xf32, #tpu.memory_space<vmem>>, vector<1x16xf32>,
    }
    %scan3A_177 = arith.constant 128 : i32
    %add3A_178 = arith.constant 0 : i32
    %add3A_179 = arith.addi %mul3A_0, %add3A_178 : i32
    "tpu.region"() ({
      %run_scoped3A = tpu.sem_alloc : memref<!tpu.dma_semaphore, #tpu.memory_space<semaphore_mem>>
      %dma_start3A_288 = arith.constant 0 : i32
      %dma_start3A_289 = tpu.memref_slice %arg8[%add3A_179, %dma_start3A_288] : memref<10240x64xf32, #tpu.memory_space<vmem_shared>> -> memref<128x64xf32, #tpu.memory_space<vmem_shared>>
      %dma_start3A_290 = arith.constant 0 : i32
      %dma_start3A_291 = tpu.memref_slice %arg8[%add3A_179, %dma_start3A_290] : memref<10240x64xf32, #tpu.memory_space<vmem_shared>> -> memref<128x64xf32, #tpu.memory_space<vmem_shared>>
      tpu.enqueue_dma source(%arg16 : memref<128x64xf32, #tpu.memory_space<vmem>>) target(%dma_start3A_291 : memref<128x64xf32, #tpu.memory_space<vmem_shared>>) target_semaphore(%run_scoped3A : memref<!tpu.dma_semaphore, #tpu.memory_space<semaphore_mem>>)
      %dma_wait3A_292 = arith.constant 0 : i32
      %dma_wait3A_293 = tpu.memref_slice %arg8[%add3A_179, %dma_wait3A_292] : memref<10240x64xf32, #tpu.memory_space<vmem_shared>> -> memref<128x64xf32, #tpu.memory_space<vmem_shared>>
      %dma_wait3A_294 = arith.constant 0 : i32
      %dma_wait3A_295 = tpu.memref_slice %arg8[%add3A_179, %dma_wait3A_294] : memref<10240x64xf32, #tpu.memory_space<vmem_shared>> -> memref<128x64xf32, #tpu.memory_space<vmem_shared>>
      tpu.wait_dma2 semaphore(%run_scoped3A : memref<!tpu.dma_semaphore, #tpu.memory_space<semaphore_mem>>) src(%arg16 : memref<128x64xf32, #tpu.memory_space<vmem>>) dst(%dma_wait3A_295 : memref<128x64xf32, #tpu.memory_space<vmem_shared>>)
      tpu.yield
    }) : () -> ()
    %add3A_180 = arith.constant 128 : i32
    %add3A_181 = arith.addi %mul3A_0, %add3A_180 : i32
    "tpu.region"() ({
      %run_scoped3A = tpu.sem_alloc : memref<!tpu.dma_semaphore, #tpu.memory_space<semaphore_mem>>
      %dma_start3A_288 = arith.constant 0 : i32
      %dma_start3A_289 = tpu.memref_slice %arg8[%add3A_181, %dma_start3A_288] : memref<10240x64xf32, #tpu.memory_space<vmem_shared>> -> memref<128x64xf32, #tpu.memory_space<vmem_shared>>
      %dma_start3A_290 = arith.constant 0 : i32
      %dma_start3A_291 = tpu.memref_slice %arg8[%add3A_181, %dma_start3A_290] : memref<10240x64xf32, #tpu.memory_space<vmem_shared>> -> memref<128x64xf32, #tpu.memory_space<vmem_shared>>
      tpu.enqueue_dma source(%arg16 : memref<128x64xf32, #tpu.memory_space<vmem>>) target(%dma_start3A_291 : memref<128x64xf32, #tpu.memory_space<vmem_shared>>) target_semaphore(%run_scoped3A : memref<!tpu.dma_semaphore, #tpu.memory_space<semaphore_mem>>)
      %dma_wait3A_292 = arith.constant 0 : i32
      %dma_wait3A_293 = tpu.memref_slice %arg8[%add3A_181, %dma_wait3A_292] : memref<10240x64xf32, #tpu.memory_space<vmem_shared>> -> memref<128x64xf32, #tpu.memory_space<vmem_shared>>
      %dma_wait3A_294 = arith.constant 0 : i32
      %dma_wait3A_295 = tpu.memref_slice %arg8[%add3A_181, %dma_wait3A_294] : memref<10240x64xf32, #tpu.memory_space<vmem_shared>> -> memref<128x64xf32, #tpu.memory_space<vmem_shared>>
      tpu.wait_dma2 semaphore(%run_scoped3A : memref<!tpu.dma_semaphore, #tpu.memory_space<semaphore_mem>>) src(%arg16 : memref<128x64xf32, #tpu.memory_space<vmem>>) dst(%dma_wait3A_295 : memref<128x64xf32, #tpu.memory_space<vmem_shared>>)
      tpu.yield
    }) : () -> ()
    %add3A_182 = arith.constant 256 : i32
    %add3A_183 = arith.addi %mul3A_0, %add3A_182 : i32
    "tpu.region"() ({
      %run_scoped3A = tpu.sem_alloc : memref<!tpu.dma_semaphore, #tpu.memory_space<semaphore_mem>>
      %dma_start3A_288 = arith.constant 0 : i32
      %dma_start3A_289 = tpu.memref_slice %arg8[%add3A_183, %dma_start3A_288] : memref<10240x64xf32, #tpu.memory_space<vmem_shared>> -> memref<128x64xf32, #tpu.memory_space<vmem_shared>>
      %dma_start3A_290 = arith.constant 0 : i32
      %dma_start3A_291 = tpu.memref_slice %arg8[%add3A_183, %dma_start3A_290] : memref<10240x64xf32, #tpu.memory_space<vmem_shared>> -> memref<128x64xf32, #tpu.memory_space<vmem_shared>>
      tpu.enqueue_dma source(%arg16 : memref<128x64xf32, #tpu.memory_space<vmem>>) target(%dma_start3A_291 : memref<128x64xf32, #tpu.memory_space<vmem_shared>>) target_semaphore(%run_scoped3A : memref<!tpu.dma_semaphore, #tpu.memory_space<semaphore_mem>>)
      %dma_wait3A_292 = arith.constant 0 : i32
      %dma_wait3A_293 = tpu.memref_slice %arg8[%add3A_183, %dma_wait3A_292] : memref<10240x64xf32, #tpu.memory_space<vmem_shared>> -> memref<128x64xf32, #tpu.memory_space<vmem_shared>>
      %dma_wait3A_294 = arith.constant 0 : i32
      %dma_wait3A_295 = tpu.memref_slice %arg8[%add3A_183, %dma_wait3A_294] : memref<10240x64xf32, #tpu.memory_space<vmem_shared>> -> memref<128x64xf32, #tpu.memory_space<vmem_shared>>
      tpu.wait_dma2 semaphore(%run_scoped3A : memref<!tpu.dma_semaphore, #tpu.memory_space<semaphore_mem>>) src(%arg16 : memref<128x64xf32, #tpu.memory_space<vmem>>) dst(%dma_wait3A_295 : memref<128x64xf32, #tpu.memory_space<vmem_shared>>)
      tpu.yield
    }) : () -> ()
    %add3A_184 = arith.constant 384 : i32
    %add3A_185 = arith.addi %mul3A_0, %add3A_184 : i32
    "tpu.region"() ({
      %run_scoped3A = tpu.sem_alloc : memref<!tpu.dma_semaphore, #tpu.memory_space<semaphore_mem>>
      %dma_start3A_288 = arith.constant 0 : i32
      %dma_start3A_289 = tpu.memref_slice %arg8[%add3A_185, %dma_start3A_288] : memref<10240x64xf32, #tpu.memory_space<vmem_shared>> -> memref<128x64xf32, #tpu.memory_space<vmem_shared>>
      %dma_start3A_290 = arith.constant 0 : i32
      %dma_start3A_291 = tpu.memref_slice %arg8[%add3A_185, %dma_start3A_290] : memref<10240x64xf32, #tpu.memory_space<vmem_shared>> -> memref<128x64xf32, #tpu.memory_space<vmem_shared>>
      tpu.enqueue_dma source(%arg16 : memref<128x64xf32, #tpu.memory_space<vmem>>) target(%dma_start3A_291 : memref<128x64xf32, #tpu.memory_space<vmem_shared>>) target_semaphore(%run_scoped3A : memref<!tpu.dma_semaphore, #tpu.memory_space<semaphore_mem>>)
      %dma_wait3A_292 = arith.constant 0 : i32
      %dma_wait3A_293 = tpu.memref_slice %arg8[%add3A_185, %dma_wait3A_292] : memref<10240x64xf32, #tpu.memory_space<vmem_shared>> -> memref<128x64xf32, #tpu.memory_space<vmem_shared>>
      %dma_wait3A_294 = arith.constant 0 : i32
      %dma_wait3A_295 = tpu.memref_slice %arg8[%add3A_185, %dma_wait3A_294] : memref<10240x64xf32, #tpu.memory_space<vmem_shared>> -> memref<128x64xf32, #tpu.memory_space<vmem_shared>>
      tpu.wait_dma2 semaphore(%run_scoped3A : memref<!tpu.dma_semaphore, #tpu.memory_space<semaphore_mem>>) src(%arg16 : memref<128x64xf32, #tpu.memory_space<vmem>>) dst(%dma_wait3A_295 : memref<128x64xf32, #tpu.memory_space<vmem_shared>>)
      tpu.yield
    }) : () -> ()
    %add3A_186 = arith.constant 512 : i32
    %add3A_187 = arith.addi %mul3A_0, %add3A_186 : i32
    "tpu.region"() ({
      %run_scoped3A = tpu.sem_alloc : memref<!tpu.dma_semaphore, #tpu.memory_space<semaphore_mem>>
      %dma_start3A_288 = arith.constant 0 : i32
      %dma_start3A_289 = tpu.memref_slice %arg8[%add3A_187, %dma_start3A_288] : memref<10240x64xf32, #tpu.memory_space<vmem_shared>> -> memref<128x64xf32, #tpu.memory_space<vmem_shared>>
      %dma_start3A_290 = arith.constant 0 : i32
      %dma_start3A_291 = tpu.memref_slice %arg8[%add3A_187, %dma_start3A_290] : memref<10240x64xf32, #tpu.memory_space<vmem_shared>> -> memref<128x64xf32, #tpu.memory_space<vmem_shared>>
      tpu.enqueue_dma source(%arg16 : memref<128x64xf32, #tpu.memory_space<vmem>>) target(%dma_start3A_291 : memref<128x64xf32, #tpu.memory_space<vmem_shared>>) target_semaphore(%run_scoped3A : memref<!tpu.dma_semaphore, #tpu.memory_space<semaphore_mem>>)
      %dma_wait3A_292 = arith.constant 0 : i32
      %dma_wait3A_293 = tpu.memref_slice %arg8[%add3A_187, %dma_wait3A_292] : memref<10240x64xf32, #tpu.memory_space<vmem_shared>> -> memref<128x64xf32, #tpu.memory_space<vmem_shared>>
      %dma_wait3A_294 = arith.constant 0 : i32
      %dma_wait3A_295 = tpu.memref_slice %arg8[%add3A_187, %dma_wait3A_294] : memref<10240x64xf32, #tpu.memory_space<vmem_shared>> -> memref<128x64xf32, #tpu.memory_space<vmem_shared>>
      tpu.wait_dma2 semaphore(%run_scoped3A : memref<!tpu.dma_semaphore, #tpu.memory_space<semaphore_mem>>) src(%arg16 : memref<128x64xf32, #tpu.memory_space<vmem>>) dst(%dma_wait3A_295 : memref<128x64xf32, #tpu.memory_space<vmem_shared>>)
      tpu.yield
    }) : () -> ()
    %add3A_188 = arith.constant 0 : i32
    %add3A_189 = arith.addi %mul3A_0, %add3A_188 : i32
    "tpu.region"() ({
      %run_scoped3A = tpu.sem_alloc : memref<!tpu.dma_semaphore, #tpu.memory_space<semaphore_mem>>
      %dma_start3A_288 = arith.constant 0 : i32
      %dma_start3A_289 = tpu.memref_slice %arg2[%add3A_163, %add3A_189, %dma_start3A_288] : memref<4x10240x64xf32, #tpu.memory_space<hbm>> -> memref<1x128x64xf32, #tpu.memory_space<hbm>>
      %dma_start3A_290 = tpu.memref_squeeze %dma_start3A_289 : memref<1x128x64xf32, #tpu.memory_space<hbm>> -> memref<128x64xf32, #tpu.memory_space<hbm>>
      %dma_start3A_291 = arith.constant 0 : i32
      %dma_start3A_292 = tpu.memref_slice %arg2[%add3A_163, %add3A_189, %dma_start3A_291] : memref<4x10240x64xf32, #tpu.memory_space<hbm>> -> memref<1x128x64xf32, #tpu.memory_space<hbm>>
      %dma_start3A_293 = tpu.memref_squeeze %dma_start3A_292 : memref<1x128x64xf32, #tpu.memory_space<hbm>> -> memref<128x64xf32, #tpu.memory_space<hbm>>
      tpu.enqueue_dma source(%dma_start3A_293 : memref<128x64xf32, #tpu.memory_space<hbm>>) target(%arg16 : memref<128x64xf32, #tpu.memory_space<vmem>>) target_semaphore(%run_scoped3A : memref<!tpu.dma_semaphore, #tpu.memory_space<semaphore_mem>>)
      %dma_wait3A_294 = arith.constant 0 : i32
      %dma_wait3A_295 = tpu.memref_slice %arg2[%add3A_163, %add3A_189, %dma_wait3A_294] : memref<4x10240x64xf32, #tpu.memory_space<hbm>> -> memref<1x128x64xf32, #tpu.memory_space<hbm>>
      %dma_wait3A_296 = tpu.memref_squeeze %dma_wait3A_295 : memref<1x128x64xf32, #tpu.memory_space<hbm>> -> memref<128x64xf32, #tpu.memory_space<hbm>>
      %dma_wait3A_297 = arith.constant 0 : i32
      %dma_wait3A_298 = tpu.memref_slice %arg2[%add3A_163, %add3A_189, %dma_wait3A_297] : memref<4x10240x64xf32, #tpu.memory_space<hbm>> -> memref<1x128x64xf32, #tpu.memory_space<hbm>>
      %dma_wait3A_299 = tpu.memref_squeeze %dma_wait3A_298 : memref<1x128x64xf32, #tpu.memory_space<hbm>> -> memref<128x64xf32, #tpu.memory_space<hbm>>
      tpu.wait_dma2 semaphore(%run_scoped3A : memref<!tpu.dma_semaphore, #tpu.memory_space<semaphore_mem>>) src(%dma_wait3A_299 : memref<128x64xf32, #tpu.memory_space<hbm>>) dst(%arg16 : memref<128x64xf32, #tpu.memory_space<vmem>>)
      tpu.yield
    }) : () -> ()
    %scan3A_190 = arith.constant 0 : i32
    %scan3A_191 = arith.constant 128 : i32
    %scan3A_192 = arith.addi %scan3A_190, %scan3A_191 : i32
    %scan3A_193 = arith.constant 1 : i32
    scf.for %scan3A_288 = %scan3A_190 to %scan3A_192 step %scan3A_193  : i32 {
      %mul3A_289 = arith.constant 1 : i32
      %mul3A_290 = arith.muli %scan3A_288, %mul3A_289 : i32
      %add3A_291 = arith.constant 0 : i32
      %add3A_292 = arith.addi %add3A_291, %mul3A_290 : i32
      %add3A_293 = arith.constant 0 : i32
      %add3A_294 = arith.addi %add3A_293, %add3A_292 : i32
      %get3A = arith.index_cast %add3A_294 : i32 to index
      %get3A_295 = arith.constant 0 : index
      %get3A_296 = tpu.vector_load %arg15[%get3A, %get3A_295] {strides = array<i32>} : memref<640x16xf32, #tpu.memory_space<vmem>>, vector<1x16xf32>,
      %get3A_297 = vector.shape_cast %get3A_296 : vector<1x16xf32> to vector<16xf32>
      %slice3A = vector.extract_strided_slice %get3A_297 {offsets = [0], sizes = [1], strides = [1]} : vector<16xf32> to vector<1xf32>
      %squeeze3A = vector.extract %slice3A[0] : f32 from vector<1xf32>
      %broadcast_in_dim3A_298 = vector.broadcast %squeeze3A : f32 to vector<16xf32>
      %get3A_299 = arith.index_cast %add3A_292 : i32 to index
      %get3A_300 = arith.constant 0 : index
      %get3A_301 = tpu.vector_load %arg16[%get3A_299, %get3A_300] {strides = array<i32>} : memref<128x64xf32, #tpu.memory_space<vmem>>, vector<1x16xf32>,
      %get3A_302 = vector.shape_cast %get3A_301 : vector<1x16xf32> to vector<16xf32>
      %mul3A_303 = arith.mulf %get3A_302, %broadcast_in_dim3A_298 : vector<16xf32>
      %swap3A = arith.index_cast %add3A_292 : i32 to index
      %swap3A_304 = arith.constant 0 : index
      %swap3A_305 = tpu.vector_load %arg16[%swap3A, %swap3A_304] {strides = array<i32>} : memref<128x64xf32, #tpu.memory_space<vmem>>, vector<1x16xf32>,
      %swap3A_306 = vector.shape_cast %swap3A_305 : vector<1x16xf32> to vector<16xf32>
      %swap3A_307 = vector.shape_cast %mul3A_303 : vector<16xf32> to vector<1x16xf32>
      tpu.vector_store %arg16[%swap3A, %swap3A_304], %swap3A_307 {strides = array<i32>} : memref<128x64xf32, #tpu.memory_space<vmem>>, vector<1x16xf32>,
      %get3A_308 = arith.index_cast %add3A_292 : i32 to index
      %get3A_309 = arith.constant 16 : index
      %get3A_310 = tpu.vector_load %arg16[%get3A_308, %get3A_309] {strides = array<i32>} : memref<128x64xf32, #tpu.memory_space<vmem>>, vector<1x16xf32>,
      %get3A_311 = vector.shape_cast %get3A_310 : vector<1x16xf32> to vector<16xf32>
      %mul3A_312 = arith.mulf %get3A_311, %broadcast_in_dim3A_298 : vector<16xf32>
      %swap3A_313 = arith.index_cast %add3A_292 : i32 to index
      %swap3A_314 = arith.constant 16 : index
      %swap3A_315 = tpu.vector_load %arg16[%swap3A_313, %swap3A_314] {strides = array<i32>} : memref<128x64xf32, #tpu.memory_space<vmem>>, vector<1x16xf32>,
      %swap3A_316 = vector.shape_cast %swap3A_315 : vector<1x16xf32> to vector<16xf32>
      %swap3A_317 = vector.shape_cast %mul3A_312 : vector<16xf32> to vector<1x16xf32>
      tpu.vector_store %arg16[%swap3A_313, %swap3A_314], %swap3A_317 {strides = array<i32>} : memref<128x64xf32, #tpu.memory_space<vmem>>, vector<1x16xf32>,
      %get3A_318 = arith.index_cast %add3A_292 : i32 to index
      %get3A_319 = arith.constant 32 : index
      %get3A_320 = tpu.vector_load %arg16[%get3A_318, %get3A_319] {strides = array<i32>} : memref<128x64xf32, #tpu.memory_space<vmem>>, vector<1x16xf32>,
      %get3A_321 = vector.shape_cast %get3A_320 : vector<1x16xf32> to vector<16xf32>
      %mul3A_322 = arith.mulf %get3A_321, %broadcast_in_dim3A_298 : vector<16xf32>
      %swap3A_323 = arith.index_cast %add3A_292 : i32 to index
      %swap3A_324 = arith.constant 32 : index
      %swap3A_325 = tpu.vector_load %arg16[%swap3A_323, %swap3A_324] {strides = array<i32>} : memref<128x64xf32, #tpu.memory_space<vmem>>, vector<1x16xf32>,
      %swap3A_326 = vector.shape_cast %swap3A_325 : vector<1x16xf32> to vector<16xf32>
      %swap3A_327 = vector.shape_cast %mul3A_322 : vector<16xf32> to vector<1x16xf32>
      tpu.vector_store %arg16[%swap3A_323, %swap3A_324], %swap3A_327 {strides = array<i32>} : memref<128x64xf32, #tpu.memory_space<vmem>>, vector<1x16xf32>,
      %get3A_328 = arith.index_cast %add3A_292 : i32 to index
      %get3A_329 = arith.constant 48 : index
      %get3A_330 = tpu.vector_load %arg16[%get3A_328, %get3A_329] {strides = array<i32>} : memref<128x64xf32, #tpu.memory_space<vmem>>, vector<1x16xf32>,
      %get3A_331 = vector.shape_cast %get3A_330 : vector<1x16xf32> to vector<16xf32>
      %mul3A_332 = arith.mulf %get3A_331, %broadcast_in_dim3A_298 : vector<16xf32>
      %swap3A_333 = arith.index_cast %add3A_292 : i32 to index
      %swap3A_334 = arith.constant 48 : index
      %swap3A_335 = tpu.vector_load %arg16[%swap3A_333, %swap3A_334] {strides = array<i32>} : memref<128x64xf32, #tpu.memory_space<vmem>>, vector<1x16xf32>,
      %swap3A_336 = vector.shape_cast %swap3A_335 : vector<1x16xf32> to vector<16xf32>
      %swap3A_337 = vector.shape_cast %mul3A_332 : vector<16xf32> to vector<1x16xf32>
      tpu.vector_store %arg16[%swap3A_333, %swap3A_334], %swap3A_337 {strides = array<i32>} : memref<128x64xf32, #tpu.memory_space<vmem>>, vector<1x16xf32>,
    }
    %scan3A_194 = arith.constant 128 : i32
    %add3A_195 = arith.addi %mul3A_165, %add3A_189 : i32
    "tpu.region"() ({
      %run_scoped3A = tpu.sem_alloc : memref<!tpu.dma_semaphore, #tpu.memory_space<semaphore_mem>>
      %dma_start3A_288 = arith.constant 0 : i32
      %dma_start3A_289 = tpu.memref_slice %arg7[%add3A_195, %dma_start3A_288] : memref<40960x64xf32, #tpu.memory_space<hbm>> -> memref<128x64xf32, #tpu.memory_space<hbm>>
      %dma_start3A_290 = arith.constant 0 : i32
      %dma_start3A_291 = tpu.memref_slice %arg7[%add3A_195, %dma_start3A_290] : memref<40960x64xf32, #tpu.memory_space<hbm>> -> memref<128x64xf32, #tpu.memory_space<hbm>>
      tpu.enqueue_dma source(%arg16 : memref<128x64xf32, #tpu.memory_space<vmem>>) target(%dma_start3A_291 : memref<128x64xf32, #tpu.memory_space<hbm>>) target_semaphore(%run_scoped3A : memref<!tpu.dma_semaphore, #tpu.memory_space<semaphore_mem>>)
      %dma_wait3A_292 = arith.constant 0 : i32
      %dma_wait3A_293 = tpu.memref_slice %arg7[%add3A_195, %dma_wait3A_292] : memref<40960x64xf32, #tpu.memory_space<hbm>> -> memref<128x64xf32, #tpu.memory_space<hbm>>
      %dma_wait3A_294 = arith.constant 0 : i32
      %dma_wait3A_295 = tpu.memref_slice %arg7[%add3A_195, %dma_wait3A_294] : memref<40960x64xf32, #tpu.memory_space<hbm>> -> memref<128x64xf32, #tpu.memory_space<hbm>>
      tpu.wait_dma2 semaphore(%run_scoped3A : memref<!tpu.dma_semaphore, #tpu.memory_space<semaphore_mem>>) src(%arg16 : memref<128x64xf32, #tpu.memory_space<vmem>>) dst(%dma_wait3A_295 : memref<128x64xf32, #tpu.memory_space<hbm>>)
      tpu.yield
    }) : () -> ()
    %add3A_196 = arith.constant 128 : i32
    %add3A_197 = arith.addi %mul3A_0, %add3A_196 : i32
    "tpu.region"() ({
      %run_scoped3A = tpu.sem_alloc : memref<!tpu.dma_semaphore, #tpu.memory_space<semaphore_mem>>
      %dma_start3A_288 = arith.constant 0 : i32
      %dma_start3A_289 = tpu.memref_slice %arg2[%add3A_163, %add3A_197, %dma_start3A_288] : memref<4x10240x64xf32, #tpu.memory_space<hbm>> -> memref<1x128x64xf32, #tpu.memory_space<hbm>>
      %dma_start3A_290 = tpu.memref_squeeze %dma_start3A_289 : memref<1x128x64xf32, #tpu.memory_space<hbm>> -> memref<128x64xf32, #tpu.memory_space<hbm>>
      %dma_start3A_291 = arith.constant 0 : i32
      %dma_start3A_292 = tpu.memref_slice %arg2[%add3A_163, %add3A_197, %dma_start3A_291] : memref<4x10240x64xf32, #tpu.memory_space<hbm>> -> memref<1x128x64xf32, #tpu.memory_space<hbm>>
      %dma_start3A_293 = tpu.memref_squeeze %dma_start3A_292 : memref<1x128x64xf32, #tpu.memory_space<hbm>> -> memref<128x64xf32, #tpu.memory_space<hbm>>
      tpu.enqueue_dma source(%dma_start3A_293 : memref<128x64xf32, #tpu.memory_space<hbm>>) target(%arg16 : memref<128x64xf32, #tpu.memory_space<vmem>>) target_semaphore(%run_scoped3A : memref<!tpu.dma_semaphore, #tpu.memory_space<semaphore_mem>>)
      %dma_wait3A_294 = arith.constant 0 : i32
      %dma_wait3A_295 = tpu.memref_slice %arg2[%add3A_163, %add3A_197, %dma_wait3A_294] : memref<4x10240x64xf32, #tpu.memory_space<hbm>> -> memref<1x128x64xf32, #tpu.memory_space<hbm>>
      %dma_wait3A_296 = tpu.memref_squeeze %dma_wait3A_295 : memref<1x128x64xf32, #tpu.memory_space<hbm>> -> memref<128x64xf32, #tpu.memory_space<hbm>>
      %dma_wait3A_297 = arith.constant 0 : i32
      %dma_wait3A_298 = tpu.memref_slice %arg2[%add3A_163, %add3A_197, %dma_wait3A_297] : memref<4x10240x64xf32, #tpu.memory_space<hbm>> -> memref<1x128x64xf32, #tpu.memory_space<hbm>>
      %dma_wait3A_299 = tpu.memref_squeeze %dma_wait3A_298 : memref<1x128x64xf32, #tpu.memory_space<hbm>> -> memref<128x64xf32, #tpu.memory_space<hbm>>
      tpu.wait_dma2 semaphore(%run_scoped3A : memref<!tpu.dma_semaphore, #tpu.memory_space<semaphore_mem>>) src(%dma_wait3A_299 : memref<128x64xf32, #tpu.memory_space<hbm>>) dst(%arg16 : memref<128x64xf32, #tpu.memory_space<vmem>>)
      tpu.yield
    }) : () -> ()
    %scan3A_198 = arith.constant 0 : i32
    %scan3A_199 = arith.constant 128 : i32
    %scan3A_200 = arith.addi %scan3A_198, %scan3A_199 : i32
    %scan3A_201 = arith.constant 1 : i32
    scf.for %scan3A_288 = %scan3A_198 to %scan3A_200 step %scan3A_201  : i32 {
      %mul3A_289 = arith.constant 1 : i32
      %mul3A_290 = arith.muli %scan3A_288, %mul3A_289 : i32
      %add3A_291 = arith.constant 0 : i32
      %add3A_292 = arith.addi %add3A_291, %mul3A_290 : i32
      %add3A_293 = arith.constant 128 : i32
      %add3A_294 = arith.addi %add3A_293, %add3A_292 : i32
      %get3A = arith.index_cast %add3A_294 : i32 to index
      %get3A_295 = arith.constant 0 : index
      %get3A_296 = tpu.vector_load %arg15[%get3A, %get3A_295] {strides = array<i32>} : memref<640x16xf32, #tpu.memory_space<vmem>>, vector<1x16xf32>,
      %get3A_297 = vector.shape_cast %get3A_296 : vector<1x16xf32> to vector<16xf32>
      %slice3A = vector.extract_strided_slice %get3A_297 {offsets = [0], sizes = [1], strides = [1]} : vector<16xf32> to vector<1xf32>
      %squeeze3A = vector.extract %slice3A[0] : f32 from vector<1xf32>
      %broadcast_in_dim3A_298 = vector.broadcast %squeeze3A : f32 to vector<16xf32>
      %get3A_299 = arith.index_cast %add3A_292 : i32 to index
      %get3A_300 = arith.constant 0 : index
      %get3A_301 = tpu.vector_load %arg16[%get3A_299, %get3A_300] {strides = array<i32>} : memref<128x64xf32, #tpu.memory_space<vmem>>, vector<1x16xf32>,
      %get3A_302 = vector.shape_cast %get3A_301 : vector<1x16xf32> to vector<16xf32>
      %mul3A_303 = arith.mulf %get3A_302, %broadcast_in_dim3A_298 : vector<16xf32>
      %swap3A = arith.index_cast %add3A_292 : i32 to index
      %swap3A_304 = arith.constant 0 : index
      %swap3A_305 = tpu.vector_load %arg16[%swap3A, %swap3A_304] {strides = array<i32>} : memref<128x64xf32, #tpu.memory_space<vmem>>, vector<1x16xf32>,
      %swap3A_306 = vector.shape_cast %swap3A_305 : vector<1x16xf32> to vector<16xf32>
      %swap3A_307 = vector.shape_cast %mul3A_303 : vector<16xf32> to vector<1x16xf32>
      tpu.vector_store %arg16[%swap3A, %swap3A_304], %swap3A_307 {strides = array<i32>} : memref<128x64xf32, #tpu.memory_space<vmem>>, vector<1x16xf32>,
      %get3A_308 = arith.index_cast %add3A_292 : i32 to index
      %get3A_309 = arith.constant 16 : index
      %get3A_310 = tpu.vector_load %arg16[%get3A_308, %get3A_309] {strides = array<i32>} : memref<128x64xf32, #tpu.memory_space<vmem>>, vector<1x16xf32>,
      %get3A_311 = vector.shape_cast %get3A_310 : vector<1x16xf32> to vector<16xf32>
      %mul3A_312 = arith.mulf %get3A_311, %broadcast_in_dim3A_298 : vector<16xf32>
      %swap3A_313 = arith.index_cast %add3A_292 : i32 to index
      %swap3A_314 = arith.constant 16 : index
      %swap3A_315 = tpu.vector_load %arg16[%swap3A_313, %swap3A_314] {strides = array<i32>} : memref<128x64xf32, #tpu.memory_space<vmem>>, vector<1x16xf32>,
      %swap3A_316 = vector.shape_cast %swap3A_315 : vector<1x16xf32> to vector<16xf32>
      %swap3A_317 = vector.shape_cast %mul3A_312 : vector<16xf32> to vector<1x16xf32>
      tpu.vector_store %arg16[%swap3A_313, %swap3A_314], %swap3A_317 {strides = array<i32>} : memref<128x64xf32, #tpu.memory_space<vmem>>, vector<1x16xf32>,
      %get3A_318 = arith.index_cast %add3A_292 : i32 to index
      %get3A_319 = arith.constant 32 : index
      %get3A_320 = tpu.vector_load %arg16[%get3A_318, %get3A_319] {strides = array<i32>} : memref<128x64xf32, #tpu.memory_space<vmem>>, vector<1x16xf32>,
      %get3A_321 = vector.shape_cast %get3A_320 : vector<1x16xf32> to vector<16xf32>
      %mul3A_322 = arith.mulf %get3A_321, %broadcast_in_dim3A_298 : vector<16xf32>
      %swap3A_323 = arith.index_cast %add3A_292 : i32 to index
      %swap3A_324 = arith.constant 32 : index
      %swap3A_325 = tpu.vector_load %arg16[%swap3A_323, %swap3A_324] {strides = array<i32>} : memref<128x64xf32, #tpu.memory_space<vmem>>, vector<1x16xf32>,
      %swap3A_326 = vector.shape_cast %swap3A_325 : vector<1x16xf32> to vector<16xf32>
      %swap3A_327 = vector.shape_cast %mul3A_322 : vector<16xf32> to vector<1x16xf32>
      tpu.vector_store %arg16[%swap3A_323, %swap3A_324], %swap3A_327 {strides = array<i32>} : memref<128x64xf32, #tpu.memory_space<vmem>>, vector<1x16xf32>,
      %get3A_328 = arith.index_cast %add3A_292 : i32 to index
      %get3A_329 = arith.constant 48 : index
      %get3A_330 = tpu.vector_load %arg16[%get3A_328, %get3A_329] {strides = array<i32>} : memref<128x64xf32, #tpu.memory_space<vmem>>, vector<1x16xf32>,
      %get3A_331 = vector.shape_cast %get3A_330 : vector<1x16xf32> to vector<16xf32>
      %mul3A_332 = arith.mulf %get3A_331, %broadcast_in_dim3A_298 : vector<16xf32>
      %swap3A_333 = arith.index_cast %add3A_292 : i32 to index
      %swap3A_334 = arith.constant 48 : index
      %swap3A_335 = tpu.vector_load %arg16[%swap3A_333, %swap3A_334] {strides = array<i32>} : memref<128x64xf32, #tpu.memory_space<vmem>>, vector<1x16xf32>,
      %swap3A_336 = vector.shape_cast %swap3A_335 : vector<1x16xf32> to vector<16xf32>
      %swap3A_337 = vector.shape_cast %mul3A_332 : vector<16xf32> to vector<1x16xf32>
      tpu.vector_store %arg16[%swap3A_333, %swap3A_334], %swap3A_337 {strides = array<i32>} : memref<128x64xf32, #tpu.memory_space<vmem>>, vector<1x16xf32>,
    }
    %scan3A_202 = arith.constant 128 : i32
    %add3A_203 = arith.addi %mul3A_165, %add3A_197 : i32
    "tpu.region"() ({
      %run_scoped3A = tpu.sem_alloc : memref<!tpu.dma_semaphore, #tpu.memory_space<semaphore_mem>>
      %dma_start3A_288 = arith.constant 0 : i32
      %dma_start3A_289 = tpu.memref_slice %arg7[%add3A_203, %dma_start3A_288] : memref<40960x64xf32, #tpu.memory_space<hbm>> -> memref<128x64xf32, #tpu.memory_space<hbm>>
      %dma_start3A_290 = arith.constant 0 : i32
      %dma_start3A_291 = tpu.memref_slice %arg7[%add3A_203, %dma_start3A_290] : memref<40960x64xf32, #tpu.memory_space<hbm>> -> memref<128x64xf32, #tpu.memory_space<hbm>>
      tpu.enqueue_dma source(%arg16 : memref<128x64xf32, #tpu.memory_space<vmem>>) target(%dma_start3A_291 : memref<128x64xf32, #tpu.memory_space<hbm>>) target_semaphore(%run_scoped3A : memref<!tpu.dma_semaphore, #tpu.memory_space<semaphore_mem>>)
      %dma_wait3A_292 = arith.constant 0 : i32
      %dma_wait3A_293 = tpu.memref_slice %arg7[%add3A_203, %dma_wait3A_292] : memref<40960x64xf32, #tpu.memory_space<hbm>> -> memref<128x64xf32, #tpu.memory_space<hbm>>
      %dma_wait3A_294 = arith.constant 0 : i32
      %dma_wait3A_295 = tpu.memref_slice %arg7[%add3A_203, %dma_wait3A_294] : memref<40960x64xf32, #tpu.memory_space<hbm>> -> memref<128x64xf32, #tpu.memory_space<hbm>>
      tpu.wait_dma2 semaphore(%run_scoped3A : memref<!tpu.dma_semaphore, #tpu.memory_space<semaphore_mem>>) src(%arg16 : memref<128x64xf32, #tpu.memory_space<vmem>>) dst(%dma_wait3A_295 : memref<128x64xf32, #tpu.memory_space<hbm>>)
      tpu.yield
    }) : () -> ()
    %add3A_204 = arith.constant 256 : i32
    %add3A_205 = arith.addi %mul3A_0, %add3A_204 : i32
    "tpu.region"() ({
      %run_scoped3A = tpu.sem_alloc : memref<!tpu.dma_semaphore, #tpu.memory_space<semaphore_mem>>
      %dma_start3A_288 = arith.constant 0 : i32
      %dma_start3A_289 = tpu.memref_slice %arg2[%add3A_163, %add3A_205, %dma_start3A_288] : memref<4x10240x64xf32, #tpu.memory_space<hbm>> -> memref<1x128x64xf32, #tpu.memory_space<hbm>>
      %dma_start3A_290 = tpu.memref_squeeze %dma_start3A_289 : memref<1x128x64xf32, #tpu.memory_space<hbm>> -> memref<128x64xf32, #tpu.memory_space<hbm>>
      %dma_start3A_291 = arith.constant 0 : i32
      %dma_start3A_292 = tpu.memref_slice %arg2[%add3A_163, %add3A_205, %dma_start3A_291] : memref<4x10240x64xf32, #tpu.memory_space<hbm>> -> memref<1x128x64xf32, #tpu.memory_space<hbm>>
      %dma_start3A_293 = tpu.memref_squeeze %dma_start3A_292 : memref<1x128x64xf32, #tpu.memory_space<hbm>> -> memref<128x64xf32, #tpu.memory_space<hbm>>
      tpu.enqueue_dma source(%dma_start3A_293 : memref<128x64xf32, #tpu.memory_space<hbm>>) target(%arg16 : memref<128x64xf32, #tpu.memory_space<vmem>>) target_semaphore(%run_scoped3A : memref<!tpu.dma_semaphore, #tpu.memory_space<semaphore_mem>>)
      %dma_wait3A_294 = arith.constant 0 : i32
      %dma_wait3A_295 = tpu.memref_slice %arg2[%add3A_163, %add3A_205, %dma_wait3A_294] : memref<4x10240x64xf32, #tpu.memory_space<hbm>> -> memref<1x128x64xf32, #tpu.memory_space<hbm>>
      %dma_wait3A_296 = tpu.memref_squeeze %dma_wait3A_295 : memref<1x128x64xf32, #tpu.memory_space<hbm>> -> memref<128x64xf32, #tpu.memory_space<hbm>>
      %dma_wait3A_297 = arith.constant 0 : i32
      %dma_wait3A_298 = tpu.memref_slice %arg2[%add3A_163, %add3A_205, %dma_wait3A_297] : memref<4x10240x64xf32, #tpu.memory_space<hbm>> -> memref<1x128x64xf32, #tpu.memory_space<hbm>>
      %dma_wait3A_299 = tpu.memref_squeeze %dma_wait3A_298 : memref<1x128x64xf32, #tpu.memory_space<hbm>> -> memref<128x64xf32, #tpu.memory_space<hbm>>
      tpu.wait_dma2 semaphore(%run_scoped3A : memref<!tpu.dma_semaphore, #tpu.memory_space<semaphore_mem>>) src(%dma_wait3A_299 : memref<128x64xf32, #tpu.memory_space<hbm>>) dst(%arg16 : memref<128x64xf32, #tpu.memory_space<vmem>>)
      tpu.yield
    }) : () -> ()
    %scan3A_206 = arith.constant 0 : i32
    %scan3A_207 = arith.constant 128 : i32
    %scan3A_208 = arith.addi %scan3A_206, %scan3A_207 : i32
    %scan3A_209 = arith.constant 1 : i32
    scf.for %scan3A_288 = %scan3A_206 to %scan3A_208 step %scan3A_209  : i32 {
      %mul3A_289 = arith.constant 1 : i32
      %mul3A_290 = arith.muli %scan3A_288, %mul3A_289 : i32
      %add3A_291 = arith.constant 0 : i32
      %add3A_292 = arith.addi %add3A_291, %mul3A_290 : i32
      %add3A_293 = arith.constant 256 : i32
      %add3A_294 = arith.addi %add3A_293, %add3A_292 : i32
      %get3A = arith.index_cast %add3A_294 : i32 to index
      %get3A_295 = arith.constant 0 : index
      %get3A_296 = tpu.vector_load %arg15[%get3A, %get3A_295] {strides = array<i32>} : memref<640x16xf32, #tpu.memory_space<vmem>>, vector<1x16xf32>,
      %get3A_297 = vector.shape_cast %get3A_296 : vector<1x16xf32> to vector<16xf32>
      %slice3A = vector.extract_strided_slice %get3A_297 {offsets = [0], sizes = [1], strides = [1]} : vector<16xf32> to vector<1xf32>
      %squeeze3A = vector.extract %slice3A[0] : f32 from vector<1xf32>
      %broadcast_in_dim3A_298 = vector.broadcast %squeeze3A : f32 to vector<16xf32>
      %get3A_299 = arith.index_cast %add3A_292 : i32 to index
      %get3A_300 = arith.constant 0 : index
      %get3A_301 = tpu.vector_load %arg16[%get3A_299, %get3A_300] {strides = array<i32>} : memref<128x64xf32, #tpu.memory_space<vmem>>, vector<1x16xf32>,
      %get3A_302 = vector.shape_cast %get3A_301 : vector<1x16xf32> to vector<16xf32>
      %mul3A_303 = arith.mulf %get3A_302, %broadcast_in_dim3A_298 : vector<16xf32>
      %swap3A = arith.index_cast %add3A_292 : i32 to index
      %swap3A_304 = arith.constant 0 : index
      %swap3A_305 = tpu.vector_load %arg16[%swap3A, %swap3A_304] {strides = array<i32>} : memref<128x64xf32, #tpu.memory_space<vmem>>, vector<1x16xf32>,
      %swap3A_306 = vector.shape_cast %swap3A_305 : vector<1x16xf32> to vector<16xf32>
      %swap3A_307 = vector.shape_cast %mul3A_303 : vector<16xf32> to vector<1x16xf32>
      tpu.vector_store %arg16[%swap3A, %swap3A_304], %swap3A_307 {strides = array<i32>} : memref<128x64xf32, #tpu.memory_space<vmem>>, vector<1x16xf32>,
      %get3A_308 = arith.index_cast %add3A_292 : i32 to index
      %get3A_309 = arith.constant 16 : index
      %get3A_310 = tpu.vector_load %arg16[%get3A_308, %get3A_309] {strides = array<i32>} : memref<128x64xf32, #tpu.memory_space<vmem>>, vector<1x16xf32>,
      %get3A_311 = vector.shape_cast %get3A_310 : vector<1x16xf32> to vector<16xf32>
      %mul3A_312 = arith.mulf %get3A_311, %broadcast_in_dim3A_298 : vector<16xf32>
      %swap3A_313 = arith.index_cast %add3A_292 : i32 to index
      %swap3A_314 = arith.constant 16 : index
      %swap3A_315 = tpu.vector_load %arg16[%swap3A_313, %swap3A_314] {strides = array<i32>} : memref<128x64xf32, #tpu.memory_space<vmem>>, vector<1x16xf32>,
      %swap3A_316 = vector.shape_cast %swap3A_315 : vector<1x16xf32> to vector<16xf32>
      %swap3A_317 = vector.shape_cast %mul3A_312 : vector<16xf32> to vector<1x16xf32>
      tpu.vector_store %arg16[%swap3A_313, %swap3A_314], %swap3A_317 {strides = array<i32>} : memref<128x64xf32, #tpu.memory_space<vmem>>, vector<1x16xf32>,
      %get3A_318 = arith.index_cast %add3A_292 : i32 to index
      %get3A_319 = arith.constant 32 : index
      %get3A_320 = tpu.vector_load %arg16[%get3A_318, %get3A_319] {strides = array<i32>} : memref<128x64xf32, #tpu.memory_space<vmem>>, vector<1x16xf32>,
      %get3A_321 = vector.shape_cast %get3A_320 : vector<1x16xf32> to vector<16xf32>
      %mul3A_322 = arith.mulf %get3A_321, %broadcast_in_dim3A_298 : vector<16xf32>
      %swap3A_323 = arith.index_cast %add3A_292 : i32 to index
      %swap3A_324 = arith.constant 32 : index
      %swap3A_325 = tpu.vector_load %arg16[%swap3A_323, %swap3A_324] {strides = array<i32>} : memref<128x64xf32, #tpu.memory_space<vmem>>, vector<1x16xf32>,
      %swap3A_326 = vector.shape_cast %swap3A_325 : vector<1x16xf32> to vector<16xf32>
      %swap3A_327 = vector.shape_cast %mul3A_322 : vector<16xf32> to vector<1x16xf32>
      tpu.vector_store %arg16[%swap3A_323, %swap3A_324], %swap3A_327 {strides = array<i32>} : memref<128x64xf32, #tpu.memory_space<vmem>>, vector<1x16xf32>,
      %get3A_328 = arith.index_cast %add3A_292 : i32 to index
      %get3A_329 = arith.constant 48 : index
      %get3A_330 = tpu.vector_load %arg16[%get3A_328, %get3A_329] {strides = array<i32>} : memref<128x64xf32, #tpu.memory_space<vmem>>, vector<1x16xf32>,
      %get3A_331 = vector.shape_cast %get3A_330 : vector<1x16xf32> to vector<16xf32>
      %mul3A_332 = arith.mulf %get3A_331, %broadcast_in_dim3A_298 : vector<16xf32>
      %swap3A_333 = arith.index_cast %add3A_292 : i32 to index
      %swap3A_334 = arith.constant 48 : index
      %swap3A_335 = tpu.vector_load %arg16[%swap3A_333, %swap3A_334] {strides = array<i32>} : memref<128x64xf32, #tpu.memory_space<vmem>>, vector<1x16xf32>,
      %swap3A_336 = vector.shape_cast %swap3A_335 : vector<1x16xf32> to vector<16xf32>
      %swap3A_337 = vector.shape_cast %mul3A_332 : vector<16xf32> to vector<1x16xf32>
      tpu.vector_store %arg16[%swap3A_333, %swap3A_334], %swap3A_337 {strides = array<i32>} : memref<128x64xf32, #tpu.memory_space<vmem>>, vector<1x16xf32>,
    }
    %scan3A_210 = arith.constant 128 : i32
    %add3A_211 = arith.addi %mul3A_165, %add3A_205 : i32
    "tpu.region"() ({
      %run_scoped3A = tpu.sem_alloc : memref<!tpu.dma_semaphore, #tpu.memory_space<semaphore_mem>>
      %dma_start3A_288 = arith.constant 0 : i32
      %dma_start3A_289 = tpu.memref_slice %arg7[%add3A_211, %dma_start3A_288] : memref<40960x64xf32, #tpu.memory_space<hbm>> -> memref<128x64xf32, #tpu.memory_space<hbm>>
      %dma_start3A_290 = arith.constant 0 : i32
      %dma_start3A_291 = tpu.memref_slice %arg7[%add3A_211, %dma_start3A_290] : memref<40960x64xf32, #tpu.memory_space<hbm>> -> memref<128x64xf32, #tpu.memory_space<hbm>>
      tpu.enqueue_dma source(%arg16 : memref<128x64xf32, #tpu.memory_space<vmem>>) target(%dma_start3A_291 : memref<128x64xf32, #tpu.memory_space<hbm>>) target_semaphore(%run_scoped3A : memref<!tpu.dma_semaphore, #tpu.memory_space<semaphore_mem>>)
      %dma_wait3A_292 = arith.constant 0 : i32
      %dma_wait3A_293 = tpu.memref_slice %arg7[%add3A_211, %dma_wait3A_292] : memref<40960x64xf32, #tpu.memory_space<hbm>> -> memref<128x64xf32, #tpu.memory_space<hbm>>
      %dma_wait3A_294 = arith.constant 0 : i32
      %dma_wait3A_295 = tpu.memref_slice %arg7[%add3A_211, %dma_wait3A_294] : memref<40960x64xf32, #tpu.memory_space<hbm>> -> memref<128x64xf32, #tpu.memory_space<hbm>>
      tpu.wait_dma2 semaphore(%run_scoped3A : memref<!tpu.dma_semaphore, #tpu.memory_space<semaphore_mem>>) src(%arg16 : memref<128x64xf32, #tpu.memory_space<vmem>>) dst(%dma_wait3A_295 : memref<128x64xf32, #tpu.memory_space<hbm>>)
      tpu.yield
    }) : () -> ()
    %add3A_212 = arith.constant 384 : i32
    %add3A_213 = arith.addi %mul3A_0, %add3A_212 : i32
    "tpu.region"() ({
      %run_scoped3A = tpu.sem_alloc : memref<!tpu.dma_semaphore, #tpu.memory_space<semaphore_mem>>
      %dma_start3A_288 = arith.constant 0 : i32
      %dma_start3A_289 = tpu.memref_slice %arg2[%add3A_163, %add3A_213, %dma_start3A_288] : memref<4x10240x64xf32, #tpu.memory_space<hbm>> -> memref<1x128x64xf32, #tpu.memory_space<hbm>>
      %dma_start3A_290 = tpu.memref_squeeze %dma_start3A_289 : memref<1x128x64xf32, #tpu.memory_space<hbm>> -> memref<128x64xf32, #tpu.memory_space<hbm>>
      %dma_start3A_291 = arith.constant 0 : i32
      %dma_start3A_292 = tpu.memref_slice %arg2[%add3A_163, %add3A_213, %dma_start3A_291] : memref<4x10240x64xf32, #tpu.memory_space<hbm>> -> memref<1x128x64xf32, #tpu.memory_space<hbm>>
      %dma_start3A_293 = tpu.memref_squeeze %dma_start3A_292 : memref<1x128x64xf32, #tpu.memory_space<hbm>> -> memref<128x64xf32, #tpu.memory_space<hbm>>
      tpu.enqueue_dma source(%dma_start3A_293 : memref<128x64xf32, #tpu.memory_space<hbm>>) target(%arg16 : memref<128x64xf32, #tpu.memory_space<vmem>>) target_semaphore(%run_scoped3A : memref<!tpu.dma_semaphore, #tpu.memory_space<semaphore_mem>>)
      %dma_wait3A_294 = arith.constant 0 : i32
      %dma_wait3A_295 = tpu.memref_slice %arg2[%add3A_163, %add3A_213, %dma_wait3A_294] : memref<4x10240x64xf32, #tpu.memory_space<hbm>> -> memref<1x128x64xf32, #tpu.memory_space<hbm>>
      %dma_wait3A_296 = tpu.memref_squeeze %dma_wait3A_295 : memref<1x128x64xf32, #tpu.memory_space<hbm>> -> memref<128x64xf32, #tpu.memory_space<hbm>>
      %dma_wait3A_297 = arith.constant 0 : i32
      %dma_wait3A_298 = tpu.memref_slice %arg2[%add3A_163, %add3A_213, %dma_wait3A_297] : memref<4x10240x64xf32, #tpu.memory_space<hbm>> -> memref<1x128x64xf32, #tpu.memory_space<hbm>>
      %dma_wait3A_299 = tpu.memref_squeeze %dma_wait3A_298 : memref<1x128x64xf32, #tpu.memory_space<hbm>> -> memref<128x64xf32, #tpu.memory_space<hbm>>
      tpu.wait_dma2 semaphore(%run_scoped3A : memref<!tpu.dma_semaphore, #tpu.memory_space<semaphore_mem>>) src(%dma_wait3A_299 : memref<128x64xf32, #tpu.memory_space<hbm>>) dst(%arg16 : memref<128x64xf32, #tpu.memory_space<vmem>>)
      tpu.yield
    }) : () -> ()
    %scan3A_214 = arith.constant 0 : i32
    %scan3A_215 = arith.constant 128 : i32
    %scan3A_216 = arith.addi %scan3A_214, %scan3A_215 : i32
    %scan3A_217 = arith.constant 1 : i32
    scf.for %scan3A_288 = %scan3A_214 to %scan3A_216 step %scan3A_217  : i32 {
      %mul3A_289 = arith.constant 1 : i32
      %mul3A_290 = arith.muli %scan3A_288, %mul3A_289 : i32
      %add3A_291 = arith.constant 0 : i32
      %add3A_292 = arith.addi %add3A_291, %mul3A_290 : i32
      %add3A_293 = arith.constant 384 : i32
      %add3A_294 = arith.addi %add3A_293, %add3A_292 : i32
      %get3A = arith.index_cast %add3A_294 : i32 to index
      %get3A_295 = arith.constant 0 : index
      %get3A_296 = tpu.vector_load %arg15[%get3A, %get3A_295] {strides = array<i32>} : memref<640x16xf32, #tpu.memory_space<vmem>>, vector<1x16xf32>,
      %get3A_297 = vector.shape_cast %get3A_296 : vector<1x16xf32> to vector<16xf32>
      %slice3A = vector.extract_strided_slice %get3A_297 {offsets = [0], sizes = [1], strides = [1]} : vector<16xf32> to vector<1xf32>
      %squeeze3A = vector.extract %slice3A[0] : f32 from vector<1xf32>
      %broadcast_in_dim3A_298 = vector.broadcast %squeeze3A : f32 to vector<16xf32>
      %get3A_299 = arith.index_cast %add3A_292 : i32 to index
      %get3A_300 = arith.constant 0 : index
      %get3A_301 = tpu.vector_load %arg16[%get3A_299, %get3A_300] {strides = array<i32>} : memref<128x64xf32, #tpu.memory_space<vmem>>, vector<1x16xf32>,
      %get3A_302 = vector.shape_cast %get3A_301 : vector<1x16xf32> to vector<16xf32>
      %mul3A_303 = arith.mulf %get3A_302, %broadcast_in_dim3A_298 : vector<16xf32>
      %swap3A = arith.index_cast %add3A_292 : i32 to index
      %swap3A_304 = arith.constant 0 : index
      %swap3A_305 = tpu.vector_load %arg16[%swap3A, %swap3A_304] {strides = array<i32>} : memref<128x64xf32, #tpu.memory_space<vmem>>, vector<1x16xf32>,
      %swap3A_306 = vector.shape_cast %swap3A_305 : vector<1x16xf32> to vector<16xf32>
      %swap3A_307 = vector.shape_cast %mul3A_303 : vector<16xf32> to vector<1x16xf32>
      tpu.vector_store %arg16[%swap3A, %swap3A_304], %swap3A_307 {strides = array<i32>} : memref<128x64xf32, #tpu.memory_space<vmem>>, vector<1x16xf32>,
      %get3A_308 = arith.index_cast %add3A_292 : i32 to index
      %get3A_309 = arith.constant 16 : index
      %get3A_310 = tpu.vector_load %arg16[%get3A_308, %get3A_309] {strides = array<i32>} : memref<128x64xf32, #tpu.memory_space<vmem>>, vector<1x16xf32>,
      %get3A_311 = vector.shape_cast %get3A_310 : vector<1x16xf32> to vector<16xf32>
      %mul3A_312 = arith.mulf %get3A_311, %broadcast_in_dim3A_298 : vector<16xf32>
      %swap3A_313 = arith.index_cast %add3A_292 : i32 to index
      %swap3A_314 = arith.constant 16 : index
      %swap3A_315 = tpu.vector_load %arg16[%swap3A_313, %swap3A_314] {strides = array<i32>} : memref<128x64xf32, #tpu.memory_space<vmem>>, vector<1x16xf32>,
      %swap3A_316 = vector.shape_cast %swap3A_315 : vector<1x16xf32> to vector<16xf32>
      %swap3A_317 = vector.shape_cast %mul3A_312 : vector<16xf32> to vector<1x16xf32>
      tpu.vector_store %arg16[%swap3A_313, %swap3A_314], %swap3A_317 {strides = array<i32>} : memref<128x64xf32, #tpu.memory_space<vmem>>, vector<1x16xf32>,
      %get3A_318 = arith.index_cast %add3A_292 : i32 to index
      %get3A_319 = arith.constant 32 : index
      %get3A_320 = tpu.vector_load %arg16[%get3A_318, %get3A_319] {strides = array<i32>} : memref<128x64xf32, #tpu.memory_space<vmem>>, vector<1x16xf32>,
      %get3A_321 = vector.shape_cast %get3A_320 : vector<1x16xf32> to vector<16xf32>
      %mul3A_322 = arith.mulf %get3A_321, %broadcast_in_dim3A_298 : vector<16xf32>
      %swap3A_323 = arith.index_cast %add3A_292 : i32 to index
      %swap3A_324 = arith.constant 32 : index
      %swap3A_325 = tpu.vector_load %arg16[%swap3A_323, %swap3A_324] {strides = array<i32>} : memref<128x64xf32, #tpu.memory_space<vmem>>, vector<1x16xf32>,
      %swap3A_326 = vector.shape_cast %swap3A_325 : vector<1x16xf32> to vector<16xf32>
      %swap3A_327 = vector.shape_cast %mul3A_322 : vector<16xf32> to vector<1x16xf32>
      tpu.vector_store %arg16[%swap3A_323, %swap3A_324], %swap3A_327 {strides = array<i32>} : memref<128x64xf32, #tpu.memory_space<vmem>>, vector<1x16xf32>,
      %get3A_328 = arith.index_cast %add3A_292 : i32 to index
      %get3A_329 = arith.constant 48 : index
      %get3A_330 = tpu.vector_load %arg16[%get3A_328, %get3A_329] {strides = array<i32>} : memref<128x64xf32, #tpu.memory_space<vmem>>, vector<1x16xf32>,
      %get3A_331 = vector.shape_cast %get3A_330 : vector<1x16xf32> to vector<16xf32>
      %mul3A_332 = arith.mulf %get3A_331, %broadcast_in_dim3A_298 : vector<16xf32>
      %swap3A_333 = arith.index_cast %add3A_292 : i32 to index
      %swap3A_334 = arith.constant 48 : index
      %swap3A_335 = tpu.vector_load %arg16[%swap3A_333, %swap3A_334] {strides = array<i32>} : memref<128x64xf32, #tpu.memory_space<vmem>>, vector<1x16xf32>,
      %swap3A_336 = vector.shape_cast %swap3A_335 : vector<1x16xf32> to vector<16xf32>
      %swap3A_337 = vector.shape_cast %mul3A_332 : vector<16xf32> to vector<1x16xf32>
      tpu.vector_store %arg16[%swap3A_333, %swap3A_334], %swap3A_337 {strides = array<i32>} : memref<128x64xf32, #tpu.memory_space<vmem>>, vector<1x16xf32>,
    }
    %scan3A_218 = arith.constant 128 : i32
    %add3A_219 = arith.addi %mul3A_165, %add3A_213 : i32
    "tpu.region"() ({
      %run_scoped3A = tpu.sem_alloc : memref<!tpu.dma_semaphore, #tpu.memory_space<semaphore_mem>>
      %dma_start3A_288 = arith.constant 0 : i32
      %dma_start3A_289 = tpu.memref_slice %arg7[%add3A_219, %dma_start3A_288] : memref<40960x64xf32, #tpu.memory_space<hbm>> -> memref<128x64xf32, #tpu.memory_space<hbm>>
      %dma_start3A_290 = arith.constant 0 : i32
      %dma_start3A_291 = tpu.memref_slice %arg7[%add3A_219, %dma_start3A_290] : memref<40960x64xf32, #tpu.memory_space<hbm>> -> memref<128x64xf32, #tpu.memory_space<hbm>>
      tpu.enqueue_dma source(%arg16 : memref<128x64xf32, #tpu.memory_space<vmem>>) target(%dma_start3A_291 : memref<128x64xf32, #tpu.memory_space<hbm>>) target_semaphore(%run_scoped3A : memref<!tpu.dma_semaphore, #tpu.memory_space<semaphore_mem>>)
      %dma_wait3A_292 = arith.constant 0 : i32
      %dma_wait3A_293 = tpu.memref_slice %arg7[%add3A_219, %dma_wait3A_292] : memref<40960x64xf32, #tpu.memory_space<hbm>> -> memref<128x64xf32, #tpu.memory_space<hbm>>
      %dma_wait3A_294 = arith.constant 0 : i32
      %dma_wait3A_295 = tpu.memref_slice %arg7[%add3A_219, %dma_wait3A_294] : memref<40960x64xf32, #tpu.memory_space<hbm>> -> memref<128x64xf32, #tpu.memory_space<hbm>>
      tpu.wait_dma2 semaphore(%run_scoped3A : memref<!tpu.dma_semaphore, #tpu.memory_space<semaphore_mem>>) src(%arg16 : memref<128x64xf32, #tpu.memory_space<vmem>>) dst(%dma_wait3A_295 : memref<128x64xf32, #tpu.memory_space<hbm>>)
      tpu.yield
    }) : () -> ()
    %add3A_220 = arith.constant 512 : i32
    %add3A_221 = arith.addi %mul3A_0, %add3A_220 : i32
    "tpu.region"() ({
      %run_scoped3A = tpu.sem_alloc : memref<!tpu.dma_semaphore, #tpu.memory_space<semaphore_mem>>
      %dma_start3A_288 = arith.constant 0 : i32
      %dma_start3A_289 = tpu.memref_slice %arg2[%add3A_163, %add3A_221, %dma_start3A_288] : memref<4x10240x64xf32, #tpu.memory_space<hbm>> -> memref<1x128x64xf32, #tpu.memory_space<hbm>>
      %dma_start3A_290 = tpu.memref_squeeze %dma_start3A_289 : memref<1x128x64xf32, #tpu.memory_space<hbm>> -> memref<128x64xf32, #tpu.memory_space<hbm>>
      %dma_start3A_291 = arith.constant 0 : i32
      %dma_start3A_292 = tpu.memref_slice %arg2[%add3A_163, %add3A_221, %dma_start3A_291] : memref<4x10240x64xf32, #tpu.memory_space<hbm>> -> memref<1x128x64xf32, #tpu.memory_space<hbm>>
      %dma_start3A_293 = tpu.memref_squeeze %dma_start3A_292 : memref<1x128x64xf32, #tpu.memory_space<hbm>> -> memref<128x64xf32, #tpu.memory_space<hbm>>
      tpu.enqueue_dma source(%dma_start3A_293 : memref<128x64xf32, #tpu.memory_space<hbm>>) target(%arg16 : memref<128x64xf32, #tpu.memory_space<vmem>>) target_semaphore(%run_scoped3A : memref<!tpu.dma_semaphore, #tpu.memory_space<semaphore_mem>>)
      %dma_wait3A_294 = arith.constant 0 : i32
      %dma_wait3A_295 = tpu.memref_slice %arg2[%add3A_163, %add3A_221, %dma_wait3A_294] : memref<4x10240x64xf32, #tpu.memory_space<hbm>> -> memref<1x128x64xf32, #tpu.memory_space<hbm>>
      %dma_wait3A_296 = tpu.memref_squeeze %dma_wait3A_295 : memref<1x128x64xf32, #tpu.memory_space<hbm>> -> memref<128x64xf32, #tpu.memory_space<hbm>>
      %dma_wait3A_297 = arith.constant 0 : i32
      %dma_wait3A_298 = tpu.memref_slice %arg2[%add3A_163, %add3A_221, %dma_wait3A_297] : memref<4x10240x64xf32, #tpu.memory_space<hbm>> -> memref<1x128x64xf32, #tpu.memory_space<hbm>>
      %dma_wait3A_299 = tpu.memref_squeeze %dma_wait3A_298 : memref<1x128x64xf32, #tpu.memory_space<hbm>> -> memref<128x64xf32, #tpu.memory_space<hbm>>
      tpu.wait_dma2 semaphore(%run_scoped3A : memref<!tpu.dma_semaphore, #tpu.memory_space<semaphore_mem>>) src(%dma_wait3A_299 : memref<128x64xf32, #tpu.memory_space<hbm>>) dst(%arg16 : memref<128x64xf32, #tpu.memory_space<vmem>>)
      tpu.yield
    }) : () -> ()
    %scan3A_222 = arith.constant 0 : i32
    %scan3A_223 = arith.constant 128 : i32
    %scan3A_224 = arith.addi %scan3A_222, %scan3A_223 : i32
    %scan3A_225 = arith.constant 1 : i32
    scf.for %scan3A_288 = %scan3A_222 to %scan3A_224 step %scan3A_225  : i32 {
      %mul3A_289 = arith.constant 1 : i32
      %mul3A_290 = arith.muli %scan3A_288, %mul3A_289 : i32
      %add3A_291 = arith.constant 0 : i32
      %add3A_292 = arith.addi %add3A_291, %mul3A_290 : i32
      %add3A_293 = arith.constant 512 : i32
      %add3A_294 = arith.addi %add3A_293, %add3A_292 : i32
      %get3A = arith.index_cast %add3A_294 : i32 to index
      %get3A_295 = arith.constant 0 : index
      %get3A_296 = tpu.vector_load %arg15[%get3A, %get3A_295] {strides = array<i32>} : memref<640x16xf32, #tpu.memory_space<vmem>>, vector<1x16xf32>,
      %get3A_297 = vector.shape_cast %get3A_296 : vector<1x16xf32> to vector<16xf32>
      %slice3A = vector.extract_strided_slice %get3A_297 {offsets = [0], sizes = [1], strides = [1]} : vector<16xf32> to vector<1xf32>
      %squeeze3A = vector.extract %slice3A[0] : f32 from vector<1xf32>
      %broadcast_in_dim3A_298 = vector.broadcast %squeeze3A : f32 to vector<16xf32>
      %get3A_299 = arith.index_cast %add3A_292 : i32 to index
      %get3A_300 = arith.constant 0 : index
      %get3A_301 = tpu.vector_load %arg16[%get3A_299, %get3A_300] {strides = array<i32>} : memref<128x64xf32, #tpu.memory_space<vmem>>, vector<1x16xf32>,
      %get3A_302 = vector.shape_cast %get3A_301 : vector<1x16xf32> to vector<16xf32>
      %mul3A_303 = arith.mulf %get3A_302, %broadcast_in_dim3A_298 : vector<16xf32>
      %swap3A = arith.index_cast %add3A_292 : i32 to index
      %swap3A_304 = arith.constant 0 : index
      %swap3A_305 = tpu.vector_load %arg16[%swap3A, %swap3A_304] {strides = array<i32>} : memref<128x64xf32, #tpu.memory_space<vmem>>, vector<1x16xf32>,
      %swap3A_306 = vector.shape_cast %swap3A_305 : vector<1x16xf32> to vector<16xf32>
      %swap3A_307 = vector.shape_cast %mul3A_303 : vector<16xf32> to vector<1x16xf32>
      tpu.vector_store %arg16[%swap3A, %swap3A_304], %swap3A_307 {strides = array<i32>} : memref<128x64xf32, #tpu.memory_space<vmem>>, vector<1x16xf32>,
      %get3A_308 = arith.index_cast %add3A_292 : i32 to index
      %get3A_309 = arith.constant 16 : index
      %get3A_310 = tpu.vector_load %arg16[%get3A_308, %get3A_309] {strides = array<i32>} : memref<128x64xf32, #tpu.memory_space<vmem>>, vector<1x16xf32>,
      %get3A_311 = vector.shape_cast %get3A_310 : vector<1x16xf32> to vector<16xf32>
      %mul3A_312 = arith.mulf %get3A_311, %broadcast_in_dim3A_298 : vector<16xf32>
      %swap3A_313 = arith.index_cast %add3A_292 : i32 to index
      %swap3A_314 = arith.constant 16 : index
      %swap3A_315 = tpu.vector_load %arg16[%swap3A_313, %swap3A_314] {strides = array<i32>} : memref<128x64xf32, #tpu.memory_space<vmem>>, vector<1x16xf32>,
      %swap3A_316 = vector.shape_cast %swap3A_315 : vector<1x16xf32> to vector<16xf32>
      %swap3A_317 = vector.shape_cast %mul3A_312 : vector<16xf32> to vector<1x16xf32>
      tpu.vector_store %arg16[%swap3A_313, %swap3A_314], %swap3A_317 {strides = array<i32>} : memref<128x64xf32, #tpu.memory_space<vmem>>, vector<1x16xf32>,
      %get3A_318 = arith.index_cast %add3A_292 : i32 to index
      %get3A_319 = arith.constant 32 : index
      %get3A_320 = tpu.vector_load %arg16[%get3A_318, %get3A_319] {strides = array<i32>} : memref<128x64xf32, #tpu.memory_space<vmem>>, vector<1x16xf32>,
      %get3A_321 = vector.shape_cast %get3A_320 : vector<1x16xf32> to vector<16xf32>
      %mul3A_322 = arith.mulf %get3A_321, %broadcast_in_dim3A_298 : vector<16xf32>
      %swap3A_323 = arith.index_cast %add3A_292 : i32 to index
      %swap3A_324 = arith.constant 32 : index
      %swap3A_325 = tpu.vector_load %arg16[%swap3A_323, %swap3A_324] {strides = array<i32>} : memref<128x64xf32, #tpu.memory_space<vmem>>, vector<1x16xf32>,
      %swap3A_326 = vector.shape_cast %swap3A_325 : vector<1x16xf32> to vector<16xf32>
      %swap3A_327 = vector.shape_cast %mul3A_322 : vector<16xf32> to vector<1x16xf32>
      tpu.vector_store %arg16[%swap3A_323, %swap3A_324], %swap3A_327 {strides = array<i32>} : memref<128x64xf32, #tpu.memory_space<vmem>>, vector<1x16xf32>,
      %get3A_328 = arith.index_cast %add3A_292 : i32 to index
      %get3A_329 = arith.constant 48 : index
      %get3A_330 = tpu.vector_load %arg16[%get3A_328, %get3A_329] {strides = array<i32>} : memref<128x64xf32, #tpu.memory_space<vmem>>, vector<1x16xf32>,
      %get3A_331 = vector.shape_cast %get3A_330 : vector<1x16xf32> to vector<16xf32>
      %mul3A_332 = arith.mulf %get3A_331, %broadcast_in_dim3A_298 : vector<16xf32>
      %swap3A_333 = arith.index_cast %add3A_292 : i32 to index
      %swap3A_334 = arith.constant 48 : index
      %swap3A_335 = tpu.vector_load %arg16[%swap3A_333, %swap3A_334] {strides = array<i32>} : memref<128x64xf32, #tpu.memory_space<vmem>>, vector<1x16xf32>,
      %swap3A_336 = vector.shape_cast %swap3A_335 : vector<1x16xf32> to vector<16xf32>
      %swap3A_337 = vector.shape_cast %mul3A_332 : vector<16xf32> to vector<1x16xf32>
      tpu.vector_store %arg16[%swap3A_333, %swap3A_334], %swap3A_337 {strides = array<i32>} : memref<128x64xf32, #tpu.memory_space<vmem>>, vector<1x16xf32>,
    }
    %scan3A_226 = arith.constant 128 : i32
    %add3A_227 = arith.addi %mul3A_165, %add3A_221 : i32
    "tpu.region"() ({
      %run_scoped3A = tpu.sem_alloc : memref<!tpu.dma_semaphore, #tpu.memory_space<semaphore_mem>>
      %dma_start3A_288 = arith.constant 0 : i32
      %dma_start3A_289 = tpu.memref_slice %arg7[%add3A_227, %dma_start3A_288] : memref<40960x64xf32, #tpu.memory_space<hbm>> -> memref<128x64xf32, #tpu.memory_space<hbm>>
      %dma_start3A_290 = arith.constant 0 : i32
      %dma_start3A_291 = tpu.memref_slice %arg7[%add3A_227, %dma_start3A_290] : memref<40960x64xf32, #tpu.memory_space<hbm>> -> memref<128x64xf32, #tpu.memory_space<hbm>>
      tpu.enqueue_dma source(%arg16 : memref<128x64xf32, #tpu.memory_space<vmem>>) target(%dma_start3A_291 : memref<128x64xf32, #tpu.memory_space<hbm>>) target_semaphore(%run_scoped3A : memref<!tpu.dma_semaphore, #tpu.memory_space<semaphore_mem>>)
      %dma_wait3A_292 = arith.constant 0 : i32
      %dma_wait3A_293 = tpu.memref_slice %arg7[%add3A_227, %dma_wait3A_292] : memref<40960x64xf32, #tpu.memory_space<hbm>> -> memref<128x64xf32, #tpu.memory_space<hbm>>
      %dma_wait3A_294 = arith.constant 0 : i32
      %dma_wait3A_295 = tpu.memref_slice %arg7[%add3A_227, %dma_wait3A_294] : memref<40960x64xf32, #tpu.memory_space<hbm>> -> memref<128x64xf32, #tpu.memory_space<hbm>>
      tpu.wait_dma2 semaphore(%run_scoped3A : memref<!tpu.dma_semaphore, #tpu.memory_space<semaphore_mem>>) src(%arg16 : memref<128x64xf32, #tpu.memory_space<vmem>>) dst(%dma_wait3A_295 : memref<128x64xf32, #tpu.memory_space<hbm>>)
      tpu.yield
    }) : () -> ()
    %barrier3A_228 = arith.constant 0 : index
    tpu.barrier barrier_id(%barrier3A_228)
    %scan3A_229 = arith.constant 0 : i32
    %scan3A_230 = arith.constant 62 : i32
    %scan3A_231 = arith.addi %scan3A_229, %scan3A_230 : i32
    %scan3A_232 = arith.constant 1 : i32
    scf.for %scan3A_288 = %scan3A_229 to %scan3A_231 step %scan3A_232  : i32 {
      %mul3A_289 = arith.constant 1 : i32
      %mul3A_290 = arith.muli %scan3A_288, %mul3A_289 : i32
      %add3A_291 = arith.constant 0 : i32
      %add3A_292 = arith.addi %add3A_291, %mul3A_290 : i32
      %mul3A_293 = arith.constant 2 : i32
      %mul3A_294 = arith.muli %add3A_292, %mul3A_293 : i32
      %mul3A_295 = arith.constant 2 : i32
      %mul3A_296 = arith.muli %add3A_292, %mul3A_295 : i32
      %add3A_297 = arith.constant 1 : i32
      %add3A_298 = arith.addi %mul3A_296, %add3A_297 : i32
      %dma_start3A_299 = arith.constant 0 : i32
      %dma_start3A_300 = tpu.memref_slice %arg12[%mul3A_294, %dma_start3A_299] : memref<125x80xi32, #tpu.memory_space<vmem>> -> memref<1x80xi32, #tpu.memory_space<vmem>>
      %dma_start3A_301 = tpu.memref_squeeze %dma_start3A_300 : memref<1x80xi32, #tpu.memory_space<vmem>> -> memref<80xi32, #tpu.memory_space<vmem>>
      %dma_start3A_302 = arith.constant 0 : i32
      %dma_start3A_303 = arith.constant 0 : i32
      %dma_start3A_304 = tpu.memref_slice %arg7[%dma_start3A_302, %dma_start3A_303] : memref<40960x64xf32, #tpu.memory_space<hbm>> -> memref<40960x64xf32, #tpu.memory_space<hbm>>
      tpu.enqueue_indirect_dma source(%dma_start3A_304 : memref<40960x64xf32, #tpu.memory_space<hbm>>) target(%arg13 : memref<80x64xf32, #tpu.memory_space<vmem>>) offsets(%dma_start3A_301 : memref<80xi32, #tpu.memory_space<vmem>>) semaphore(%arg18 : memref<!tpu.dma_semaphore, #tpu.memory_space<semaphore_mem>>)
      %dma_start3A_305 = arith.constant 0 : i32
      %dma_start3A_306 = tpu.memref_slice %arg12[%add3A_298, %dma_start3A_305] : memref<125x80xi32, #tpu.memory_space<vmem>> -> memref<1x80xi32, #tpu.memory_space<vmem>>
      %dma_start3A_307 = tpu.memref_squeeze %dma_start3A_306 : memref<1x80xi32, #tpu.memory_space<vmem>> -> memref<80xi32, #tpu.memory_space<vmem>>
      %dma_start3A_308 = arith.constant 0 : i32
      %dma_start3A_309 = arith.constant 0 : i32
      %dma_start3A_310 = tpu.memref_slice %arg7[%dma_start3A_308, %dma_start3A_309] : memref<40960x64xf32, #tpu.memory_space<hbm>> -> memref<40960x64xf32, #tpu.memory_space<hbm>>
      tpu.enqueue_indirect_dma source(%dma_start3A_310 : memref<40960x64xf32, #tpu.memory_space<hbm>>) target(%arg14 : memref<80x64xf32, #tpu.memory_space<vmem>>) offsets(%dma_start3A_307 : memref<80xi32, #tpu.memory_space<vmem>>) semaphore(%arg19 : memref<!tpu.dma_semaphore, #tpu.memory_space<semaphore_mem>>)
      %dma_wait3A_311 = arith.constant 0 : i32
      %dma_wait3A_312 = tpu.memref_slice %arg12[%mul3A_294, %dma_wait3A_311] : memref<125x80xi32, #tpu.memory_space<vmem>> -> memref<1x80xi32, #tpu.memory_space<vmem>>
      %dma_wait3A_313 = tpu.memref_squeeze %dma_wait3A_312 : memref<1x80xi32, #tpu.memory_space<vmem>> -> memref<80xi32, #tpu.memory_space<vmem>>
      %dma_wait3A_314 = arith.constant 0 : i32
      %dma_wait3A_315 = arith.constant 0 : i32
      %dma_wait3A_316 = tpu.memref_slice %arg7[%dma_wait3A_314, %dma_wait3A_315] : memref<40960x64xf32, #tpu.memory_space<hbm>> -> memref<40960x64xf32, #tpu.memory_space<hbm>>
      tpu.wait_indirect_dma semaphore(%arg18 : memref<!tpu.dma_semaphore, #tpu.memory_space<semaphore_mem>>) src(%dma_wait3A_316 : memref<40960x64xf32, #tpu.memory_space<hbm>>) dst(%arg13 : memref<80x64xf32, #tpu.memory_space<vmem>>)
      %dma_start3A_317 = arith.constant 0 : i32
      %dma_start3A_318 = tpu.memref_slice %arg11[%mul3A_294, %dma_start3A_317] : memref<125x80xi32, #tpu.memory_space<vmem>> -> memref<1x80xi32, #tpu.memory_space<vmem>>
      %dma_start3A_319 = tpu.memref_squeeze %dma_start3A_318 : memref<1x80xi32, #tpu.memory_space<vmem>> -> memref<80xi32, #tpu.memory_space<vmem>>
      %dma_start3A_320 = arith.constant 0 : i32
      %dma_start3A_321 = arith.constant 0 : i32
      %dma_start3A_322 = tpu.memref_slice %arg8[%dma_start3A_320, %dma_start3A_321] : memref<10240x64xf32, #tpu.memory_space<vmem_shared>> -> memref<10240x64xf32, #tpu.memory_space<vmem_shared>>
      tpu.enqueue_indirect_dma source(%arg13 : memref<80x64xf32, #tpu.memory_space<vmem>>) target(%dma_start3A_322 : memref<10240x64xf32, #tpu.memory_space<vmem_shared>>) offsets(%dma_start3A_319 : memref<80xi32, #tpu.memory_space<vmem>>) semaphore(%arg20 : memref<!tpu.dma_semaphore, #tpu.memory_space<semaphore_mem>>) {add = true}
      %dma_wait3A_323 = arith.constant 0 : i32
      %dma_wait3A_324 = tpu.memref_slice %arg12[%add3A_298, %dma_wait3A_323] : memref<125x80xi32, #tpu.memory_space<vmem>> -> memref<1x80xi32, #tpu.memory_space<vmem>>
      %dma_wait3A_325 = tpu.memref_squeeze %dma_wait3A_324 : memref<1x80xi32, #tpu.memory_space<vmem>> -> memref<80xi32, #tpu.memory_space<vmem>>
      %dma_wait3A_326 = arith.constant 0 : i32
      %dma_wait3A_327 = arith.constant 0 : i32
      %dma_wait3A_328 = tpu.memref_slice %arg7[%dma_wait3A_326, %dma_wait3A_327] : memref<40960x64xf32, #tpu.memory_space<hbm>> -> memref<40960x64xf32, #tpu.memory_space<hbm>>
      tpu.wait_indirect_dma semaphore(%arg19 : memref<!tpu.dma_semaphore, #tpu.memory_space<semaphore_mem>>) src(%dma_wait3A_328 : memref<40960x64xf32, #tpu.memory_space<hbm>>) dst(%arg14 : memref<80x64xf32, #tpu.memory_space<vmem>>)
      %dma_start3A_329 = arith.constant 0 : i32
      %dma_start3A_330 = tpu.memref_slice %arg11[%add3A_298, %dma_start3A_329] : memref<125x80xi32, #tpu.memory_space<vmem>> -> memref<1x80xi32, #tpu.memory_space<vmem>>
      %dma_start3A_331 = tpu.memref_squeeze %dma_start3A_330 : memref<1x80xi32, #tpu.memory_space<vmem>> -> memref<80xi32, #tpu.memory_space<vmem>>
      %dma_start3A_332 = arith.constant 0 : i32
      %dma_start3A_333 = arith.constant 0 : i32
      %dma_start3A_334 = tpu.memref_slice %arg8[%dma_start3A_332, %dma_start3A_333] : memref<10240x64xf32, #tpu.memory_space<vmem_shared>> -> memref<10240x64xf32, #tpu.memory_space<vmem_shared>>
      tpu.enqueue_indirect_dma source(%arg14 : memref<80x64xf32, #tpu.memory_space<vmem>>) target(%dma_start3A_334 : memref<10240x64xf32, #tpu.memory_space<vmem_shared>>) offsets(%dma_start3A_331 : memref<80xi32, #tpu.memory_space<vmem>>) semaphore(%arg21 : memref<!tpu.dma_semaphore, #tpu.memory_space<semaphore_mem>>) {add = true}
      %dma_wait3A_335 = arith.constant 0 : i32
      %dma_wait3A_336 = tpu.memref_slice %arg11[%mul3A_294, %dma_wait3A_335] : memref<125x80xi32, #tpu.memory_space<vmem>> -> memref<1x80xi32, #tpu.memory_space<vmem>>
      %dma_wait3A_337 = tpu.memref_squeeze %dma_wait3A_336 : memref<1x80xi32, #tpu.memory_space<vmem>> -> memref<80xi32, #tpu.memory_space<vmem>>
      %dma_wait3A_338 = arith.constant 0 : i32
      %dma_wait3A_339 = arith.constant 0 : i32
      %dma_wait3A_340 = tpu.memref_slice %arg8[%dma_wait3A_338, %dma_wait3A_339] : memref<10240x64xf32, #tpu.memory_space<vmem_shared>> -> memref<10240x64xf32, #tpu.memory_space<vmem_shared>>
      tpu.wait_indirect_dma semaphore(%arg20 : memref<!tpu.dma_semaphore, #tpu.memory_space<semaphore_mem>>) src(%arg13 : memref<80x64xf32, #tpu.memory_space<vmem>>) dst(%dma_wait3A_340 : memref<10240x64xf32, #tpu.memory_space<vmem_shared>>)
      %dma_wait3A_341 = arith.constant 0 : i32
      %dma_wait3A_342 = tpu.memref_slice %arg11[%add3A_298, %dma_wait3A_341] : memref<125x80xi32, #tpu.memory_space<vmem>> -> memref<1x80xi32, #tpu.memory_space<vmem>>
      %dma_wait3A_343 = tpu.memref_squeeze %dma_wait3A_342 : memref<1x80xi32, #tpu.memory_space<vmem>> -> memref<80xi32, #tpu.memory_space<vmem>>
      %dma_wait3A_344 = arith.constant 0 : i32
      %dma_wait3A_345 = arith.constant 0 : i32
      %dma_wait3A_346 = tpu.memref_slice %arg8[%dma_wait3A_344, %dma_wait3A_345] : memref<10240x64xf32, #tpu.memory_space<vmem_shared>> -> memref<10240x64xf32, #tpu.memory_space<vmem_shared>>
      tpu.wait_indirect_dma semaphore(%arg21 : memref<!tpu.dma_semaphore, #tpu.memory_space<semaphore_mem>>) src(%arg14 : memref<80x64xf32, #tpu.memory_space<vmem>>) dst(%dma_wait3A_346 : memref<10240x64xf32, #tpu.memory_space<vmem_shared>>)
    }
    %scan3A_233 = arith.constant 62 : i32
    %dma_start3A_234 = arith.constant 124 : i32
    %dma_start3A_235 = arith.constant 0 : i32
    %dma_start3A_236 = tpu.memref_slice %arg12[%dma_start3A_234, %dma_start3A_235] : memref<125x80xi32, #tpu.memory_space<vmem>> -> memref<1x80xi32, #tpu.memory_space<vmem>>
    %dma_start3A_237 = tpu.memref_squeeze %dma_start3A_236 : memref<1x80xi32, #tpu.memory_space<vmem>> -> memref<80xi32, #tpu.memory_space<vmem>>
    %dma_start3A_238 = arith.constant 0 : i32
    %dma_start3A_239 = arith.constant 0 : i32
    %dma_start3A_240 = tpu.memref_slice %arg7[%dma_start3A_238, %dma_start3A_239] : memref<40960x64xf32, #tpu.memory_space<hbm>> -> memref<40960x64xf32, #tpu.memory_space<hbm>>
    tpu.enqueue_indirect_dma source(%dma_start3A_240 : memref<40960x64xf32, #tpu.memory_space<hbm>>) target(%arg13 : memref<80x64xf32, #tpu.memory_space<vmem>>) offsets(%dma_start3A_237 : memref<80xi32, #tpu.memory_space<vmem>>) semaphore(%arg18 : memref<!tpu.dma_semaphore, #tpu.memory_space<semaphore_mem>>)
    %dma_wait3A_241 = arith.constant 124 : i32
    %dma_wait3A_242 = arith.constant 0 : i32
    %dma_wait3A_243 = tpu.memref_slice %arg12[%dma_wait3A_241, %dma_wait3A_242] : memref<125x80xi32, #tpu.memory_space<vmem>> -> memref<1x80xi32, #tpu.memory_space<vmem>>
    %dma_wait3A_244 = tpu.memref_squeeze %dma_wait3A_243 : memref<1x80xi32, #tpu.memory_space<vmem>> -> memref<80xi32, #tpu.memory_space<vmem>>
    %dma_wait3A_245 = arith.constant 0 : i32
    %dma_wait3A_246 = arith.constant 0 : i32
    %dma_wait3A_247 = tpu.memref_slice %arg7[%dma_wait3A_245, %dma_wait3A_246] : memref<40960x64xf32, #tpu.memory_space<hbm>> -> memref<40960x64xf32, #tpu.memory_space<hbm>>
    tpu.wait_indirect_dma semaphore(%arg18 : memref<!tpu.dma_semaphore, #tpu.memory_space<semaphore_mem>>) src(%dma_wait3A_247 : memref<40960x64xf32, #tpu.memory_space<hbm>>) dst(%arg13 : memref<80x64xf32, #tpu.memory_space<vmem>>)
    %dma_start3A_248 = arith.constant 124 : i32
    %dma_start3A_249 = arith.constant 0 : i32
    %dma_start3A_250 = tpu.memref_slice %arg11[%dma_start3A_248, %dma_start3A_249] : memref<125x80xi32, #tpu.memory_space<vmem>> -> memref<1x80xi32, #tpu.memory_space<vmem>>
    %dma_start3A_251 = tpu.memref_squeeze %dma_start3A_250 : memref<1x80xi32, #tpu.memory_space<vmem>> -> memref<80xi32, #tpu.memory_space<vmem>>
    %dma_start3A_252 = arith.constant 0 : i32
    %dma_start3A_253 = arith.constant 0 : i32
    %dma_start3A_254 = tpu.memref_slice %arg8[%dma_start3A_252, %dma_start3A_253] : memref<10240x64xf32, #tpu.memory_space<vmem_shared>> -> memref<10240x64xf32, #tpu.memory_space<vmem_shared>>
    tpu.enqueue_indirect_dma source(%arg13 : memref<80x64xf32, #tpu.memory_space<vmem>>) target(%dma_start3A_254 : memref<10240x64xf32, #tpu.memory_space<vmem_shared>>) offsets(%dma_start3A_251 : memref<80xi32, #tpu.memory_space<vmem>>) semaphore(%arg20 : memref<!tpu.dma_semaphore, #tpu.memory_space<semaphore_mem>>) {add = true}
    %dma_wait3A_255 = arith.constant 124 : i32
    %dma_wait3A_256 = arith.constant 0 : i32
    %dma_wait3A_257 = tpu.memref_slice %arg11[%dma_wait3A_255, %dma_wait3A_256] : memref<125x80xi32, #tpu.memory_space<vmem>> -> memref<1x80xi32, #tpu.memory_space<vmem>>
    %dma_wait3A_258 = tpu.memref_squeeze %dma_wait3A_257 : memref<1x80xi32, #tpu.memory_space<vmem>> -> memref<80xi32, #tpu.memory_space<vmem>>
    %dma_wait3A_259 = arith.constant 0 : i32
    %dma_wait3A_260 = arith.constant 0 : i32
    %dma_wait3A_261 = tpu.memref_slice %arg8[%dma_wait3A_259, %dma_wait3A_260] : memref<10240x64xf32, #tpu.memory_space<vmem_shared>> -> memref<10240x64xf32, #tpu.memory_space<vmem_shared>>
    tpu.wait_indirect_dma semaphore(%arg20 : memref<!tpu.dma_semaphore, #tpu.memory_space<semaphore_mem>>) src(%arg13 : memref<80x64xf32, #tpu.memory_space<vmem>>) dst(%dma_wait3A_261 : memref<10240x64xf32, #tpu.memory_space<vmem_shared>>)
    %barrier3A_262 = arith.constant 0 : index
    tpu.barrier barrier_id(%barrier3A_262)
    %add3A_263 = arith.constant 0 : i32
    %add3A_264 = arith.addi %mul3A_0, %add3A_263 : i32
    "tpu.region"() ({
      %run_scoped3A = tpu.sem_alloc : memref<!tpu.dma_semaphore, #tpu.memory_space<semaphore_mem>>
      %dma_start3A_288 = arith.constant 0 : i32
      %dma_start3A_289 = tpu.memref_slice %arg8[%add3A_264, %dma_start3A_288] : memref<10240x64xf32, #tpu.memory_space<vmem_shared>> -> memref<128x64xf32, #tpu.memory_space<vmem_shared>>
      %dma_start3A_290 = arith.constant 0 : i32
      %dma_start3A_291 = tpu.memref_slice %arg8[%add3A_264, %dma_start3A_290] : memref<10240x64xf32, #tpu.memory_space<vmem_shared>> -> memref<128x64xf32, #tpu.memory_space<vmem_shared>>
      tpu.enqueue_dma source(%dma_start3A_291 : memref<128x64xf32, #tpu.memory_space<vmem_shared>>) target(%arg16 : memref<128x64xf32, #tpu.memory_space<vmem>>) target_semaphore(%run_scoped3A : memref<!tpu.dma_semaphore, #tpu.memory_space<semaphore_mem>>)
      %dma_wait3A_292 = arith.constant 0 : i32
      %dma_wait3A_293 = tpu.memref_slice %arg8[%add3A_264, %dma_wait3A_292] : memref<10240x64xf32, #tpu.memory_space<vmem_shared>> -> memref<128x64xf32, #tpu.memory_space<vmem_shared>>
      %dma_wait3A_294 = arith.constant 0 : i32
      %dma_wait3A_295 = tpu.memref_slice %arg8[%add3A_264, %dma_wait3A_294] : memref<10240x64xf32, #tpu.memory_space<vmem_shared>> -> memref<128x64xf32, #tpu.memory_space<vmem_shared>>
      tpu.wait_dma2 semaphore(%run_scoped3A : memref<!tpu.dma_semaphore, #tpu.memory_space<semaphore_mem>>) src(%dma_wait3A_295 : memref<128x64xf32, #tpu.memory_space<vmem_shared>>) dst(%arg16 : memref<128x64xf32, #tpu.memory_space<vmem>>)
      tpu.yield
    }) : () -> ()
    %add3A_265 = arith.addi %mul3A_165, %mul3A_0 : i32
    %add3A_266 = arith.constant 0 : i32
    %add3A_267 = arith.addi %add3A_265, %add3A_266 : i32
    "tpu.region"() ({
      %run_scoped3A = tpu.sem_alloc : memref<!tpu.dma_semaphore, #tpu.memory_space<semaphore_mem>>
      %dma_start3A_288 = arith.constant 0 : i32
      %dma_start3A_289 = tpu.memref_slice %arg5[%add3A_267, %dma_start3A_288] : memref<40960x64xf32, #tpu.memory_space<hbm>> -> memref<128x64xf32, #tpu.memory_space<hbm>>
      %dma_start3A_290 = arith.constant 0 : i32
      %dma_start3A_291 = tpu.memref_slice %arg5[%add3A_267, %dma_start3A_290] : memref<40960x64xf32, #tpu.memory_space<hbm>> -> memref<128x64xf32, #tpu.memory_space<hbm>>
      tpu.enqueue_dma source(%arg16 : memref<128x64xf32, #tpu.memory_space<vmem>>) target(%dma_start3A_291 : memref<128x64xf32, #tpu.memory_space<hbm>>) target_semaphore(%run_scoped3A : memref<!tpu.dma_semaphore, #tpu.memory_space<semaphore_mem>>)
      %dma_wait3A_292 = arith.constant 0 : i32
      %dma_wait3A_293 = tpu.memref_slice %arg5[%add3A_267, %dma_wait3A_292] : memref<40960x64xf32, #tpu.memory_space<hbm>> -> memref<128x64xf32, #tpu.memory_space<hbm>>
      %dma_wait3A_294 = arith.constant 0 : i32
      %dma_wait3A_295 = tpu.memref_slice %arg5[%add3A_267, %dma_wait3A_294] : memref<40960x64xf32, #tpu.memory_space<hbm>> -> memref<128x64xf32, #tpu.memory_space<hbm>>
      tpu.wait_dma2 semaphore(%run_scoped3A : memref<!tpu.dma_semaphore, #tpu.memory_space<semaphore_mem>>) src(%arg16 : memref<128x64xf32, #tpu.memory_space<vmem>>) dst(%dma_wait3A_295 : memref<128x64xf32, #tpu.memory_space<hbm>>)
      tpu.yield
    }) : () -> ()
    %add3A_268 = arith.constant 128 : i32
    %add3A_269 = arith.addi %mul3A_0, %add3A_268 : i32
    "tpu.region"() ({
      %run_scoped3A = tpu.sem_alloc : memref<!tpu.dma_semaphore, #tpu.memory_space<semaphore_mem>>
      %dma_start3A_288 = arith.constant 0 : i32
      %dma_start3A_289 = tpu.memref_slice %arg8[%add3A_269, %dma_start3A_288] : memref<10240x64xf32, #tpu.memory_space<vmem_shared>> -> memref<128x64xf32, #tpu.memory_space<vmem_shared>>
      %dma_start3A_290 = arith.constant 0 : i32
      %dma_start3A_291 = tpu.memref_slice %arg8[%add3A_269, %dma_start3A_290] : memref<10240x64xf32, #tpu.memory_space<vmem_shared>> -> memref<128x64xf32, #tpu.memory_space<vmem_shared>>
      tpu.enqueue_dma source(%dma_start3A_291 : memref<128x64xf32, #tpu.memory_space<vmem_shared>>) target(%arg16 : memref<128x64xf32, #tpu.memory_space<vmem>>) target_semaphore(%run_scoped3A : memref<!tpu.dma_semaphore, #tpu.memory_space<semaphore_mem>>)
      %dma_wait3A_292 = arith.constant 0 : i32
      %dma_wait3A_293 = tpu.memref_slice %arg8[%add3A_269, %dma_wait3A_292] : memref<10240x64xf32, #tpu.memory_space<vmem_shared>> -> memref<128x64xf32, #tpu.memory_space<vmem_shared>>
      %dma_wait3A_294 = arith.constant 0 : i32
      %dma_wait3A_295 = tpu.memref_slice %arg8[%add3A_269, %dma_wait3A_294] : memref<10240x64xf32, #tpu.memory_space<vmem_shared>> -> memref<128x64xf32, #tpu.memory_space<vmem_shared>>
      tpu.wait_dma2 semaphore(%run_scoped3A : memref<!tpu.dma_semaphore, #tpu.memory_space<semaphore_mem>>) src(%dma_wait3A_295 : memref<128x64xf32, #tpu.memory_space<vmem_shared>>) dst(%arg16 : memref<128x64xf32, #tpu.memory_space<vmem>>)
      tpu.yield
    }) : () -> ()
    %add3A_270 = arith.addi %mul3A_165, %mul3A_0 : i32
    %add3A_271 = arith.constant 128 : i32
    %add3A_272 = arith.addi %add3A_270, %add3A_271 : i32
    "tpu.region"() ({
      %run_scoped3A = tpu.sem_alloc : memref<!tpu.dma_semaphore, #tpu.memory_space<semaphore_mem>>
      %dma_start3A_288 = arith.constant 0 : i32
      %dma_start3A_289 = tpu.memref_slice %arg5[%add3A_272, %dma_start3A_288] : memref<40960x64xf32, #tpu.memory_space<hbm>> -> memref<128x64xf32, #tpu.memory_space<hbm>>
      %dma_start3A_290 = arith.constant 0 : i32
      %dma_start3A_291 = tpu.memref_slice %arg5[%add3A_272, %dma_start3A_290] : memref<40960x64xf32, #tpu.memory_space<hbm>> -> memref<128x64xf32, #tpu.memory_space<hbm>>
      tpu.enqueue_dma source(%arg16 : memref<128x64xf32, #tpu.memory_space<vmem>>) target(%dma_start3A_291 : memref<128x64xf32, #tpu.memory_space<hbm>>) target_semaphore(%run_scoped3A : memref<!tpu.dma_semaphore, #tpu.memory_space<semaphore_mem>>)
      %dma_wait3A_292 = arith.constant 0 : i32
      %dma_wait3A_293 = tpu.memref_slice %arg5[%add3A_272, %dma_wait3A_292] : memref<40960x64xf32, #tpu.memory_space<hbm>> -> memref<128x64xf32, #tpu.memory_space<hbm>>
      %dma_wait3A_294 = arith.constant 0 : i32
      %dma_wait3A_295 = tpu.memref_slice %arg5[%add3A_272, %dma_wait3A_294] : memref<40960x64xf32, #tpu.memory_space<hbm>> -> memref<128x64xf32, #tpu.memory_space<hbm>>
      tpu.wait_dma2 semaphore(%run_scoped3A : memref<!tpu.dma_semaphore, #tpu.memory_space<semaphore_mem>>) src(%arg16 : memref<128x64xf32, #tpu.memory_space<vmem>>) dst(%dma_wait3A_295 : memref<128x64xf32, #tpu.memory_space<hbm>>)
      tpu.yield
    }) : () -> ()
    %add3A_273 = arith.constant 256 : i32
    %add3A_274 = arith.addi %mul3A_0, %add3A_273 : i32
    "tpu.region"() ({
      %run_scoped3A = tpu.sem_alloc : memref<!tpu.dma_semaphore, #tpu.memory_space<semaphore_mem>>
      %dma_start3A_288 = arith.constant 0 : i32
      %dma_start3A_289 = tpu.memref_slice %arg8[%add3A_274, %dma_start3A_288] : memref<10240x64xf32, #tpu.memory_space<vmem_shared>> -> memref<128x64xf32, #tpu.memory_space<vmem_shared>>
      %dma_start3A_290 = arith.constant 0 : i32
      %dma_start3A_291 = tpu.memref_slice %arg8[%add3A_274, %dma_start3A_290] : memref<10240x64xf32, #tpu.memory_space<vmem_shared>> -> memref<128x64xf32, #tpu.memory_space<vmem_shared>>
      tpu.enqueue_dma source(%dma_start3A_291 : memref<128x64xf32, #tpu.memory_space<vmem_shared>>) target(%arg16 : memref<128x64xf32, #tpu.memory_space<vmem>>) target_semaphore(%run_scoped3A : memref<!tpu.dma_semaphore, #tpu.memory_space<semaphore_mem>>)
      %dma_wait3A_292 = arith.constant 0 : i32
      %dma_wait3A_293 = tpu.memref_slice %arg8[%add3A_274, %dma_wait3A_292] : memref<10240x64xf32, #tpu.memory_space<vmem_shared>> -> memref<128x64xf32, #tpu.memory_space<vmem_shared>>
      %dma_wait3A_294 = arith.constant 0 : i32
      %dma_wait3A_295 = tpu.memref_slice %arg8[%add3A_274, %dma_wait3A_294] : memref<10240x64xf32, #tpu.memory_space<vmem_shared>> -> memref<128x64xf32, #tpu.memory_space<vmem_shared>>
      tpu.wait_dma2 semaphore(%run_scoped3A : memref<!tpu.dma_semaphore, #tpu.memory_space<semaphore_mem>>) src(%dma_wait3A_295 : memref<128x64xf32, #tpu.memory_space<vmem_shared>>) dst(%arg16 : memref<128x64xf32, #tpu.memory_space<vmem>>)
      tpu.yield
    }) : () -> ()
    %add3A_275 = arith.addi %mul3A_165, %mul3A_0 : i32
    %add3A_276 = arith.constant 256 : i32
    %add3A_277 = arith.addi %add3A_275, %add3A_276 : i32
    "tpu.region"() ({
      %run_scoped3A = tpu.sem_alloc : memref<!tpu.dma_semaphore, #tpu.memory_space<semaphore_mem>>
      %dma_start3A_288 = arith.constant 0 : i32
      %dma_start3A_289 = tpu.memref_slice %arg5[%add3A_277, %dma_start3A_288] : memref<40960x64xf32, #tpu.memory_space<hbm>> -> memref<128x64xf32, #tpu.memory_space<hbm>>
      %dma_start3A_290 = arith.constant 0 : i32
      %dma_start3A_291 = tpu.memref_slice %arg5[%add3A_277, %dma_start3A_290] : memref<40960x64xf32, #tpu.memory_space<hbm>> -> memref<128x64xf32, #tpu.memory_space<hbm>>
      tpu.enqueue_dma source(%arg16 : memref<128x64xf32, #tpu.memory_space<vmem>>) target(%dma_start3A_291 : memref<128x64xf32, #tpu.memory_space<hbm>>) target_semaphore(%run_scoped3A : memref<!tpu.dma_semaphore, #tpu.memory_space<semaphore_mem>>)
      %dma_wait3A_292 = arith.constant 0 : i32
      %dma_wait3A_293 = tpu.memref_slice %arg5[%add3A_277, %dma_wait3A_292] : memref<40960x64xf32, #tpu.memory_space<hbm>> -> memref<128x64xf32, #tpu.memory_space<hbm>>
      %dma_wait3A_294 = arith.constant 0 : i32
      %dma_wait3A_295 = tpu.memref_slice %arg5[%add3A_277, %dma_wait3A_294] : memref<40960x64xf32, #tpu.memory_space<hbm>> -> memref<128x64xf32, #tpu.memory_space<hbm>>
      tpu.wait_dma2 semaphore(%run_scoped3A : memref<!tpu.dma_semaphore, #tpu.memory_space<semaphore_mem>>) src(%arg16 : memref<128x64xf32, #tpu.memory_space<vmem>>) dst(%dma_wait3A_295 : memref<128x64xf32, #tpu.memory_space<hbm>>)
      tpu.yield
    }) : () -> ()
    %add3A_278 = arith.constant 384 : i32
    %add3A_279 = arith.addi %mul3A_0, %add3A_278 : i32
    "tpu.region"() ({
      %run_scoped3A = tpu.sem_alloc : memref<!tpu.dma_semaphore, #tpu.memory_space<semaphore_mem>>
      %dma_start3A_288 = arith.constant 0 : i32
      %dma_start3A_289 = tpu.memref_slice %arg8[%add3A_279, %dma_start3A_288] : memref<10240x64xf32, #tpu.memory_space<vmem_shared>> -> memref<128x64xf32, #tpu.memory_space<vmem_shared>>
      %dma_start3A_290 = arith.constant 0 : i32
      %dma_start3A_291 = tpu.memref_slice %arg8[%add3A_279, %dma_start3A_290] : memref<10240x64xf32, #tpu.memory_space<vmem_shared>> -> memref<128x64xf32, #tpu.memory_space<vmem_shared>>
      tpu.enqueue_dma source(%dma_start3A_291 : memref<128x64xf32, #tpu.memory_space<vmem_shared>>) target(%arg16 : memref<128x64xf32, #tpu.memory_space<vmem>>) target_semaphore(%run_scoped3A : memref<!tpu.dma_semaphore, #tpu.memory_space<semaphore_mem>>)
      %dma_wait3A_292 = arith.constant 0 : i32
      %dma_wait3A_293 = tpu.memref_slice %arg8[%add3A_279, %dma_wait3A_292] : memref<10240x64xf32, #tpu.memory_space<vmem_shared>> -> memref<128x64xf32, #tpu.memory_space<vmem_shared>>
      %dma_wait3A_294 = arith.constant 0 : i32
      %dma_wait3A_295 = tpu.memref_slice %arg8[%add3A_279, %dma_wait3A_294] : memref<10240x64xf32, #tpu.memory_space<vmem_shared>> -> memref<128x64xf32, #tpu.memory_space<vmem_shared>>
      tpu.wait_dma2 semaphore(%run_scoped3A : memref<!tpu.dma_semaphore, #tpu.memory_space<semaphore_mem>>) src(%dma_wait3A_295 : memref<128x64xf32, #tpu.memory_space<vmem_shared>>) dst(%arg16 : memref<128x64xf32, #tpu.memory_space<vmem>>)
      tpu.yield
    }) : () -> ()
    %add3A_280 = arith.addi %mul3A_165, %mul3A_0 : i32
    %add3A_281 = arith.constant 384 : i32
    %add3A_282 = arith.addi %add3A_280, %add3A_281 : i32
    "tpu.region"() ({
      %run_scoped3A = tpu.sem_alloc : memref<!tpu.dma_semaphore, #tpu.memory_space<semaphore_mem>>
      %dma_start3A_288 = arith.constant 0 : i32
      %dma_start3A_289 = tpu.memref_slice %arg5[%add3A_282, %dma_start3A_288] : memref<40960x64xf32, #tpu.memory_space<hbm>> -> memref<128x64xf32, #tpu.memory_space<hbm>>
      %dma_start3A_290 = arith.constant 0 : i32
      %dma_start3A_291 = tpu.memref_slice %arg5[%add3A_282, %dma_start3A_290] : memref<40960x64xf32, #tpu.memory_space<hbm>> -> memref<128x64xf32, #tpu.memory_space<hbm>>
      tpu.enqueue_dma source(%arg16 : memref<128x64xf32, #tpu.memory_space<vmem>>) target(%dma_start3A_291 : memref<128x64xf32, #tpu.memory_space<hbm>>) target_semaphore(%run_scoped3A : memref<!tpu.dma_semaphore, #tpu.memory_space<semaphore_mem>>)
      %dma_wait3A_292 = arith.constant 0 : i32
      %dma_wait3A_293 = tpu.memref_slice %arg5[%add3A_282, %dma_wait3A_292] : memref<40960x64xf32, #tpu.memory_space<hbm>> -> memref<128x64xf32, #tpu.memory_space<hbm>>
      %dma_wait3A_294 = arith.constant 0 : i32
      %dma_wait3A_295 = tpu.memref_slice %arg5[%add3A_282, %dma_wait3A_294] : memref<40960x64xf32, #tpu.memory_space<hbm>> -> memref<128x64xf32, #tpu.memory_space<hbm>>
      tpu.wait_dma2 semaphore(%run_scoped3A : memref<!tpu.dma_semaphore, #tpu.memory_space<semaphore_mem>>) src(%arg16 : memref<128x64xf32, #tpu.memory_space<vmem>>) dst(%dma_wait3A_295 : memref<128x64xf32, #tpu.memory_space<hbm>>)
      tpu.yield
    }) : () -> ()
    %add3A_283 = arith.constant 512 : i32
    %add3A_284 = arith.addi %mul3A_0, %add3A_283 : i32
    "tpu.region"() ({
      %run_scoped3A = tpu.sem_alloc : memref<!tpu.dma_semaphore, #tpu.memory_space<semaphore_mem>>
      %dma_start3A_288 = arith.constant 0 : i32
      %dma_start3A_289 = tpu.memref_slice %arg8[%add3A_284, %dma_start3A_288] : memref<10240x64xf32, #tpu.memory_space<vmem_shared>> -> memref<128x64xf32, #tpu.memory_space<vmem_shared>>
      %dma_start3A_290 = arith.constant 0 : i32
      %dma_start3A_291 = tpu.memref_slice %arg8[%add3A_284, %dma_start3A_290] : memref<10240x64xf32, #tpu.memory_space<vmem_shared>> -> memref<128x64xf32, #tpu.memory_space<vmem_shared>>
      tpu.enqueue_dma source(%dma_start3A_291 : memref<128x64xf32, #tpu.memory_space<vmem_shared>>) target(%arg16 : memref<128x64xf32, #tpu.memory_space<vmem>>) target_semaphore(%run_scoped3A : memref<!tpu.dma_semaphore, #tpu.memory_space<semaphore_mem>>)
      %dma_wait3A_292 = arith.constant 0 : i32
      %dma_wait3A_293 = tpu.memref_slice %arg8[%add3A_284, %dma_wait3A_292] : memref<10240x64xf32, #tpu.memory_space<vmem_shared>> -> memref<128x64xf32, #tpu.memory_space<vmem_shared>>
      %dma_wait3A_294 = arith.constant 0 : i32
      %dma_wait3A_295 = tpu.memref_slice %arg8[%add3A_284, %dma_wait3A_294] : memref<10240x64xf32, #tpu.memory_space<vmem_shared>> -> memref<128x64xf32, #tpu.memory_space<vmem_shared>>
      tpu.wait_dma2 semaphore(%run_scoped3A : memref<!tpu.dma_semaphore, #tpu.memory_space<semaphore_mem>>) src(%dma_wait3A_295 : memref<128x64xf32, #tpu.memory_space<vmem_shared>>) dst(%arg16 : memref<128x64xf32, #tpu.memory_space<vmem>>)
      tpu.yield
    }) : () -> ()
    %add3A_285 = arith.addi %mul3A_165, %mul3A_0 : i32
    %add3A_286 = arith.constant 512 : i32
    %add3A_287 = arith.addi %add3A_285, %add3A_286 : i32
    "tpu.region"() ({
      %run_scoped3A = tpu.sem_alloc : memref<!tpu.dma_semaphore, #tpu.memory_space<semaphore_mem>>
      %dma_start3A_288 = arith.constant 0 : i32
      %dma_start3A_289 = tpu.memref_slice %arg5[%add3A_287, %dma_start3A_288] : memref<40960x64xf32, #tpu.memory_space<hbm>> -> memref<128x64xf32, #tpu.memory_space<hbm>>
      %dma_start3A_290 = arith.constant 0 : i32
      %dma_start3A_291 = tpu.memref_slice %arg5[%add3A_287, %dma_start3A_290] : memref<40960x64xf32, #tpu.memory_space<hbm>> -> memref<128x64xf32, #tpu.memory_space<hbm>>
      tpu.enqueue_dma source(%arg16 : memref<128x64xf32, #tpu.memory_space<vmem>>) target(%dma_start3A_291 : memref<128x64xf32, #tpu.memory_space<hbm>>) target_semaphore(%run_scoped3A : memref<!tpu.dma_semaphore, #tpu.memory_space<semaphore_mem>>)
      %dma_wait3A_292 = arith.constant 0 : i32
      %dma_wait3A_293 = tpu.memref_slice %arg5[%add3A_287, %dma_wait3A_292] : memref<40960x64xf32, #tpu.memory_space<hbm>> -> memref<128x64xf32, #tpu.memory_space<hbm>>
      %dma_wait3A_294 = arith.constant 0 : i32
      %dma_wait3A_295 = tpu.memref_slice %arg5[%add3A_287, %dma_wait3A_294] : memref<40960x64xf32, #tpu.memory_space<hbm>> -> memref<128x64xf32, #tpu.memory_space<hbm>>
      tpu.wait_dma2 semaphore(%run_scoped3A : memref<!tpu.dma_semaphore, #tpu.memory_space<semaphore_mem>>) src(%arg16 : memref<128x64xf32, #tpu.memory_space<vmem>>) dst(%dma_wait3A_295 : memref<128x64xf32, #tpu.memory_space<hbm>>)
      tpu.yield
    }) : () -> ()
    return
  }
}

module attributes {stable_mosaic.version = 14 : i64} {
  func.func @mm(%arg0: i32, %arg1: memref<4x1000x64xf32, #tpu.memory_space<vmem>>, %arg2: memref<1000x16xf32, #tpu.memory_space<vmem>>, %arg3: memref<4x64x256xf32, #tpu.memory_space<vmem>>, %arg4: memref<1x256xf32, #tpu.memory_space<vmem>>, %arg5: memref<1000x256xf32, #tpu.memory_space<vmem>>) attributes {dimension_semantics = [#tpu.dimension_semantics<arbitrary>], iteration_bounds = array<i64: 10>, scalar_prefetch = 0 : i64, scratch_operands = 0 : i64, tpu.core_type = #tpu.core_type<tc>, window_params = [{transform_indices = @transform_0, window_bounds = array<i64: 4, 1000, 64>}, {transform_indices = @transform_1, window_bounds = array<i64: 1000, 16>}, {pipeline_mode = #tpu.pipeline_mode<synchronous>, transform_indices = @transform_2, window_bounds = array<i64: 4, 64, 256>}, {pipeline_mode = #tpu.pipeline_mode<synchronous>, transform_indices = @transform_3, window_bounds = array<i64: 1, 256>}, {transform_indices = @transform_4, window_bounds = array<i64: 1000, 256>}]} {
    %get3A = arith.constant 0 : index
    %get3A_0 = arith.constant 0 : index
    %get3A_1 = vector.load %arg2[%get3A, %get3A_0] : memref<1000x16xf32, #tpu.memory_space<vmem>>, vector<1000x1xf32>
    %get3A_2 = arith.constant 0 : index
    %get3A_3 = arith.constant 0 : index
    %get3A_4 = arith.constant 0 : index
    %get3A_5 = vector.load %arg1[%get3A_2, %get3A_3, %get3A_4] : memref<4x1000x64xf32, #tpu.memory_space<vmem>>, vector<1x1000x64xf32>
    %get3A_6 = vector.shape_cast %get3A_5 : vector<1x1000x64xf32> to vector<1000x64xf32>
    %mul3A = vector.broadcast %get3A_1 : vector<1000x1xf32> to vector<1000x64xf32>
    %mul3A_7 = arith.mulf %get3A_6, %mul3A : vector<1000x64xf32>
    %get3A_8 = arith.constant 0 : index
    %get3A_9 = arith.constant 0 : index
    %get3A_10 = arith.constant 0 : index
    %get3A_11 = vector.load %arg3[%get3A_8, %get3A_9, %get3A_10] : memref<4x64x256xf32, #tpu.memory_space<vmem>>, vector<1x64x256xf32>
    %get3A_12 = vector.shape_cast %get3A_11 : vector<1x64x256xf32> to vector<64x256xf32>
    %dot_general3A = arith.constant dense<0.000000e+00> : vector<1000x256xf32>
    %dot_general3A_13 = tpu.matmul %mul3A_7, %get3A_12, %dot_general3A {dimension_numbers = #tpu.dot_dimension_numbers<[1], [0], [0], [1], [0, 0, 1, 1], [], []>, transpose_lhs_hint = false} : vector<1000x64xf32>, vector<64x256xf32>, vector<1000x256xf32> -> vector<1000x256xf32>
    %get3A_14 = arith.constant 1 : index
    %get3A_15 = arith.constant 0 : index
    %get3A_16 = arith.constant 0 : index
    %get3A_17 = vector.load %arg1[%get3A_14, %get3A_15, %get3A_16] : memref<4x1000x64xf32, #tpu.memory_space<vmem>>, vector<1x1000x64xf32>
    %get3A_18 = vector.shape_cast %get3A_17 : vector<1x1000x64xf32> to vector<1000x64xf32>
    %mul3A_19 = vector.broadcast %get3A_1 : vector<1000x1xf32> to vector<1000x64xf32>
    %mul3A_20 = arith.mulf %get3A_18, %mul3A_19 : vector<1000x64xf32>
    %get3A_21 = arith.constant 1 : index
    %get3A_22 = arith.constant 0 : index
    %get3A_23 = arith.constant 0 : index
    %get3A_24 = vector.load %arg3[%get3A_21, %get3A_22, %get3A_23] : memref<4x64x256xf32, #tpu.memory_space<vmem>>, vector<1x64x256xf32>
    %get3A_25 = vector.shape_cast %get3A_24 : vector<1x64x256xf32> to vector<64x256xf32>
    %dot_general3A_26 = arith.constant dense<0.000000e+00> : vector<1000x256xf32>
    %dot_general3A_27 = tpu.matmul %mul3A_20, %get3A_25, %dot_general3A_26 {dimension_numbers = #tpu.dot_dimension_numbers<[1], [0], [0], [1], [0, 0, 1, 1], [], []>, transpose_lhs_hint = false} : vector<1000x64xf32>, vector<64x256xf32>, vector<1000x256xf32> -> vector<1000x256xf32>
    %add3A = arith.addf %dot_general3A_13, %dot_general3A_27 : vector<1000x256xf32>
    %get3A_28 = arith.constant 2 : index
    %get3A_29 = arith.constant 0 : index
    %get3A_30 = arith.constant 0 : index
    %get3A_31 = vector.load %arg1[%get3A_28, %get3A_29, %get3A_30] : memref<4x1000x64xf32, #tpu.memory_space<vmem>>, vector<1x1000x64xf32>
    %get3A_32 = vector.shape_cast %get3A_31 : vector<1x1000x64xf32> to vector<1000x64xf32>
    %mul3A_33 = vector.broadcast %get3A_1 : vector<1000x1xf32> to vector<1000x64xf32>
    %mul3A_34 = arith.mulf %get3A_32, %mul3A_33 : vector<1000x64xf32>
    %get3A_35 = arith.constant 2 : index
    %get3A_36 = arith.constant 0 : index
    %get3A_37 = arith.constant 0 : index
    %get3A_38 = vector.load %arg3[%get3A_35, %get3A_36, %get3A_37] : memref<4x64x256xf32, #tpu.memory_space<vmem>>, vector<1x64x256xf32>
    %get3A_39 = vector.shape_cast %get3A_38 : vector<1x64x256xf32> to vector<64x256xf32>
    %dot_general3A_40 = arith.constant dense<0.000000e+00> : vector<1000x256xf32>
    %dot_general3A_41 = tpu.matmul %mul3A_34, %get3A_39, %dot_general3A_40 {dimension_numbers = #tpu.dot_dimension_numbers<[1], [0], [0], [1], [0, 0, 1, 1], [], []>, transpose_lhs_hint = false} : vector<1000x64xf32>, vector<64x256xf32>, vector<1000x256xf32> -> vector<1000x256xf32>
    %add3A_42 = arith.addf %add3A, %dot_general3A_41 : vector<1000x256xf32>
    %get3A_43 = arith.constant 3 : index
    %get3A_44 = arith.constant 0 : index
    %get3A_45 = arith.constant 0 : index
    %get3A_46 = vector.load %arg1[%get3A_43, %get3A_44, %get3A_45] : memref<4x1000x64xf32, #tpu.memory_space<vmem>>, vector<1x1000x64xf32>
    %get3A_47 = vector.shape_cast %get3A_46 : vector<1x1000x64xf32> to vector<1000x64xf32>
    %mul3A_48 = vector.broadcast %get3A_1 : vector<1000x1xf32> to vector<1000x64xf32>
    %mul3A_49 = arith.mulf %get3A_47, %mul3A_48 : vector<1000x64xf32>
    %get3A_50 = arith.constant 3 : index
    %get3A_51 = arith.constant 0 : index
    %get3A_52 = arith.constant 0 : index
    %get3A_53 = vector.load %arg3[%get3A_50, %get3A_51, %get3A_52] : memref<4x64x256xf32, #tpu.memory_space<vmem>>, vector<1x64x256xf32>
    %get3A_54 = vector.shape_cast %get3A_53 : vector<1x64x256xf32> to vector<64x256xf32>
    %dot_general3A_55 = arith.constant dense<0.000000e+00> : vector<1000x256xf32>
    %dot_general3A_56 = tpu.matmul %mul3A_49, %get3A_54, %dot_general3A_55 {dimension_numbers = #tpu.dot_dimension_numbers<[1], [0], [0], [1], [0, 0, 1, 1], [], []>, transpose_lhs_hint = false} : vector<1000x64xf32>, vector<64x256xf32>, vector<1000x256xf32> -> vector<1000x256xf32>
    %add3A_57 = arith.addf %add3A_42, %dot_general3A_56 : vector<1000x256xf32>
    %get3A_58 = arith.constant 0 : index
    %get3A_59 = arith.constant 0 : index
    %get3A_60 = vector.load %arg4[%get3A_58, %get3A_59] : memref<1x256xf32, #tpu.memory_space<vmem>>, vector<1x256xf32>
    %add3A_61 = vector.broadcast %get3A_60 : vector<1x256xf32> to vector<1000x256xf32>
    %add3A_62 = arith.addf %add3A_57, %add3A_61 : vector<1000x256xf32>
    %max3A = arith.constant 0.000000e+00 : f32
    %max3A_63 = vector.broadcast %max3A : f32 to vector<1000x256xf32>
    %max3A_64 = arith.maximumf %add3A_62, %max3A_63 : vector<1000x256xf32>
    %swap3A = arith.constant 0 : index
    %swap3A_65 = arith.constant 0 : index
    %swap3A_66 = vector.load %arg5[%swap3A, %swap3A_65] : memref<1000x256xf32, #tpu.memory_space<vmem>>, vector<1000x256xf32>
    tpu.vector_store %arg5[%swap3A, %swap3A_65], %max3A_64 {strides = array<i32>} : memref<1000x256xf32, #tpu.memory_space<vmem>>, vector<1000x256xf32>,
    return
  }
  func.func @transform_0(%arg0: i32) -> (i32, i32, i32) {
    %c0_i32 = arith.constant 0 : i32
    %c0_i32_0 = arith.constant 0 : i32
    %c0_i32_1 = arith.constant 0 : i32
    return %c0_i32, %arg0, %c0_i32_0 : i32, i32, i32
  }
  func.func @transform_1(%arg0: i32) -> (i32, i32) {
    %c0_i32 = arith.constant 0 : i32
    %c0_i32_0 = arith.constant 0 : i32
    return %arg0, %c0_i32 : i32, i32
  }
  func.func @transform_2(%arg0: i32) -> (i32, i32, i32) {
    %c0_i32 = arith.constant 0 : i32
    %c0_i32_0 = arith.constant 0 : i32
    %c0_i32_1 = arith.constant 0 : i32
    %c0_i32_2 = arith.constant 0 : i32
    return %c0_i32, %c0_i32_0, %c0_i32_1 : i32, i32, i32
  }
  func.func @transform_3(%arg0: i32) -> (i32, i32) {
    %c0_i32 = arith.constant 0 : i32
    %c0_i32_0 = arith.constant 0 : i32
    %c0_i32_1 = arith.constant 0 : i32
    return %c0_i32, %c0_i32_0 : i32, i32
  }
  func.func @transform_4(%arg0: i32) -> (i32, i32) {
    %c0_i32 = arith.constant 0 : i32
    %c0_i32_0 = arith.constant 0 : i32
    return %arg0, %c0_i32 : i32, i32
  }
}

</mosaic_0001>

<sc_bundles>
// kernel: kernel.4.cloned.1.call-start
scs
__scs_entry_jumppad:
0x0: {  	(pc) =	sbr.rel $0x88, $3  }
0x1: {  	(tag) =	ssettag $0x0;
	lr =	simm.s32 $0x1  }
0x2: {  	[smem:$0x3F9D] =	sst lr;
	_ =	strace $0xD0000000  }
0x3: {  	_ = 	snop  }
0x4: {  	_ = 	snop  }
0x5: {  	_ = 	snop  }
0x6: {  	_ = 	snop  }
0x7: {  	_ = 	snop  }
__scs_overlays_trampoline_lowered:
0x8: {  	[smem:$0x3FAC] =	sst s0  }
0x9: {  	[smem:$0x3FAD] =	sst s1  }
0xa: {  	[smem:$0x3FAE] =	sst s2  }
0xb: {  	[smem:$0x3FAF] =	sst s3  }
0xc: {  	[smem:$0x3FB0] =	sst s4  }
0xd: {  	[smem:$0x3FB1] =	sst s5  }
0xe: {  	[smem:$0x3FB2] =	sst s6  }
0xf: {  	[smem:$0x3FB3] =	sst s7  }
0x10: {  	[smem:$0x3FB4] =	sst s8  }
0x11: {  	[smem:$0x3FB5] =	sst s9;
	s0 =	simm.s32 @!p0 $0x0  }
0x12: {  	s1 =	sld [smem:$0x3F9B];
	s0 =	simm.s32 @p0 $0x1  }
0x13: {  	[smem:$0x3FB6] =	sst s0;
	s0 =	simm.s32 @!p1 $0x0  }
0x14: {  	s2 =	sld [smem:$0x3F9A];
	s0 =	simm.s32 @p1 $0x1  }
0x15: {  	[smem:$0x3FB7] =	sst s0;
	s0 =	simm.s32 @!p2 $0x0  }
0x16: {  	s3 =	sld [smem:$0x3FDB];
	s0 =	simm.s32 @p2 $0x1  }
0x17: {  	s4 =	simm.s32 $0x1BF5;
	[smem:$0x3FB9] =	sst s0  }
0x18: {  	s0 =	sld [smem:$0x3F9C];
	_ =	swait.ge [sflag:s4], $0x0  }
0x19: {  	s7 =	sld [smem:$0x3F9D]  }
0x1a: {  	s8 =	sadd.s32 $0xFFFFE003, lr  }
0x1b: {  	s9 =	sadd.s32 $0xFFFFFEF7, lr;
	s5 =	simm.s32 $0xFFFFFFFF;
	p2 =	slt.u32 s8, $0xFFFFF086  }
0x1c: {  	p1 =	slt.u32 s9, $0xF7A;
	s5 =	simm.s32 @!p2 $0x0  }
0x1d: {  	s5 =	simm.s32 @p1 $0x1;
	p0 =	seq.s32 s7, s2  }
0x1e: {  	s7 =	smul.u32 @!p0 $0xF7A, s2;
	p2 =	seq.s32 @!p0 s5, $0x0  }
0x1f: {  	s9 =	smul.u32 $0xF7A, s1;
	s8 =	simm.s32 @!p0 $0x1BF5;
	p2 =	por !p2, p0  }
0x20: {  	[sflag:s8] =	ssyncset.s32 @!p0 $0xFFFFF086;
	s6 =	sadd.s32 @!p0 s3, s7;
	s7 =	simm.s32 @!p0 $0x108  }
0x21: {  	s3 =	sadd.s32 s3, s9;
	s6 =	sadd.s32 @!p0 $0x88, s6;
	s7 =	simm.s32 @p2 $0x1082  }
0x22: {  	[simem:s7], [sflag:s8] =	dma.local @!p0 [hbm:s6], $0xF7A  }
0x23: {  	s9 =	sor.u32 $0xD0000000, s2;
	s6 =	simm.s32 $0x108;
	_ =	swait.ge @!p0 [sflag:s8], $0x0  }
0x24: {  	s3 =	sadd.s32 $0x88, s3;
	s6 =	simm.s32 @!p1 $0x1082;
	[sflag:s4] =	ssyncset.s32 $0xFFFFF086  }
0x25: {  	[simem:s6], [sflag:s4] =	dma.local [hbm:s3], $0xF7A  }
0x26: {  	[smem:$0x3F9D] =	sst s1;
	(tag) =	ssettag s2;
	_ =	strace s9  }
0x27: {  	s1 =	sld [smem:$0x3FAD]  }
0x28: {  	s2 =	sld [smem:$0x3FAE]  }
0x29: {  	s4 =	sld [smem:$0x3FB0]  }
0x2a: {  	p0 =	seq.s32 s5, $0x0;
	s5 =	sld [smem:$0x3FB1]  }
0x2b: {  	s6 =	sld [smem:$0x3FB2]  }
0x2c: {  	s7 =	sld [smem:$0x3FB3]  }
0x2d: {  	s3 =	simm.s32 $0x108;
	s8 =	sld [smem:$0x3FB4]  }
0x2e: {  	s3 =	simm.s32 @!p0 $0x1082;
	s9 =	sld [smem:$0x3FB5]  }
0x2f: {  	lr =	sadd.s32 s0, s3;
	s0 =	sld [smem:$0x3FAC]  }
0x30: {  	s3 =	sld [smem:$0x3FAF]  }
0x31: {  	[smem:$0x3FB8] =	sst s10  }
0x32: {  	s10 =	sld [smem:$0x3FB6];
	_ =	sdelay $0x3  }
0x33: {  	p0 =	seq.s32 s10, $0x1;
	s10 =	sld [smem:$0x3FB8];
	_ =	sdelay $0x3  }
0x34: {  	[smem:$0x3FB8] =	sst s10  }
0x35: {  	s10 =	sld [smem:$0x3FB7];
	_ =	sdelay $0x3  }
0x36: {  	p1 =	seq.s32 s10, $0x1;
	s10 =	sld [smem:$0x3FB8];
	_ =	sdelay $0x3  }
0x37: {  	[smem:$0x3FB8] =	sst s10  }
0x38: {  	s10 =	sld [smem:$0x3FB9]  }
0x39: {  	_ = 	snop;
	(pc) =	sbr.ind lr, $3  }
0x3a: {  	_ = 	snop  }
0x3b: {  	_ = 	snop  }
0x3c: {  	p2 =	seq.s32 s10, $0x1;
	s10 =	sld [smem:$0x3FB8]  }
0x3d: {  	_ =	shalt  }
0x3e: {  	_ =	shalt  }
0x3f: {  	_ =	shalt  }
0x40: {  	_ =	shalt  }
0x41: {  	_ =	shalt  }
0x42: {  	_ =	shalt  }
0x43: {  	_ =	shalt  }
0x44: {  	_ =	shalt  }
0x45: {  	_ =	shalt  }
0x46: {  	_ =	shalt  }
0x47: {  	_ =	shalt  }
0x48: {  	_ =	shalt  }
0x49: {  	_ =	shalt  }
0x4a: {  	_ =	shalt  }
0x4b: {  	_ =	shalt  }
0x4c: {  	_ =	shalt  }
0x4d: {  	_ =	shalt  }
0x4e: {  	_ =	shalt  }
0x4f: {  	_ =	shalt  }
0x50: {  	_ =	shalt  }
0x51: {  	_ =	shalt  }
0x52: {  	_ =	shalt  }
0x53: {  	_ =	shalt  }
0x54: {  	_ =	shalt  }
0x55: {  	_ =	shalt  }
0x56: {  	_ =	shalt  }
0x57: {  	_ =	shalt  }
0x58: {  	_ =	shalt  }
0x59: {  	_ =	shalt  }
0x5a: {  	_ =	shalt  }
0x5b: {  	_ =	shalt  }
0x5c: {  	_ =	shalt  }
0x5d: {  	_ =	shalt  }
0x5e: {  	_ =	shalt  }
0x5f: {  	_ =	shalt  }
0x60: {  	_ =	shalt  }
0x61: {  	_ =	shalt  }
0x62: {  	_ =	shalt  }
0x63: {  	_ =	shalt  }
0x64: {  	_ =	shalt  }
0x65: {  	_ =	shalt  }
0x66: {  	_ =	shalt  }
0x67: {  	_ =	shalt  }
0x68: {  	_ =	shalt  }
0x69: {  	_ =	shalt  }
0x6a: {  	_ =	shalt  }
0x6b: {  	_ =	shalt  }
0x6c: {  	_ =	shalt  }
0x6d: {  	_ =	shalt  }
0x6e: {  	_ =	shalt  }
0x6f: {  	_ =	shalt  }
0x70: {  	_ =	shalt  }
0x71: {  	_ =	shalt  }
0x72: {  	_ =	shalt  }
0x73: {  	_ =	shalt  }
0x74: {  	_ =	shalt  }
0x75: {  	_ =	shalt  }
0x76: {  	_ =	shalt  }
0x77: {  	_ =	shalt  }
0x78: {  	_ =	shalt  }
0x79: {  	_ =	shalt  }
0x7a: {  	_ =	shalt  }
0x7b: {  	_ =	shalt  }
0x7c: {  	_ =	shalt  }
0x7d: {  	_ =	shalt  }
0x7e: {  	_ =	shalt  }
0x7f: {  	_ =	shalt  }
0x80: {  	_ =	shalt  }
0x81: {  	_ =	shalt  }
0x82: {  	_ =	shalt  }
0x83: {  	_ =	shalt  }
0x84: {  	_ =	shalt  }
0x85: {  	_ =	shalt  }
0x86: {  	_ =	shalt  }
0x87: {  	_ =	shalt  }
.Lfunc_end0:
.L_simem_size_0:
called_computation_lowered:
.L_overlay_start_0:
0x88: {  	s2 =	sld [smem:$0x3FD9]  }
0x89: {  	s3 =	sld [smem:$0x3FFE];
	_ =	sdelay $0x1  }
0x8a: {  	s1 =	srdreg.scid  }
0x8b: {  	s0 =	sand.u32 $0x1, s1  }
0x8c: {  	s17 =	sshll.u32 s0, $0xA;
	s2 =	sadd.s32 s3, s2  }
0x8d: {  	s2 =	sadd.s32 s2, s17  }
0x8e: {  	[smem:$0x3FC4] =	sst s2  }
0x8f: {  	_ = 	snop  }
0x90: {  	s2 =	sld [smem:$0x3FD0];
	(tm) =	ssettm $0x1  }
0x91: {  	s18 =	sld [smem:$0x3FFB];
	_ =	sdelay $0x3  }
0x92: {  	_ =	strace s18  }
0x93: {  	s3 =	sld [smem:$0x3FFC];
	_ =	sdelay $0x3  }
0x94: {  	_ =	strace s3  }
0x95: {  	s3 =	sld [smem:$0x3FFD];
	_ =	sdelay $0x3  }
0x96: {  	_ =	strace s3  }
0x97: {  	_ =	strace $0x8FFFFFFF  }
0x98: {  	s19 =	sld [smem:$0x3FDB];
	_ =	sdelay $0x1  }
0x99: {  	s4 =	simm.s32 $_scs_section_size  }
0x9a: {  	s5 =	simm.s32 $_size__tile_overlayer_lowered;
	s6 =	simm.s32 $_tile_overlayer_lowered  }
0x9b: {  	s22 =	simm.s32 $0x1BFF;
	s21 =	sshll.u32 s6, $0x1;
	s3 =	sadd.s32 s4, s19  }
0x9c: {  	s7 =	simm.s32 $0x0;
	s20 =	sshll.u32 s5, $0x1;
	s5 =	sadd.s32 s21, s3  }
0x9d: {  	[timem:s7], [sflag:s22] =	dma.local [hbm:s5], s20  }
0x9e: {  	_ =	swait.ge [sflag:s22], s20  }
0x9f: {  	s4 =	ssub.s32 $0x0, s20;
	[sflag:s22] =	ssyncset.done $0x0  }
0xa0: {  	[sflag:s22] =	ssyncadd.s32 s4;
	_ =	sdelay $0x1  }
0xa1: {  	s23 =	simm.s32 $0x1B8B  }
0xa2: {  	_ =	swait.ge [sflag:s23], $0x1  }
0xa3: {  	[sflag:s23] =	ssyncset.done $0x0  }
0xa4: {  	s25 =	simm.s32 $0x1B8E;
	s24 =	sld [smem:$0x3FFE];
	[sflag:s23] =	ssyncadd.s32 $0xFFFFFFFF  }
0xa5: {  	s26 =	simm.s32 $execute0_lowered;
	[smem:$0x3FD2] =	sst s25  }
0xa6: {  	s5 =	sshll.u32 s26, $0x1;
	_ =	strace $0x80000046;
	[dreg:$0x1] =	wrdreg $0xFFFFFFFF  }
0xa7: {  	s28 =	simm.s32 $_size_execute0_lowered;
	s3 =	sadd.s32 s3, s5;
	[dreg:$0x0] =	wrdreg $0x0  }
0xa8: {  	s5 =	sshll.u32 s28, $0x1;
	[dreg:$0x2] =	wrdreg s3  }
0xa9: {  	[dreg:$0x3] =	wrdreg s5  }
0xaa: {  	[dreg:$0x4] =	wrdreg $0xC0  }
0xab: {  	_ =	task [dreg:s7], $0x5FFFF  }
0xac: {  	[dreg:$0x1] =	wrdreg $0xFFFFFFFF  }
0xad: {  	[dreg:$0x0] =	wrdreg $0x60  }
0xae: {  	[dreg:$0x2] =	wrdreg s24  }
0xaf: {  	[dreg:$0x3] =	wrdreg s2  }
0xb0: {  	[dreg:$0x4] =	wrdreg $0xA0000  }
0xb1: {  	[dreg:$0x5] =	wrdreg $0x0  }
0xb2: {  	[dreg:$0x6] =	wrdreg $0x9  }
0xb3: {  	_ =	task.clear_ibuf [dreg:s7], $0x7FFFF;
	_ =	strace $0x90000046  }
0xb4: {  	s29 =	simm.s32 $0x9;
	_ =	strace $0x80000048  }
0xb5: {  	_ =	swait.ge [sflag:s29], $0x1  }
0xb6: {  	[sflag:s29] =	ssyncadd.s32 $0xFFFFFFFF  }
0xb7: {  	_ =	strace $0x90000048  }
0xb8: {  	_ =	sfence  }
0xb9: {  	s30 =	sld [smem:$0x0];
	_ =	sdelay $0x2  }
0xba: {  	s31 =	sshll.u32 s1, $0xD;
	s1 =	sshrl.u32 s1, $0x2  }
0xbb: {  	s3 =	sand.u32 $0x4000, s31;
	s1 =	sadd.s32 s1, s30  }
0xbc: {  	s0 =	sor.u32 s3, s0;
	s1 =	sshll.u32 s1, $0x11  }
0xbd: {  	s0 =	sor.u32 s1, s0  }
0xbe: {  	s0 =	sadd.s32 $0x8F2B, s0  }
0xbf: {  	[sflag:s0] =	ssyncadd.remote.s32 $0x1  }
0xc0: {  	_ =	sfence.sel $0xFFFF  }
0xc1: {  	[dreg:$0x0] =	wrdreg $0xFFFFFFFF;
	(pc) =	sbr.abs _section_cstart, $3  }
0xc2: {  	[dreg:$0x1] =	wrdreg $0xFFFFFFFF  }
0xc3: {  	_ =	task.clear_ibuf [dreg:s7], $0x2FFFF;
	_ =	strace $0x9FFFFFFF  }
0xc4: {  	(tm) =	ssettm $0x7FFFFFFF  }
0xc5: {  	_ =	shalt  }
tec
execute0_lowered:
.L_overlay_start_1:
0x0: {  	(tag) =	ssettag $0x1  }
0x1: {  	s9 =	rddreg [dreg:$0x0]  }
0x2: {  	s12 =	rddreg [dreg:$0x1];
	s21 =	stileid.u32  }
0x3: {  	s0 =	srdreg.scid;
	s2 =	smul.u32 $0x280, s21  }
0x4: {  	s1 =	simm.s32 $0x0;
	s30 =	simm.s32 $0x5;
	s15 =	smul.u32 $0x2800, s21  }
0x5: {  	s31 =	simm.s32 $0x18B20;
	s7 =	sand.u32 $0x1, s0;
	s11 =	smul.u32 $0xA000, s21  }
0x6: {  	[smem:$0x7FF] =	sst s1;
	s14 =	sadd.s32 $0xA600, s9;
	s21 =	smul.u32 $0x4E2, s21  }
0x7: {  	s0 =	ssub.s32 $0x2, s7;
	s13 =	smul.u32 $0x140000, s7;
	p0 =	sne.s32 s7, $0x0  }
0x8: {  	s4 =	sshrl.u32 s0, $0x1;
	s3 =	sadd.s32 $0x80, s2;
	s5 =	sadd.s32 $0x100, s2  }
0x9: {  	s6 =	sadd.s32 $0x200, s2;
	s16 =	sshrl.u32 s15, $0x3;
	s0 =	ssub.s32 s0, s4  }
0xa: {  	s8 =	sshll.u32 s3, $0x6;
	s4 =	sadd.s32 $0x180, s2;
	s17 =	sshll.u32 s5, $0x6  }
0xb: {  	s10 =	sshll.u32 s6, $0x6;
	s19 =	sadd.s32 s11, s13;
	s12 =	sadd.s32 s12, s16  }
0xc: {  	s18 =	sshll.u32 s4, $0x6;
	[dreg:$0x5] =	wrdreg s12;
	s20 =	sshrl.u32 s19, $0x3  }
0xd: {  	s22 =	sadd.s32 s13, s8;
	s24 =	sadd.s32 s13, s17;
	s0 =	smax.u32 s0, $0x1  }
0xe: {  	s12 =	sadd.s32 s14, s20;
	s23 =	sshrl.u32 s22, $0x3;
	s25 =	sshrl.u32 s24, $0x3  }
0xf: {  	s20 =	sshllo.u32 s7, $0x1;
	s26 =	sadd.s32 s13, s18;
	s13 =	sadd.s32 s13, s10  }
0x10: {  	[dreg:$0x6] =	wrdreg s12;
	s12 =	sadd.s32 s14, s23;
	s19 =	smul.u32 $0xA0000, s20  }
0x11: {  	s13 =	sshrl.u32 s13, $0x3;
	[dreg:$0x7] =	wrdreg s12;
	s12 =	sadd.s32 s14, s25  }
0x12: {  	s22 =	sshrl.u32 s26, $0x3;
	s23 =	sadd.s32 s14, s13;
	[dreg:$0x8] =	wrdreg s12  }
0x13: {  	s20 =	smul.u32 $0x2800, s20;
	s12 =	sadd.s32 s14, s22;
	[dreg:$0xa] =	wrdreg s23  }
0x14: {  	s24 =	sadd.s32 s11, s19;
	s25 =	sadd.s32 s8, s19;
	s26 =	sadd.s32 s17, s19  }
0x15: {  	[dreg:$0x9] =	wrdreg s12;
	s12 =	sshrl.u32 s24, $0x3;
	s13 =	sshrl.u32 s25, $0x3  }
0x16: {  	s22 =	sshrl.u32 s26, $0x3;
	s24 =	sadd.s32 s18, s19;
	s12 =	sadd.s32 s14, s12  }
0x17: {  	s26 =	sadd.s32 s10, s19;
	s23 =	sadd.s32 s14, s22;
	[dreg:$0xb] =	wrdreg s12  }
0x18: {  	s25 =	sshrl.u32 s24, $0x3;
	s19 =	sshrl.u32 s26, $0x3;
	[dreg:$0xd] =	wrdreg s23  }
0x19: {  	s24 =	sshrl.u32 s17, $0x2;
	s12 =	sadd.s32 s14, s13;
	s13 =	rddreg [dreg:$0x3]  }
0x1a: {  	s26 =	sshrl.u32 s10, $0x2;
	s16 =	sadd.s32 s14, s25;
	[dreg:$0xc] =	wrdreg s12  }
0x1b: {  	s14 =	sadd.s32 s14, s19;
	s19 =	sadd.s32 s21, s9;
	s12 =	rddreg [dreg:$0x2]  }
0x1c: {  	s21 =	sadd.s32 $0xAA600, s9;
	s23 =	sshrl.u32 s8, $0x2;
	[dreg:$0xe] =	wrdreg s16  }
0x1d: {  	s25 =	sshrl.u32 s18, $0x2;
	[dreg:$0xf] =	wrdreg s14;
	s16 =	sadd.s32 $0x5A600, s9  }
0x1e: {  	s22 =	sadd.s32 $0x5600, s19;
	s14 =	sadd.s32 $0x600, s19;
	s28 =	sadd.s32 s18, s13  }
0x1f: {  	s29 =	sadd.s32 s10, s13;
	_ =	strace $0x80000047;
	[dreg:$0x10] =	wrdreg s22  }
0x20: {  	s18 =	sadd.s32 s4, s20;
	[dreg:$0x11] =	wrdreg s14;
	s19 =	sadd.s32 s15, s12  }
0x21: {  	s9 =	sadd.s32 s23, s12;
	s14 =	sadd.s32 s25, s12;
	[smem:$0x7F7] =	sst s0  }
0x22: {  	s15 =	sadd.s32 s26, s12;
	s25 =	sadd.s32 s8, s13;
	[dreg:$0x12] =	wrdreg s9  }
0x23: {  	s26 =	sadd.s32 s17, s13;
	s10 =	sshll.u32 s18, $0x3;
	[dreg:$0x14] =	wrdreg s14  }
0x24: {  	s9 =	sadd.s32 s24, s12;
	[dreg:$0x15] =	wrdreg s15;
	s14 =	smul.u32 $0x5000, s7  }
0x25: {  	s24 =	sadd.s32 s11, s13;
	s11 =	sadd.s32 s3, s20;
	s7 =	sadd.s32 s6, s20  }
0x26: {  	[dreg:$0x13] =	wrdreg s9;
	s22 =	sadd.s32 s2, s14;
	s23 =	sadd.s32 s14, s3  }
0x27: {  	s2 =	sadd.s32 s2, s20;
	s15 =	sadd.s32 s14, s5;
	s5 =	sadd.s32 s5, s20  }
0x28: {  	s17 =	sadd.s32 s14, s4;
	s20 =	sadd.s32 s14, s6;
	s9 =	sshll.u32 s23, $0x3  }
0x29: {  	s8 =	sshll.u32 s22, $0x3;
	s3 =	sshll.u32 s15, $0x3;
	s9 =	sadd.s32 s16, s9  }
0x2a: {  	s22 =	sshll.u32 s17, $0x3;
	s3 =	sadd.s32 s16, s3;
	[dreg:$0x16] =	wrdreg s9  }
0x2b: {  	s4 =	sshll.u32 s20, $0x3;
	s23 =	sadd.s32 s16, s22;
	[dreg:$0x17] =	wrdreg s3  }
0x2c: {  	s0 =	simm.s32 $0xC800;
	s4 =	sadd.s32 s16, s4;
	[dreg:$0x18] =	wrdreg s23  }
0x2d: {  	s2 =	sshll.u32 s2, $0x3;
	s6 =	sadd.s32 s16, s8;
	[dreg:$0x19] =	wrdreg s4  }
0x2e: {  	s15 =	sshll.u32 s7, $0x3;
	s7 =	simm.s32 $0x12F20;
	[dreg:$0x1a] =	wrdreg s6  }
0x2f: {  	s3 =	sadd.s32 s21, s8;
	s4 =	sadd.s32 s21, s2;
	s2 =	sadd.s32 s16, s2  }
0x30: {  	s8 =	sshll.u32 s11, $0x3;
	s11 =	sadd.s32 s16, s10;
	[dreg:$0x1b] =	wrdreg s2  }
0x31: {  	s9 =	sshll.u32 s5, $0x3;
	s2 =	sadd.s32 s16, s8;
	[dreg:$0x1e] =	wrdreg s11  }
0x32: {  	s5 =	simm.s32 $0x16B20;
	s17 =	sadd.s32 $0x400, s3;
	[dreg:$0x1c] =	wrdreg s2  }
0x33: {  	s6 =	simm.s32 $0x11B20;
	s18 =	sadd.s32 $0x800, s3;
	[smem:$0x7F8] =	sst s17  }
0x34: {  	s10 =	simm.s32 $0x4;
	s20 =	sadd.s32 $0xC00, s3;
	[smem:$0x7F9] =	sst s18  }
0x35: {  	s21 =	sadd.s32 $0x1000, s3;
	s22 =	sadd.s32 $0x400, s4;
	[smem:$0x7FA] =	sst s20  }
0x36: {  	s23 =	sadd.s32 $0x800, s4;
	s11 =	simm.s32 $0x50;
	[smem:$0x7FB] =	sst s21  }
0x37: {  	s8 =	simm.s32 $0x2;
	s2 =	sadd.s32 s16, s9;
	[smem:$0x7FC] =	sst s22  }
0x38: {  	[smem:$0x7FD] =	sst s23;
	s22 =	sadd.s32 $0xC00, s4;
	s23 =	sadd.s32 $0x1000, s4  }
0x39: {  	s9 =	simm.s32 $0x3;
	[dreg:$0x1d] =	wrdreg s2;
	s2 =	sadd.s32 s16, s15  }
0x3a: {  	v1 =	vimm.f32 $0.0e+00;
	v2 =	vimm.f32 $1.000000000e+00;
	v0 =	vmov s14;
	s17 =	simm.s32 $0x0;
	[dreg:$0x1f] =	wrdreg s2;
	s2 =	simm.s32 $0x1  }
.LBB2_1:
0x3b: {  	s14 =	rddreg [dreg:$0x10];
	s15 =	simm.s32 $0xCD00  }
0x3c: {  	[tilespmem:s15], [sflag:$0x5] =	stream.linear.gather [hbm4b:s14+s1], $0x2710, $0x38;
	[tilespmem:$0x19320] =	vst v63  }
0x3d: {  	_ =	swait.ge [sflag:s30], $0x2710  }
0x3e: {  	[sflag:s30] =	ssyncset.done $0x0  }
0x3f: {  	s21 =	simm.s32 $0xF410;
	s20 =	rddreg [dreg:$0x11];
	[sflag:s30] =	ssyncadd.s32 $0xFFFFD8F0  }
0x40: {  	[tilespmem:s21], [sflag:$0x5] =	stream.linear.gather [hbm4b:s20+s1], $0x2710, $0x38;
	[tilespmem:$0x19320] =	vst v63  }
0x41: {  	_ =	swait.ge [sflag:s30], $0x2710  }
0x42: {  	[sflag:s30] =	ssyncset.done $0x0  }
0x43: {  	s18 =	simm.s32 $0x0;
	[sflag:s30] =	ssyncadd.s32 $0xFFFFD8F0  }
0x44: {  	s14 =	simm.s32 $0x16B40;
	[tilespmem:s18+$0x18B20] =	vst v1  }
0x45: {  	[tilespmem:s14+$0xFFFFFFE0] =	vst v1  }
0x46: {  	[tilespmem:s14+$0xFFFFFFF0] =	vst v1  }
0x47: {  	[tilespmem:s14+$0x0] =	vst v1  }
0x48: {  	s18 =	simm.s32 $0x40;
	[tilespmem:s14+$0x10] =	vst v1  }
.LBB2_2:
0x49: {  	s20 =	sshra.s32 s18, $0x2;
	p1 =	sne.s32 s18, $0x1FC0  }
.Ltmp0:
0x4a: {  	s18 =	sadd.s32 $0x40, s18;
	s14 =	sadd.s32 $0x40, s14;
	[tilespmem:s20+$0x18B20] =	vst v1;
	(pc) =	sbr.rel @p1 .LBB2_2-.Ltmp0, $4  }
0x4b: {  	[tilespmem:s14+$0xFFFFFFE0] =	vst v1  }
0x4c: {  	[tilespmem:s14+$0xFFFFFFF0] =	vst v1  }
0x4d: {  	[tilespmem:s14+$0x0] =	vst v1  }
0x4e: {  	[tilespmem:s14+$0x10] =	vst v1  }
0x4f: {  	s14 =	simm.s32 $0x40;
	s18 =	simm.s32 $0x0  }
.LBB2_4:
0x50: {  	p1 =	sne.s32 s14, $0x13C0;
	[tilespmem:s18+$0xC800] =	vst v2;
	s18 =	smov.u32 s14;
	s14 =	sadd.s32 $0x40, s14  }
.Ltmp1:
0x51: {  	(pc) =	sbr.rel @p1 .LBB2_4-.Ltmp1, $2  }
0x52: {  	_ =	sdelay $0x2  }
0x53: {  	s18 =	sshra.s32 s18, $0x2  }
0x54: {  	[tilespmem:s18+$0xC800] =	vst v2  }
0x55: {  	[spmem:s19] =	stream.linear.scatter [tilespmem:s31], [sflag:$0x5], $0x800, $0x38;
	[tilespmem:$0x19320] =	vst v63  }
0x56: {  	_ =	swait.ge [sflag:s30], $0x800  }
0x57: {  	[sflag:s30] =	ssyncset.done $0x0  }
0x58: {  	s14 =	rddreg [dreg:$0x12];
	[sflag:s30] =	ssyncadd.s32 $0xFFFFF800  }
0x59: {  	[spmem:s14] =	stream.linear.scatter [tilespmem:s31], [sflag:$0x5], $0x800, $0x38;
	[tilespmem:$0x19320] =	vst v63  }
0x5a: {  	_ =	swait.ge [sflag:s30], $0x800  }
0x5b: {  	[sflag:s30] =	ssyncset.done $0x0  }
0x5c: {  	s15 =	rddreg [dreg:$0x13];
	[sflag:s30] =	ssyncadd.s32 $0xFFFFF800  }
0x5d: {  	[spmem:s15] =	stream.linear.scatter [tilespmem:s31], [sflag:$0x5], $0x800, $0x38;
	[tilespmem:$0x19320] =	vst v63  }
0x5e: {  	_ =	swait.ge [sflag:s30], $0x800  }
0x5f: {  	[sflag:s30] =	ssyncset.done $0x0  }
0x60: {  	s18 =	rddreg [dreg:$0x14];
	[sflag:s30] =	ssyncadd.s32 $0xFFFFF800  }
0x61: {  	[spmem:s18] =	stream.linear.scatter [tilespmem:s31], [sflag:$0x5], $0x800, $0x38;
	[tilespmem:$0x19320] =	vst v63  }
0x62: {  	_ =	swait.ge [sflag:s30], $0x800  }
0x63: {  	[sflag:s30] =	ssyncset.done $0x0  }
0x64: {  	s20 =	rddreg [dreg:$0x15];
	[sflag:s30] =	ssyncadd.s32 $0xFFFFF800  }
0x65: {  	[spmem:s20] =	stream.linear.scatter [tilespmem:s31], [sflag:$0x5], $0x800, $0x38;
	[tilespmem:$0x19320] =	vst v63  }
0x66: {  	_ =	swait.ge [sflag:s30], $0x800  }
0x67: {  	[sflag:s30] =	ssyncset.done $0x0  }
0x68: {  	[sflag:s30] =	ssyncadd.s32 $0xFFFFF800  }
0x69: {  	s21 =	simm.s32 $0xCD00;
	[bflag:$0x0] =	sbarrier.arrive $0xFFFF  }
0x6a: {  	[spmem:s12] =	stream.indirect.scatter.add.f32 [tilespmem:s0], [sflag:$0x1], $0x10, s21, s11, $0xb8;
	[tilespmem:$0x19320] =	vst v63  }
0x6b: {  	s15 =	simm.s32 $0xCD50  }
0x6c: {  	[spmem:s12] =	stream.indirect.scatter.add.f32 [tilespmem:s0], [sflag:$0x1], $0x10, s15, s11, $0xb8;
	[tilespmem:$0x19320] =	vst v63  }
0x6d: {  	s18 =	simm.s32 $0xCDA0  }
0x6e: {  	[spmem:s12] =	stream.indirect.scatter.add.f32 [tilespmem:s0], [sflag:$0x1], $0x10, s18, s11, $0xb8;
	[tilespmem:$0x19320] =	vst v63  }
0x6f: {  	s20 =	simm.s32 $0xCDF0  }
0x70: {  	[spmem:s12] =	stream.indirect.scatter.add.f32 [tilespmem:s0], [sflag:$0x1], $0x10, s20, s11, $0xb8;
	[tilespmem:$0x19320] =	vst v63  }
0x71: {  	s21 =	simm.s32 $0xCE40  }
0x72: {  	[spmem:s12] =	stream.indirect.scatter.add.f32 [tilespmem:s0], [sflag:$0x1], $0x10, s21, s11, $0xb8;
	[tilespmem:$0x19320] =	vst v63  }
0x73: {  	_ =	swait.ge [sflag:s2], $0x500  }
0x74: {  	[sflag:s2] =	ssyncset.done $0x0  }
0x75: {  	[sflag:s2] =	ssyncadd.s32 $0xFFFFFB00  }
0x76: {  	_ =	swait.ge [sflag:s2], $0x500  }
0x77: {  	[sflag:s2] =	ssyncset.done $0x0  }
0x78: {  	[sflag:s2] =	ssyncadd.s32 $0xFFFFFB00  }
0x79: {  	_ =	swait.ge [sflag:s2], $0x500  }
0x7a: {  	[sflag:s2] =	ssyncset.done $0x0  }
0x7b: {  	[sflag:s2] =	ssyncadd.s32 $0xFFFFFB00  }
0x7c: {  	_ =	swait.ge [sflag:s2], $0x500  }
0x7d: {  	[sflag:s2] =	ssyncset.done $0x0  }
0x7e: {  	[sflag:s2] =	ssyncadd.s32 $0xFFFFFB00  }
0x7f: {  	_ =	swait.ge [sflag:s2], $0x500  }
0x80: {  	s14 =	simm.s32 $0x190;
	s18 =	simm.s32 $0xC80;
	[sflag:s2] =	ssyncset.done $0x0  }
.LBB2_6:
0x81: {  	s20 =	sadd.s32 $0xCD00, s14  }
0x82: {  	[sflag:s2] =	ssyncadd.s32 $0xFFFFFB00;
	s15 =	smov.u32 s18;
	s21 =	sadd.s32 $0x640, s18  }
0x83: {  	[spmem:s12] =	stream.indirect.scatter.add.f32 [tilespmem:s0], [sflag:$0x1], $0x10, s20, s11, $0xb8;
	[tilespmem:$0x19320] =	vst v63  }
0x84: {  	p1 =	sne.s32 s18, $0x9600;
	s18 =	sadd.s32 $0xCD50, s14  }
0x85: {  	[spmem:s12] =	stream.indirect.scatter.add.f32 [tilespmem:s0], [sflag:$0x1], $0x10, s18, s11, $0xb8;
	[tilespmem:$0x19320] =	vst v63  }
0x86: {  	s18 =	sadd.s32 $0xCDA0, s14  }
0x87: {  	[spmem:s12] =	stream.indirect.scatter.add.f32 [tilespmem:s0], [sflag:$0x1], $0x10, s18, s11, $0xb8;
	[tilespmem:$0x19320] =	vst v63  }
0x88: {  	s18 =	sadd.s32 $0xCDF0, s14  }
0x89: {  	[spmem:s12] =	stream.indirect.scatter.add.f32 [tilespmem:s0], [sflag:$0x1], $0x10, s18, s11, $0xb8;
	[tilespmem:$0x19320] =	vst v63  }
0x8a: {  	s14 =	sadd.s32 $0xCE40, s14  }
0x8b: {  	[spmem:s12] =	stream.indirect.scatter.add.f32 [tilespmem:s0], [sflag:$0x1], $0x10, s14, s11, $0xb8;
	[tilespmem:$0x19320] =	vst v63  }
0x8c: {  	_ =	swait.ge [sflag:s2], $0x500  }
0x8d: {  	[sflag:s2] =	ssyncset.done $0x0  }
0x8e: {  	[sflag:s2] =	ssyncadd.s32 $0xFFFFFB00  }
0x8f: {  	_ =	swait.ge [sflag:s2], $0x500  }
0x90: {  	[sflag:s2] =	ssyncset.done $0x0  }
0x91: {  	[sflag:s2] =	ssyncadd.s32 $0xFFFFFB00  }
0x92: {  	_ =	swait.ge [sflag:s2], $0x500  }
0x93: {  	[sflag:s2] =	ssyncset.done $0x0  }
0x94: {  	[sflag:s2] =	ssyncadd.s32 $0xFFFFFB00  }
.Ltmp2:
0x95: {  	_ =	swait.ge [sflag:s2], $0x500;
	(pc) =	sbr.rel @p1 .LBB2_6-.Ltmp2, $4  }
0x96: {  	[sflag:s2] =	ssyncset.done $0x0  }
0x97: {  	[sflag:s2] =	ssyncadd.s32 $0xFFFFFB00  }
0x98: {  	_ =	swait.ge [sflag:s2], $0x500  }
0x99: {  	s18 =	smov.u32 s21;
	s14 =	sshra.s32 s15, $0x2;
	[sflag:s2] =	ssyncset.done $0x0  }
0x9a: {  	s15 =	sadd.s32 $0xCD00, s14;
	[sflag:s2] =	ssyncadd.s32 $0xFFFFFB00  }
0x9b: {  	[spmem:s12] =	stream.indirect.scatter.add.f32 [tilespmem:s0], [sflag:$0x1], $0x10, s15, s11, $0xb8;
	[tilespmem:$0x19320] =	vst v63  }
0x9c: {  	s20 =	sadd.s32 $0xCD50, s14  }
0x9d: {  	[spmem:s12] =	stream.indirect.scatter.add.f32 [tilespmem:s0], [sflag:$0x1], $0x10, s20, s11, $0xb8;
	[tilespmem:$0x19320] =	vst v63  }
0x9e: {  	s21 =	sadd.s32 $0xCDA0, s14  }
0x9f: {  	[spmem:s12] =	stream.indirect.scatter.add.f32 [tilespmem:s0], [sflag:$0x1], $0x10, s21, s11, $0xb8;
	[tilespmem:$0x19320] =	vst v63  }
0xa0: {  	s18 =	sadd.s32 $0xCDF0, s14  }
0xa1: {  	[spmem:s12] =	stream.indirect.scatter.add.f32 [tilespmem:s0], [sflag:$0x1], $0x10, s18, s11, $0xb8;
	[tilespmem:$0x19320] =	vst v63  }
0xa2: {  	s20 =	sadd.s32 $0xCE40, s14  }
0xa3: {  	[spmem:s12] =	stream.indirect.scatter.add.f32 [tilespmem:s0], [sflag:$0x1], $0x10, s20, s11, $0xb8;
	[tilespmem:$0x19320] =	vst v63  }
0xa4: {  	_ =	swait.ge [sflag:s2], $0x500  }
0xa5: {  	[sflag:s2] =	ssyncset.done $0x0  }
0xa6: {  	[sflag:s2] =	ssyncadd.s32 $0xFFFFFB00  }
0xa7: {  	_ =	swait.ge [sflag:s2], $0x500  }
0xa8: {  	[sflag:s2] =	ssyncset.done $0x0  }
0xa9: {  	[sflag:s2] =	ssyncadd.s32 $0xFFFFFB00  }
0xaa: {  	_ =	swait.ge [sflag:s2], $0x500  }
0xab: {  	[sflag:s2] =	ssyncset.done $0x0  }
0xac: {  	[sflag:s2] =	ssyncadd.s32 $0xFFFFFB00  }
0xad: {  	_ =	swait.ge [sflag:s2], $0x500  }
0xae: {  	[sflag:s2] =	ssyncset.done $0x0  }
0xaf: {  	[sflag:s2] =	ssyncadd.s32 $0xFFFFFB00  }
0xb0: {  	_ =	swait.ge [sflag:s2], $0x500  }
0xb1: {  	[sflag:s2] =	ssyncset.done $0x0  }
0xb2: {  	[sflag:s2] =	ssyncadd.s32 $0xFFFFFB00  }
0xb3: {  	s21 =	simm.s32 $0x14320;
	[bflag:$0x0] =	sbarrier.arrive $0xFFFF  }
0xb4: {  	[tilespmem:s21], [sflag:$0x5] =	stream.linear.gather [spmem:s19], $0x2800, $0x38;
	[tilespmem:$0x19320] =	vst v63  }
0xb5: {  	_ =	swait.ge [sflag:s30], $0x2800  }
0xb6: {  	[sflag:s30] =	ssyncset.done $0x0  }
0xb7: {  	s14 =	simm.s32 $0x40;
	s18 =	simm.s32 $0x0;
	[sflag:s30] =	ssyncadd.s32 $0xFFFFD800  }
.LBB2_8:
0xb8: {  	p1 =	sne.s32 s14, $0x9FC0;
	v3 =	vld [tilespmem:s18+$0x14320];
	_ =	sdelay $0x4  }
0xb9: {  	v4 =	vshra.s32 v3, $0x1;
	v5 =	vmul.f32 $5.000000000e-01, v3  }
0xba: {  	v4 =	vsub.s32 $0x5F3759DF, v4  }
0xbb: {  	v6 =	vmul.f32 v4, v5;
	_ =	sdelay $0x1  }
0xbc: {  	v6 =	vmul.f32 v4, v6;
	_ =	sdelay $0x1  }
0xbd: {  	v6 =	vsub.f32 $1.500000000e+00, v6;
	_ =	sdelay $0x1  }
0xbe: {  	v4 =	vmul.f32 v4, v6;
	_ =	sdelay $0x1  }
0xbf: {  	v6 =	vmul.f32 v4, v5;
	_ =	sdelay $0x1  }
0xc0: {  	v6 =	vmul.f32 v6, v4;
	_ =	sdelay $0x1  }
0xc1: {  	v6 =	vsub.f32 $1.500000000e+00, v6;
	_ =	sdelay $0x1  }
0xc2: {  	v4 =	vmul.f32 v6, v4;
	_ =	sdelay $0x1  }
0xc3: {  	v5 =	vmul.f32 v4, v5;
	_ =	sdelay $0x1  }
0xc4: {  	v5 =	vmul.f32 v5, v4;
	_ =	sdelay $0x1  }
0xc5: {  	v5 =	vsub.f32 $1.500000000e+00, v5  }
.Ltmp3:
0xc6: {  	(pc) =	sbr.rel @p1 .LBB2_8-.Ltmp3, $4  }
0xc7: {  	v4 =	vmul.f32 v5, v4  }
0xc8: {  	vm0 =	vgt.f32 v3, $5.000000000e-01  }
0xc9: {  	v3 =	vnsel vm0, $0x0, v4  }
0xca: {  	[tilespmem:s18+$0x14320] =	vst v3;
	s18 =	sshra.s32 s14, $0x2;
	s14 =	sadd.s32 $0x40, s14  }
0xcb: {  	v3 =	vld [tilespmem:s18+$0x14320];
	_ =	sdelay $0x4  }
0xcc: {  	v4 =	vshra.s32 v3, $0x1;
	v5 =	vmul.f32 $5.000000000e-01, v3  }
0xcd: {  	v4 =	vsub.s32 $0x5F3759DF, v4  }
0xce: {  	v6 =	vmul.f32 v4, v5;
	_ =	sdelay $0x1  }
0xcf: {  	v6 =	vmul.f32 v4, v6;
	_ =	sdelay $0x1  }
0xd0: {  	v6 =	vsub.f32 $1.500000000e+00, v6;
	_ =	sdelay $0x1  }
0xd1: {  	v4 =	vmul.f32 v4, v6;
	_ =	sdelay $0x1  }
0xd2: {  	v6 =	vmul.f32 v4, v5;
	_ =	sdelay $0x1  }
0xd3: {  	v6 =	vmul.f32 v6, v4;
	_ =	sdelay $0x1  }
0xd4: {  	v6 =	vsub.f32 $1.500000000e+00, v6;
	_ =	sdelay $0x1  }
0xd5: {  	v4 =	vmul.f32 v6, v4;
	_ =	sdelay $0x1  }
0xd6: {  	v5 =	vmul.f32 v4, v5;
	_ =	sdelay $0x1  }
0xd7: {  	v5 =	vmul.f32 v5, v4;
	_ =	sdelay $0x1  }
0xd8: {  	v5 =	vsub.f32 $1.500000000e+00, v5;
	_ =	sdelay $0x1  }
0xd9: {  	v4 =	vmul.f32 v5, v4  }
0xda: {  	vm0 =	vgt.f32 v3, $5.000000000e-01  }
0xdb: {  	v3 =	vnsel vm0, $0x0, v4  }
0xdc: {  	s14 =	simm.s32 @!p0 $0x0;
	s15 =	simm.s32 @!p0 $0x14320;
	[tilespmem:s18+$0x14320] =	vst v3;
	s18 =	rddreg [dreg:$0x5]  }
0xdd: {  	[hbm4b:s18+s14] =	stream.linear.scatter @!p0 [tilespmem:s15], [sflag:$0x5], $0x2800, $0x38;
	[tilespmem:$0x19320] =	vst v63  }
0xde: {  	s14 =	simm.s32 @!p0 $0x5  }
0xdf: {  	_ =	swait.ge @!p0 [sflag:s14], $0x2800  }
0xe0: {  	[sflag:s14] =	ssyncset.done @!p0 $0x0  }
0xe1: {  	[sflag:s14] =	ssyncadd.s32 @!p0 $0xFFFFD800;
	s14 =	simm.s32 $0x0  }
0xe2: {  	v6 =	vld [tilespmem:s14+$0xF410]  }
0xe3: {  	v5 =	vld [tilespmem:s14+$0xF420]  }
0xe4: {  	v4 =	vld [tilespmem:s14+$0xF430]  }
0xe5: {  	s18 =	simm.s32 $0x140;
	v3 =	vld [tilespmem:s14+$0xF440]  }
.LBB2_10:
0xe6: {  	p1 =	sne.s32 s18, $0x9B00;
	v7 =	vld [tilespmem:s14+$0xF450]  }
0xe7: {  	v6 =	vadd.s32 v0, v6  }
.Ltmp4:
0xe8: {  	s15 =	sshra.s32 s18, $0x2;
	[tilespmem:s14+$0xF410] =	vst v6;
	v5 =	vadd.s32 v0, v5;
	(pc) =	sbr.rel @p1 .LBB2_10-.Ltmp4, $4  }
0xe9: {  	v6 =	vld [tilespmem:s15+$0xF410];
	[tilespmem:s14+$0xF420] =	vst v5;
	v4 =	vadd.s32 v0, v4  }
0xea: {  	v5 =	vld [tilespmem:s15+$0xF420];
	[tilespmem:s14+$0xF430] =	vst v4;
	v3 =	vadd.s32 v0, v3  }
0xeb: {  	v4 =	vld [tilespmem:s15+$0xF430];
	[tilespmem:s14+$0xF440] =	vst v3;
	v7 =	vadd.s32 v0, v7  }
0xec: {  	s18 =	sadd.s32 $0x140, s18;
	v3 =	vld [tilespmem:s15+$0xF440];
	[tilespmem:s14+$0xF450] =	vst v7;
	s14 =	smov.u32 s15  }
0xed: {  	v7 =	vld [tilespmem:s14+$0xF450]  }
0xee: {  	v6 =	vadd.s32 v0, v6  }
0xef: {  	[tilespmem:s14+$0xF410] =	vst v6;
	v5 =	vadd.s32 v0, v5  }
0xf0: {  	[tilespmem:s14+$0xF420] =	vst v5;
	v4 =	vadd.s32 v0, v4  }
0xf1: {  	[tilespmem:s14+$0xF430] =	vst v4;
	v3 =	vadd.s32 v0, v3  }
0xf2: {  	[tilespmem:s14+$0xF440] =	vst v3;
	v3 =	vadd.s32 v0, v7  }
0xf3: {  	s18 =	simm.s32 $0x100;
	[tilespmem:s14+$0xF450] =	vst v3;
	s14 =	simm.s32 $0x0  }
.LBB2_12:
0xf4: {  	p1 =	sne.s32 s18, $0x7F00;
	[tilespmem:s14+$0x16B50] =	vst v1;
	s15 =	smov.u32 s18;
	s18 =	sadd.s32 $0x100, s18  }
.Ltmp5:
0xf5: {  	[tilespmem:s14+$0x16B40] =	vst v1;
	(pc) =	sbr.rel @p1 .LBB2_12-.Ltmp5, $3  }
0xf6: {  	[tilespmem:s14+$0x16B20] =	vst v1  }
0xf7: {  	[tilespmem:s14+$0x16B30] =	vst v1;
	_ =	sdelay $0x1  }
0xf8: {  	s14 =	sshra.s32 s15, $0x2  }
0xf9: {  	[tilespmem:s14+$0x16B50] =	vst v1  }
0xfa: {  	[tilespmem:s14+$0x16B40] =	vst v1  }
0xfb: {  	[tilespmem:s14+$0x16B20] =	vst v1  }
0xfc: {  	[tilespmem:s14+$0x16B30] =	vst v1  }
0xfd: {  	[spmem:s24] =	stream.linear.scatter [tilespmem:s5], [sflag:$0x5], $0x2000, $0x38;
	[tilespmem:$0x19320] =	vst v63  }
0xfe: {  	_ =	swait.ge [sflag:s30], $0x2000  }
0xff: {  	[sflag:s30] =	ssyncset.done $0x0  }
0x100: {  	[sflag:s30] =	ssyncadd.s32 $0xFFFFE000  }
0x101: {  	[spmem:s25] =	stream.linear.scatter [tilespmem:s5], [sflag:$0x5], $0x2000, $0x38;
	[tilespmem:$0x19320] =	vst v63  }
0x102: {  	_ =	swait.ge [sflag:s30], $0x2000  }
0x103: {  	[sflag:s30] =	ssyncset.done $0x0  }
0x104: {  	[sflag:s30] =	ssyncadd.s32 $0xFFFFE000  }
0x105: {  	[spmem:s26] =	stream.linear.scatter [tilespmem:s5], [sflag:$0x5], $0x2000, $0x38;
	[tilespmem:$0x19320] =	vst v63  }
0x106: {  	_ =	swait.ge [sflag:s30], $0x2000  }
0x107: {  	[sflag:s30] =	ssyncset.done $0x0  }
0x108: {  	[sflag:s30] =	ssyncadd.s32 $0xFFFFE000  }
0x109: {  	[spmem:s28] =	stream.linear.scatter [tilespmem:s5], [sflag:$0x5], $0x2000, $0x38;
	[tilespmem:$0x19320] =	vst v63  }
0x10a: {  	_ =	swait.ge [sflag:s30], $0x2000  }
0x10b: {  	[sflag:s30] =	ssyncset.done $0x0  }
0x10c: {  	[sflag:s30] =	ssyncadd.s32 $0xFFFFE000  }
0x10d: {  	[spmem:s29] =	stream.linear.scatter [tilespmem:s5], [sflag:$0x5], $0x2000, $0x38;
	[tilespmem:$0x19320] =	vst v63  }
0x10e: {  	_ =	swait.ge [sflag:s30], $0x2000  }
0x10f: {  	[sflag:s30] =	ssyncset.done $0x0  }
0x110: {  	s20 =	simm.s32 $0x0;
	s15 =	rddreg [dreg:$0x6];
	[sflag:s30] =	ssyncadd.s32 $0xFFFFE000  }
0x111: {  	[tilespmem:s5], [sflag:$0x5] =	stream.linear.gather [hbm4b:s15+s20], $0x2000, $0x38;
	[tilespmem:$0x19320] =	vst v63  }
0x112: {  	_ =	swait.ge [sflag:s30], $0x2000  }
0x113: {  	[sflag:s30] =	ssyncset.done $0x0  }
0x114: {  	s14 =	simm.s32 $0x16B40;
	[sflag:s30] =	ssyncadd.s32 $0xFFFFE000  }
0x115: {  	v3 =	vld [tilespmem:s14+$0xFFFFFFF0]  }
0x116: {  	s21 =	simm.s32 $0x0;
	v5 =	vld [tilespmem:s14+$0x10]  }
0x117: {  	v7 =	vld.msk [tilespmem:s21+$0x14320 ss:$0x0], $0xffff  }
0x118: {  	v4 =	vld [tilespmem:s14+$0xFFFFFFE0]  }
0x119: {  	v8 =	vld [tilespmem:s14+$0x0];
	_ =	sdelay $0x3  }
0x11a: {  	v4 =	vmul.f32 v7, v4;
	v6 =	vmul.f32 v5, v7  }
0x11b: {  	s18 =	simm.s32 $0x40;
	s20 =	simm.s32 $0x16B40;
	v5 =	vmul.f32 v3, v7;
	v3 =	vmul.f32 v8, v7  }
.LBB2_14:
0x11c: {  	p1 =	sne.s32 s18, $0x1FC0  }
0x11d: {  	[tilespmem:s14+$0x10] =	vst v6;
	s20 =	sadd.s32 $0x40, s20;
	s15 =	smov.u32 s18;
	s18 =	sadd.s32 $0x40, s18  }
0x11e: {  	[tilespmem:s14+$0xFFFFFFE0] =	vst v4  }
0x11f: {  	v7 =	vld [tilespmem:s20+$0xFFFFFFF0];
	[tilespmem:s14+$0xFFFFFFF0] =	vst v5  }
0x120: {  	s15 =	sshra.s32 s15, $0x2;
	v5 =	vld [tilespmem:s20+$0x10];
	[tilespmem:s14+$0x0] =	vst v3;
	s14 =	smov.u32 s20  }
0x121: {  	v3 =	vld.msk [tilespmem:s15+$0x14320 ss:$0x0], $0xffff  }
0x122: {  	v4 =	vld [tilespmem:s20+$0xFFFFFFE0]  }
0x123: {  	v8 =	vld [tilespmem:s20+$0x0]  }
.Ltmp6:
0x124: {  	(pc) =	sbr.rel @p1 .LBB2_14-.Ltmp6, $3  }
0x125: {  	_ =	sdelay $0x1  }
0x126: {  	v6 =	vmul.f32 v5, v3;
	v4 =	vmul.f32 v3, v4  }
0x127: {  	v5 =	vmul.f32 v7, v3;
	v3 =	vmul.f32 v8, v3  }
0x128: {  	[tilespmem:s14+$0x10] =	vst v6  }
0x129: {  	[tilespmem:s14+$0xFFFFFFE0] =	vst v4  }
0x12a: {  	[tilespmem:s14+$0xFFFFFFF0] =	vst v5  }
0x12b: {  	s18 =	simm.s32 $0x0;
	s15 =	rddreg [dreg:$0x1a];
	[tilespmem:s14+$0x0] =	vst v3  }
0x12c: {  	[hbm4b:s15+s18] =	stream.linear.scatter [tilespmem:s5], [sflag:$0x5], $0x2000, $0x38;
	[tilespmem:$0x19320] =	vst v63  }
0x12d: {  	_ =	swait.ge [sflag:s30], $0x2000  }
0x12e: {  	[sflag:s30] =	ssyncset.done $0x0  }
0x12f: {  	s20 =	rddreg [dreg:$0x7];
	[sflag:s30] =	ssyncadd.s32 $0xFFFFE000  }
0x130: {  	[tilespmem:s5], [sflag:$0x5] =	stream.linear.gather [hbm4b:s20+s18], $0x2000, $0x38;
	[tilespmem:$0x19320] =	vst v63  }
0x131: {  	_ =	swait.ge [sflag:s30], $0x2000  }
0x132: {  	[sflag:s30] =	ssyncset.done $0x0  }
0x133: {  	s14 =	simm.s32 $0x16B40;
	[sflag:s30] =	ssyncadd.s32 $0xFFFFE000  }
0x134: {  	v3 =	vld [tilespmem:s14+$0xFFFFFFF0]  }
0x135: {  	s21 =	simm.s32 $0x0;
	v5 =	vld [tilespmem:s14+$0x10]  }
0x136: {  	v7 =	vld.msk [tilespmem:s21+$0x14B20 ss:$0x0], $0xffff  }
0x137: {  	v4 =	vld [tilespmem:s14+$0xFFFFFFE0]  }
0x138: {  	v8 =	vld [tilespmem:s14+$0x0];
	_ =	sdelay $0x3  }
0x139: {  	v4 =	vmul.f32 v7, v4;
	v6 =	vmul.f32 v5, v7  }
0x13a: {  	s18 =	simm.s32 $0x40;
	s20 =	simm.s32 $0x16B40;
	v5 =	vmul.f32 v3, v7;
	v3 =	vmul.f32 v8, v7  }
.LBB2_16:
0x13b: {  	p1 =	sne.s32 s18, $0x1FC0  }
0x13c: {  	[tilespmem:s14+$0x10] =	vst v6;
	s20 =	sadd.s32 $0x40, s20;
	s15 =	smov.u32 s18;
	s18 =	sadd.s32 $0x40, s18  }
0x13d: {  	[tilespmem:s14+$0xFFFFFFE0] =	vst v4  }
0x13e: {  	v7 =	vld [tilespmem:s20+$0xFFFFFFF0];
	[tilespmem:s14+$0xFFFFFFF0] =	vst v5  }
0x13f: {  	s15 =	sshra.s32 s15, $0x2;
	v5 =	vld [tilespmem:s20+$0x10];
	[tilespmem:s14+$0x0] =	vst v3;
	s14 =	smov.u32 s20  }
0x140: {  	v3 =	vld.msk [tilespmem:s15+$0x14B20 ss:$0x0], $0xffff  }
0x141: {  	v4 =	vld [tilespmem:s20+$0xFFFFFFE0]  }
0x142: {  	v8 =	vld [tilespmem:s20+$0x0]  }
.Ltmp7:
0x143: {  	(pc) =	sbr.rel @p1 .LBB2_16-.Ltmp7, $3  }
0x144: {  	_ =	sdelay $0x1  }
0x145: {  	v6 =	vmul.f32 v5, v3;
	v4 =	vmul.f32 v3, v4  }
0x146: {  	v5 =	vmul.f32 v7, v3;
	v3 =	vmul.f32 v8, v3  }
0x147: {  	[tilespmem:s14+$0x10] =	vst v6  }
0x148: {  	[tilespmem:s14+$0xFFFFFFE0] =	vst v4  }
0x149: {  	[tilespmem:s14+$0xFFFFFFF0] =	vst v5  }
0x14a: {  	s18 =	simm.s32 $0x0;
	s15 =	rddreg [dreg:$0x16];
	[tilespmem:s14+$0x0] =	vst v3  }
0x14b: {  	[hbm4b:s15+s18] =	stream.linear.scatter [tilespmem:s5], [sflag:$0x5], $0x2000, $0x38;
	[tilespmem:$0x19320] =	vst v63  }
0x14c: {  	_ =	swait.ge [sflag:s30], $0x2000  }
0x14d: {  	[sflag:s30] =	ssyncset.done $0x0  }
0x14e: {  	s20 =	rddreg [dreg:$0x8];
	[sflag:s30] =	ssyncadd.s32 $0xFFFFE000  }
0x14f: {  	[tilespmem:s5], [sflag:$0x5] =	stream.linear.gather [hbm4b:s20+s18], $0x2000, $0x38;
	[tilespmem:$0x19320] =	vst v63  }
0x150: {  	_ =	swait.ge [sflag:s30], $0x2000  }
0x151: {  	[sflag:s30] =	ssyncset.done $0x0  }
0x152: {  	s14 =	simm.s32 $0x16B40;
	[sflag:s30] =	ssyncadd.s32 $0xFFFFE000  }
0x153: {  	v3 =	vld [tilespmem:s14+$0xFFFFFFF0]  }
0x154: {  	s21 =	simm.s32 $0x0;
	v5 =	vld [tilespmem:s14+$0x10]  }
0x155: {  	v7 =	vld.msk [tilespmem:s21+$0x15320 ss:$0x0], $0xffff  }
0x156: {  	v4 =	vld [tilespmem:s14+$0xFFFFFFE0]  }
0x157: {  	v8 =	vld [tilespmem:s14+$0x0];
	_ =	sdelay $0x3  }
0x158: {  	v4 =	vmul.f32 v7, v4;
	v6 =	vmul.f32 v5, v7  }
0x159: {  	s18 =	simm.s32 $0x40;
	s20 =	simm.s32 $0x16B40;
	v5 =	vmul.f32 v3, v7;
	v3 =	vmul.f32 v8, v7  }
.LBB2_18:
0x15a: {  	p1 =	sne.s32 s18, $0x1FC0  }
0x15b: {  	[tilespmem:s14+$0x10] =	vst v6;
	s20 =	sadd.s32 $0x40, s20;
	s15 =	smov.u32 s18;
	s18 =	sadd.s32 $0x40, s18  }
0x15c: {  	[tilespmem:s14+$0xFFFFFFE0] =	vst v4  }
0x15d: {  	v7 =	vld [tilespmem:s20+$0xFFFFFFF0];
	[tilespmem:s14+$0xFFFFFFF0] =	vst v5  }
0x15e: {  	s15 =	sshra.s32 s15, $0x2;
	v5 =	vld [tilespmem:s20+$0x10];
	[tilespmem:s14+$0x0] =	vst v3;
	s14 =	smov.u32 s20  }
0x15f: {  	v3 =	vld.msk [tilespmem:s15+$0x15320 ss:$0x0], $0xffff  }
0x160: {  	v4 =	vld [tilespmem:s20+$0xFFFFFFE0]  }
0x161: {  	v8 =	vld [tilespmem:s20+$0x0]  }
.Ltmp8:
0x162: {  	(pc) =	sbr.rel @p1 .LBB2_18-.Ltmp8, $3  }
0x163: {  	_ =	sdelay $0x1  }
0x164: {  	v6 =	vmul.f32 v5, v3;
	v4 =	vmul.f32 v3, v4  }
0x165: {  	v5 =	vmul.f32 v7, v3;
	v3 =	vmul.f32 v8, v3  }
0x166: {  	[tilespmem:s14+$0x10] =	vst v6  }
0x167: {  	[tilespmem:s14+$0xFFFFFFE0] =	vst v4  }
0x168: {  	[tilespmem:s14+$0xFFFFFFF0] =	vst v5  }
0x169: {  	s18 =	simm.s32 $0x0;
	s15 =	rddreg [dreg:$0x17];
	[tilespmem:s14+$0x0] =	vst v3  }
0x16a: {  	[hbm4b:s15+s18] =	stream.linear.scatter [tilespmem:s5], [sflag:$0x5], $0x2000, $0x38;
	[tilespmem:$0x19320] =	vst v63  }
0x16b: {  	_ =	swait.ge [sflag:s30], $0x2000  }
0x16c: {  	[sflag:s30] =	ssyncset.done $0x0  }
0x16d: {  	s20 =	rddreg [dreg:$0x9];
	[sflag:s30] =	ssyncadd.s32 $0xFFFFE000  }
0x16e: {  	[tilespmem:s5], [sflag:$0x5] =	stream.linear.gather [hbm4b:s20+s18], $0x2000, $0x38;
	[tilespmem:$0x19320] =	vst v63  }
0x16f: {  	_ =	swait.ge [sflag:s30], $0x2000  }
0x170: {  	[sflag:s30] =	ssyncset.done $0x0  }
0x171: {  	s14 =	simm.s32 $0x16B40;
	[sflag:s30] =	ssyncadd.s32 $0xFFFFE000  }
0x172: {  	v3 =	vld [tilespmem:s14+$0xFFFFFFF0]  }
0x173: {  	s21 =	simm.s32 $0x0;
	v5 =	vld [tilespmem:s14+$0x10]  }
0x174: {  	v7 =	vld.msk [tilespmem:s21+$0x15B20 ss:$0x0], $0xffff  }
0x175: {  	v4 =	vld [tilespmem:s14+$0xFFFFFFE0]  }
0x176: {  	v8 =	vld [tilespmem:s14+$0x0];
	_ =	sdelay $0x3  }
0x177: {  	v4 =	vmul.f32 v7, v4;
	v6 =	vmul.f32 v5, v7  }
0x178: {  	s18 =	simm.s32 $0x40;
	s20 =	simm.s32 $0x16B40;
	v5 =	vmul.f32 v3, v7;
	v3 =	vmul.f32 v8, v7  }
.LBB2_20:
0x179: {  	p1 =	sne.s32 s18, $0x1FC0  }
0x17a: {  	[tilespmem:s14+$0x10] =	vst v6;
	s20 =	sadd.s32 $0x40, s20;
	s15 =	smov.u32 s18;
	s18 =	sadd.s32 $0x40, s18  }
0x17b: {  	[tilespmem:s14+$0xFFFFFFE0] =	vst v4  }
0x17c: {  	v7 =	vld [tilespmem:s20+$0xFFFFFFF0];
	[tilespmem:s14+$0xFFFFFFF0] =	vst v5  }
0x17d: {  	s15 =	sshra.s32 s15, $0x2;
	v5 =	vld [tilespmem:s20+$0x10];
	[tilespmem:s14+$0x0] =	vst v3;
	s14 =	smov.u32 s20  }
0x17e: {  	v3 =	vld.msk [tilespmem:s15+$0x15B20 ss:$0x0], $0xffff  }
0x17f: {  	v4 =	vld [tilespmem:s20+$0xFFFFFFE0]  }
0x180: {  	v8 =	vld [tilespmem:s20+$0x0]  }
.Ltmp9:
0x181: {  	(pc) =	sbr.rel @p1 .LBB2_20-.Ltmp9, $3  }
0x182: {  	_ =	sdelay $0x1  }
0x183: {  	v6 =	vmul.f32 v5, v3;
	v4 =	vmul.f32 v3, v4  }
0x184: {  	v5 =	vmul.f32 v7, v3;
	v3 =	vmul.f32 v8, v3  }
0x185: {  	[tilespmem:s14+$0x10] =	vst v6  }
0x186: {  	[tilespmem:s14+$0xFFFFFFE0] =	vst v4  }
0x187: {  	[tilespmem:s14+$0xFFFFFFF0] =	vst v5  }
0x188: {  	s18 =	simm.s32 $0x0;
	s15 =	rddreg [dreg:$0x18];
	[tilespmem:s14+$0x0] =	vst v3  }
0x189: {  	[hbm4b:s15+s18] =	stream.linear.scatter [tilespmem:s5], [sflag:$0x5], $0x2000, $0x38;
	[tilespmem:$0x19320] =	vst v63  }
0x18a: {  	_ =	swait.ge [sflag:s30], $0x2000  }
0x18b: {  	[sflag:s30] =	ssyncset.done $0x0  }
0x18c: {  	s20 =	rddreg [dreg:$0xa];
	[sflag:s30] =	ssyncadd.s32 $0xFFFFE000  }
0x18d: {  	[tilespmem:s5], [sflag:$0x5] =	stream.linear.gather [hbm4b:s20+s18], $0x2000, $0x38;
	[tilespmem:$0x19320] =	vst v63  }
0x18e: {  	_ =	swait.ge [sflag:s30], $0x2000  }
0x18f: {  	[sflag:s30] =	ssyncset.done $0x0  }
0x190: {  	s14 =	simm.s32 $0x16B40;
	[sflag:s30] =	ssyncadd.s32 $0xFFFFE000  }
0x191: {  	v3 =	vld [tilespmem:s14+$0xFFFFFFF0]  }
0x192: {  	s21 =	simm.s32 $0x0;
	v5 =	vld [tilespmem:s14+$0x10]  }
0x193: {  	v7 =	vld.msk [tilespmem:s21+$0x16320 ss:$0x0], $0xffff  }
0x194: {  	v4 =	vld [tilespmem:s14+$0xFFFFFFE0]  }
0x195: {  	v8 =	vld [tilespmem:s14+$0x0];
	_ =	sdelay $0x3  }
0x196: {  	v4 =	vmul.f32 v7, v4;
	v6 =	vmul.f32 v5, v7  }
0x197: {  	s18 =	simm.s32 $0x40;
	s20 =	simm.s32 $0x16B40;
	v5 =	vmul.f32 v3, v7;
	v3 =	vmul.f32 v8, v7  }
.LBB2_22:
0x198: {  	p1 =	sne.s32 s18, $0x1FC0  }
0x199: {  	[tilespmem:s14+$0x10] =	vst v6;
	s20 =	sadd.s32 $0x40, s20;
	s15 =	smov.u32 s18;
	s18 =	sadd.s32 $0x40, s18  }
0x19a: {  	[tilespmem:s14+$0xFFFFFFE0] =	vst v4  }
0x19b: {  	v7 =	vld [tilespmem:s20+$0xFFFFFFF0];
	[tilespmem:s14+$0xFFFFFFF0] =	vst v5  }
0x19c: {  	s15 =	sshra.s32 s15, $0x2;
	v5 =	vld [tilespmem:s20+$0x10];
	[tilespmem:s14+$0x0] =	vst v3;
	s14 =	smov.u32 s20  }
0x19d: {  	v3 =	vld.msk [tilespmem:s15+$0x16320 ss:$0x0], $0xffff  }
0x19e: {  	v4 =	vld [tilespmem:s20+$0xFFFFFFE0]  }
0x19f: {  	v8 =	vld [tilespmem:s20+$0x0]  }
.Ltmp10:
0x1a0: {  	(pc) =	sbr.rel @p1 .LBB2_22-.Ltmp10, $3  }
0x1a1: {  	_ =	sdelay $0x1  }
0x1a2: {  	v6 =	vmul.f32 v5, v3;
	v4 =	vmul.f32 v3, v4  }
0x1a3: {  	v5 =	vmul.f32 v7, v3;
	v3 =	vmul.f32 v8, v3  }
0x1a4: {  	[tilespmem:s14+$0x10] =	vst v6  }
0x1a5: {  	[tilespmem:s14+$0xFFFFFFE0] =	vst v4  }
0x1a6: {  	[tilespmem:s14+$0xFFFFFFF0] =	vst v5  }
0x1a7: {  	s21 =	simm.s32 $0x0;
	s15 =	rddreg [dreg:$0x19];
	[tilespmem:s14+$0x0] =	vst v3  }
0x1a8: {  	[hbm4b:s15+s21] =	stream.linear.scatter [tilespmem:s5], [sflag:$0x5], $0x2000, $0x38;
	[tilespmem:$0x19320] =	vst v63  }
0x1a9: {  	_ =	swait.ge [sflag:s30], $0x2000  }
0x1aa: {  	[sflag:s30] =	ssyncset.done $0x0  }
0x1ab: {  	[sflag:s30] =	ssyncadd.s32 $0xFFFFE000  }
0x1ac: {  	s15 =	simm.s32 $0xF410;
	[bflag:$0x0] =	sbarrier.arrive $0xFFFF  }
0x1ad: {  	[tilespmem:s6], [sflag:$0x1] =	stream.indirect.gather [hbm4b:s16+s11], $0x40, s15, s11, $0xb8;
	[tilespmem:$0x19320] =	vst v63  }
0x1ae: {  	s18 =	simm.s32 $0xF460  }
0x1af: {  	[tilespmem:s7], [sflag:$0x2] =	stream.indirect.gather [hbm4b:s16+s11], $0x40, s18, s11, $0xb8;
	[tilespmem:$0x19320] =	vst v63  }
0x1b0: {  	_ =	swait.ge [sflag:s2], $0x1400  }
0x1b1: {  	[sflag:s2] =	ssyncset.done $0x0  }
0x1b2: {  	s20 =	simm.s32 $0xCD00;
	[sflag:s2] =	ssyncadd.s32 $0xFFFFEC00  }
0x1b3: {  	[spmem:s13] =	stream.indirect.scatter.add.f32 [tilespmem:s6], [sflag:$0x3], $0x40, s20, s11, $0xb8;
	[tilespmem:$0x19320] =	vst v63  }
0x1b4: {  	_ =	swait.ge [sflag:s8], $0x1400  }
0x1b5: {  	[sflag:s8] =	ssyncset.done $0x0  }
0x1b6: {  	s21 =	simm.s32 $0xCD50;
	[sflag:s8] =	ssyncadd.s32 $0xFFFFEC00  }
0x1b7: {  	[spmem:s13] =	stream.indirect.scatter.add.f32 [tilespmem:s7], [sflag:$0x4], $0x40, s21, s11, $0xb8;
	[tilespmem:$0x19320] =	vst v63  }
0x1b8: {  	_ =	swait.ge [sflag:s9], $0x1400  }
0x1b9: {  	[sflag:s9] =	ssyncset.done $0x0  }
0x1ba: {  	[sflag:s9] =	ssyncadd.s32 $0xFFFFEC00  }
0x1bb: {  	_ =	swait.ge [sflag:s10], $0x1400  }
0x1bc: {  	s14 =	simm.s32 $0xA0;
	s18 =	simm.s32 $0x500;
	[sflag:s10] =	ssyncset.done $0x0  }
.LBB2_24:
0x1bd: {  	s15 =	sadd.s32 $0xF410, s14  }
0x1be: {  	[sflag:s10] =	ssyncadd.s32 $0xFFFFEC00;
	s20 =	smov.u32 s18;
	s21 =	sadd.s32 $0x280, s18  }
0x1bf: {  	[tilespmem:s6], [sflag:$0x1] =	stream.indirect.gather [hbm4b:s16+s11], $0x40, s15, s11, $0xb8;
	[tilespmem:$0x19320] =	vst v63  }
0x1c0: {  	p1 =	sne.s32 s18, $0x9880;
	s15 =	sadd.s32 $0xF460, s14  }
0x1c1: {  	[tilespmem:s7], [sflag:$0x2] =	stream.indirect.gather [hbm4b:s16+s11], $0x40, s15, s11, $0xb8;
	[tilespmem:$0x19320] =	vst v63  }
0x1c2: {  	_ =	swait.ge [sflag:s2], $0x1400  }
0x1c3: {  	[sflag:s2] =	ssyncset.done $0x0  }
0x1c4: {  	s15 =	sadd.s32 $0xCD00, s14;
	[sflag:s2] =	ssyncadd.s32 $0xFFFFEC00  }
0x1c5: {  	[spmem:s13] =	stream.indirect.scatter.add.f32 [tilespmem:s6], [sflag:$0x3], $0x40, s15, s11, $0xb8;
	[tilespmem:$0x19320] =	vst v63  }
0x1c6: {  	_ =	swait.ge [sflag:s8], $0x1400  }
0x1c7: {  	[sflag:s8] =	ssyncset.done $0x0  }
0x1c8: {  	s14 =	sadd.s32 $0xCD50, s14;
	[sflag:s8] =	ssyncadd.s32 $0xFFFFEC00  }
0x1c9: {  	[spmem:s13] =	stream.indirect.scatter.add.f32 [tilespmem:s7], [sflag:$0x4], $0x40, s14, s11, $0xb8;
	[tilespmem:$0x19320] =	vst v63  }
.Ltmp11:
0x1ca: {  	_ =	swait.ge [sflag:s9], $0x1400;
	(pc) =	sbr.rel @p1 .LBB2_24-.Ltmp11, $4  }
0x1cb: {  	[sflag:s9] =	ssyncset.done $0x0  }
0x1cc: {  	[sflag:s9] =	ssyncadd.s32 $0xFFFFEC00  }
0x1cd: {  	_ =	swait.ge [sflag:s10], $0x1400  }
0x1ce: {  	s18 =	smov.u32 s21;
	s14 =	sshra.s32 s20, $0x2;
	[sflag:s10] =	ssyncset.done $0x0  }
0x1cf: {  	s15 =	sadd.s32 $0xF410, s14;
	[sflag:s10] =	ssyncadd.s32 $0xFFFFEC00  }
0x1d0: {  	[tilespmem:s6], [sflag:$0x1] =	stream.indirect.gather [hbm4b:s16+s11], $0x40, s15, s11, $0xb8;
	[tilespmem:$0x19320] =	vst v63  }
0x1d1: {  	s20 =	sadd.s32 $0xF460, s14  }
0x1d2: {  	[tilespmem:s7], [sflag:$0x2] =	stream.indirect.gather [hbm4b:s16+s11], $0x40, s20, s11, $0xb8;
	[tilespmem:$0x19320] =	vst v63  }
0x1d3: {  	_ =	swait.ge [sflag:s2], $0x1400  }
0x1d4: {  	[sflag:s2] =	ssyncset.done $0x0  }
0x1d5: {  	s21 =	sadd.s32 $0xCD00, s14;
	[sflag:s2] =	ssyncadd.s32 $0xFFFFEC00  }
0x1d6: {  	[spmem:s13] =	stream.indirect.scatter.add.f32 [tilespmem:s6], [sflag:$0x3], $0x40, s21, s11, $0xb8;
	[tilespmem:$0x19320] =	vst v63  }
0x1d7: {  	_ =	swait.ge [sflag:s8], $0x1400  }
0x1d8: {  	[sflag:s8] =	ssyncset.done $0x0  }
0x1d9: {  	s15 =	sadd.s32 $0xCD50, s14;
	[sflag:s8] =	ssyncadd.s32 $0xFFFFEC00  }
0x1da: {  	[spmem:s13] =	stream.indirect.scatter.add.f32 [tilespmem:s7], [sflag:$0x4], $0x40, s15, s11, $0xb8;
	[tilespmem:$0x19320] =	vst v63  }
0x1db: {  	_ =	swait.ge [sflag:s9], $0x1400  }
0x1dc: {  	[sflag:s9] =	ssyncset.done $0x0  }
0x1dd: {  	[sflag:s9] =	ssyncadd.s32 $0xFFFFEC00  }
0x1de: {  	_ =	swait.ge [sflag:s10], $0x1400  }
0x1df: {  	[sflag:s10] =	ssyncset.done $0x0  }
0x1e0: {  	s18 =	simm.s32 $0x11AD0;
	[sflag:s10] =	ssyncadd.s32 $0xFFFFEC00  }
0x1e1: {  	[tilespmem:s6], [sflag:$0x1] =	stream.indirect.gather [hbm4b:s16+s11], $0x40, s18, s11, $0xb8;
	[tilespmem:$0x19320] =	vst v63  }
0x1e2: {  	_ =	swait.ge [sflag:s2], $0x1400  }
0x1e3: {  	[sflag:s2] =	ssyncset.done $0x0  }
0x1e4: {  	s20 =	simm.s32 $0xF3C0;
	[sflag:s2] =	ssyncadd.s32 $0xFFFFEC00  }
0x1e5: {  	[spmem:s13] =	stream.indirect.scatter.add.f32 [tilespmem:s6], [sflag:$0x3], $0x40, s20, s11, $0xb8;
	[tilespmem:$0x19320] =	vst v63  }
0x1e6: {  	_ =	swait.ge [sflag:s9], $0x1400  }
0x1e7: {  	[sflag:s9] =	ssyncset.done $0x0  }
0x1e8: {  	[sflag:s9] =	ssyncadd.s32 $0xFFFFEC00  }
0x1e9: {  	[bflag:$0x0] =	sbarrier.arrive $0xFFFF  }
0x1ea: {  	[tilespmem:s5], [sflag:$0x5] =	stream.linear.gather [spmem:s24], $0x2000, $0x38;
	[tilespmem:$0x19320] =	vst v63  }
0x1eb: {  	_ =	swait.ge [sflag:s30], $0x2000  }
0x1ec: {  	[sflag:s30] =	ssyncset.done $0x0  }
0x1ed: {  	s14 =	simm.s32 $0x0;
	[sflag:s30] =	ssyncadd.s32 $0xFFFFE000  }
0x1ee: {  	[hbm4b:s3+s14] =	stream.linear.scatter [tilespmem:s5], [sflag:$0x5], $0x2000, $0x38;
	[tilespmem:$0x19320] =	vst v63  }
0x1ef: {  	_ =	swait.ge [sflag:s30], $0x2000  }
0x1f0: {  	[sflag:s30] =	ssyncset.done $0x0  }
0x1f1: {  	[sflag:s30] =	ssyncadd.s32 $0xFFFFE000  }
0x1f2: {  	[tilespmem:s5], [sflag:$0x5] =	stream.linear.gather [spmem:s25], $0x2000, $0x38;
	[tilespmem:$0x19320] =	vst v63  }
0x1f3: {  	_ =	swait.ge [sflag:s30], $0x2000  }
0x1f4: {  	s21 =	sld [smem:$0x7F8]  }
0x1f5: {  	[sflag:s30] =	ssyncset.done $0x0  }
0x1f6: {  	[sflag:s30] =	ssyncadd.s32 $0xFFFFE000  }
0x1f7: {  	[hbm4b:s21+s14] =	stream.linear.scatter [tilespmem:s5], [sflag:$0x5], $0x2000, $0x38;
	[tilespmem:$0x19320] =	vst v63  }
0x1f8: {  	_ =	swait.ge [sflag:s30], $0x2000  }
0x1f9: {  	[sflag:s30] =	ssyncset.done $0x0  }
0x1fa: {  	[sflag:s30] =	ssyncadd.s32 $0xFFFFE000  }
0x1fb: {  	[tilespmem:s5], [sflag:$0x5] =	stream.linear.gather [spmem:s26], $0x2000, $0x38;
	[tilespmem:$0x19320] =	vst v63  }
0x1fc: {  	_ =	swait.ge [sflag:s30], $0x2000  }
0x1fd: {  	s18 =	sld [smem:$0x7F9]  }
0x1fe: {  	[sflag:s30] =	ssyncset.done $0x0  }
0x1ff: {  	[sflag:s30] =	ssyncadd.s32 $0xFFFFE000  }
0x200: {  	[hbm4b:s18+s14] =	stream.linear.scatter [tilespmem:s5], [sflag:$0x5], $0x2000, $0x38;
	[tilespmem:$0x19320] =	vst v63  }
0x201: {  	_ =	swait.ge [sflag:s30], $0x2000  }
0x202: {  	[sflag:s30] =	ssyncset.done $0x0  }
0x203: {  	[sflag:s30] =	ssyncadd.s32 $0xFFFFE000  }
0x204: {  	[tilespmem:s5], [sflag:$0x5] =	stream.linear.gather [spmem:s28], $0x2000, $0x38;
	[tilespmem:$0x19320] =	vst v63  }
0x205: {  	_ =	swait.ge [sflag:s30], $0x2000  }
0x206: {  	s20 =	sld [smem:$0x7FA]  }
0x207: {  	[sflag:s30] =	ssyncset.done $0x0  }
0x208: {  	[sflag:s30] =	ssyncadd.s32 $0xFFFFE000  }
0x209: {  	[hbm4b:s20+s14] =	stream.linear.scatter [tilespmem:s5], [sflag:$0x5], $0x2000, $0x38;
	[tilespmem:$0x19320] =	vst v63  }
0x20a: {  	_ =	swait.ge [sflag:s30], $0x2000  }
0x20b: {  	[sflag:s30] =	ssyncset.done $0x0  }
0x20c: {  	[sflag:s30] =	ssyncadd.s32 $0xFFFFE000  }
0x20d: {  	[tilespmem:s5], [sflag:$0x5] =	stream.linear.gather [spmem:s29], $0x2000, $0x38;
	[tilespmem:$0x19320] =	vst v63  }
0x20e: {  	_ =	swait.ge [sflag:s30], $0x2000  }
0x20f: {  	s21 =	sld [smem:$0x7FB]  }
0x210: {  	[sflag:s30] =	ssyncset.done $0x0  }
0x211: {  	[sflag:s30] =	ssyncadd.s32 $0xFFFFE000  }
0x212: {  	[hbm4b:s21+s14] =	stream.linear.scatter [tilespmem:s5], [sflag:$0x5], $0x2000, $0x38;
	[tilespmem:$0x19320] =	vst v63  }
0x213: {  	_ =	swait.ge [sflag:s30], $0x2000  }
0x214: {  	[sflag:s30] =	ssyncset.done $0x0  }
0x215: {  	s14 =	simm.s32 $0x0;
	[sflag:s30] =	ssyncadd.s32 $0xFFFFE000  }
0x216: {  	v6 =	vld [tilespmem:s14+$0xF410]  }
0x217: {  	v5 =	vld [tilespmem:s14+$0xF420]  }
0x218: {  	v4 =	vld [tilespmem:s14+$0xF430]  }
0x219: {  	s18 =	simm.s32 $0x140;
	v3 =	vld [tilespmem:s14+$0xF440]  }
.LBB2_26:
0x21a: {  	p1 =	sne.s32 s18, $0x9B00;
	v7 =	vld [tilespmem:s14+$0xF450]  }
0x21b: {  	v6 =	vadd.s32 $0x2800, v6  }
.Ltmp12:
0x21c: {  	s15 =	sshra.s32 s18, $0x2;
	[tilespmem:s14+$0xF410] =	vst v6;
	v5 =	vadd.s32 $0x2800, v5;
	(pc) =	sbr.rel @p1 .LBB2_26-.Ltmp12, $4  }
0x21d: {  	v6 =	vld [tilespmem:s15+$0xF410];
	[tilespmem:s14+$0xF420] =	vst v5;
	v4 =	vadd.s32 $0x2800, v4  }
0x21e: {  	v5 =	vld [tilespmem:s15+$0xF420];
	[tilespmem:s14+$0xF430] =	vst v4;
	v3 =	vadd.s32 $0x2800, v3  }
0x21f: {  	v4 =	vld [tilespmem:s15+$0xF430];
	[tilespmem:s14+$0xF440] =	vst v3;
	v7 =	vadd.s32 $0x2800, v7  }
0x220: {  	s18 =	sadd.s32 $0x140, s18;
	v3 =	vld [tilespmem:s15+$0xF440];
	[tilespmem:s14+$0xF450] =	vst v7;
	s14 =	smov.u32 s15  }
0x221: {  	v7 =	vld [tilespmem:s14+$0xF450]  }
0x222: {  	v6 =	vadd.s32 $0x2800, v6  }
0x223: {  	[tilespmem:s14+$0xF410] =	vst v6;
	v5 =	vadd.s32 $0x2800, v5  }
0x224: {  	[tilespmem:s14+$0xF420] =	vst v5;
	v4 =	vadd.s32 $0x2800, v4  }
0x225: {  	[tilespmem:s14+$0xF430] =	vst v4;
	v3 =	vadd.s32 $0x2800, v3  }
0x226: {  	[tilespmem:s14+$0xF440] =	vst v3;
	v3 =	vadd.s32 $0x2800, v7  }
0x227: {  	s18 =	simm.s32 $0x100;
	[tilespmem:s14+$0xF450] =	vst v3;
	s14 =	simm.s32 $0x0  }
.LBB2_28:
0x228: {  	p1 =	sne.s32 s18, $0x7F00;
	[tilespmem:s14+$0x16B50] =	vst v1;
	s15 =	smov.u32 s18;
	s18 =	sadd.s32 $0x100, s18  }
.Ltmp13:
0x229: {  	[tilespmem:s14+$0x16B40] =	vst v1;
	(pc) =	sbr.rel @p1 .LBB2_28-.Ltmp13, $3  }
0x22a: {  	[tilespmem:s14+$0x16B20] =	vst v1  }
0x22b: {  	[tilespmem:s14+$0x16B30] =	vst v1;
	_ =	sdelay $0x1  }
0x22c: {  	s14 =	sshra.s32 s15, $0x2  }
0x22d: {  	[tilespmem:s14+$0x16B50] =	vst v1  }
0x22e: {  	[tilespmem:s14+$0x16B40] =	vst v1  }
0x22f: {  	[tilespmem:s14+$0x16B20] =	vst v1  }
0x230: {  	[tilespmem:s14+$0x16B30] =	vst v1  }
0x231: {  	[spmem:s24] =	stream.linear.scatter [tilespmem:s5], [sflag:$0x5], $0x2000, $0x38;
	[tilespmem:$0x19320] =	vst v63  }
0x232: {  	_ =	swait.ge [sflag:s30], $0x2000  }
0x233: {  	[sflag:s30] =	ssyncset.done $0x0  }
0x234: {  	[sflag:s30] =	ssyncadd.s32 $0xFFFFE000  }
0x235: {  	[spmem:s25] =	stream.linear.scatter [tilespmem:s5], [sflag:$0x5], $0x2000, $0x38;
	[tilespmem:$0x19320] =	vst v63  }
0x236: {  	_ =	swait.ge [sflag:s30], $0x2000  }
0x237: {  	[sflag:s30] =	ssyncset.done $0x0  }
0x238: {  	[sflag:s30] =	ssyncadd.s32 $0xFFFFE000  }
0x239: {  	[spmem:s26] =	stream.linear.scatter [tilespmem:s5], [sflag:$0x5], $0x2000, $0x38;
	[tilespmem:$0x19320] =	vst v63  }
0x23a: {  	_ =	swait.ge [sflag:s30], $0x2000  }
0x23b: {  	[sflag:s30] =	ssyncset.done $0x0  }
0x23c: {  	[sflag:s30] =	ssyncadd.s32 $0xFFFFE000  }
0x23d: {  	[spmem:s28] =	stream.linear.scatter [tilespmem:s5], [sflag:$0x5], $0x2000, $0x38;
	[tilespmem:$0x19320] =	vst v63  }
0x23e: {  	_ =	swait.ge [sflag:s30], $0x2000  }
0x23f: {  	[sflag:s30] =	ssyncset.done $0x0  }
0x240: {  	[sflag:s30] =	ssyncadd.s32 $0xFFFFE000  }
0x241: {  	[spmem:s29] =	stream.linear.scatter [tilespmem:s5], [sflag:$0x5], $0x2000, $0x38;
	[tilespmem:$0x19320] =	vst v63  }
0x242: {  	_ =	swait.ge [sflag:s30], $0x2000  }
0x243: {  	[sflag:s30] =	ssyncset.done $0x0  }
0x244: {  	s20 =	simm.s32 $0x0;
	s15 =	rddreg [dreg:$0xb];
	[sflag:s30] =	ssyncadd.s32 $0xFFFFE000  }
0x245: {  	[tilespmem:s5], [sflag:$0x5] =	stream.linear.gather [hbm4b:s15+s20], $0x2000, $0x38;
	[tilespmem:$0x19320] =	vst v63  }
0x246: {  	_ =	swait.ge [sflag:s30], $0x2000  }
0x247: {  	[sflag:s30] =	ssyncset.done $0x0  }
0x248: {  	s14 =	simm.s32 $0x16B40;
	[sflag:s30] =	ssyncadd.s32 $0xFFFFE000  }
0x249: {  	v3 =	vld [tilespmem:s14+$0xFFFFFFF0]  }
0x24a: {  	s21 =	simm.s32 $0x0;
	v5 =	vld [tilespmem:s14+$0x10]  }
0x24b: {  	v7 =	vld.msk [tilespmem:s21+$0x14320 ss:$0x0], $0xffff  }
0x24c: {  	v4 =	vld [tilespmem:s14+$0xFFFFFFE0]  }
0x24d: {  	v8 =	vld [tilespmem:s14+$0x0];
	_ =	sdelay $0x3  }
0x24e: {  	v4 =	vmul.f32 v7, v4;
	v6 =	vmul.f32 v5, v7  }
0x24f: {  	s18 =	simm.s32 $0x40;
	s20 =	simm.s32 $0x16B40;
	v5 =	vmul.f32 v3, v7;
	v3 =	vmul.f32 v8, v7  }
.LBB2_30:
0x250: {  	p1 =	sne.s32 s18, $0x1FC0  }
0x251: {  	[tilespmem:s14+$0x10] =	vst v6;
	s20 =	sadd.s32 $0x40, s20;
	s15 =	smov.u32 s18;
	s18 =	sadd.s32 $0x40, s18  }
0x252: {  	[tilespmem:s14+$0xFFFFFFE0] =	vst v4  }
0x253: {  	v7 =	vld [tilespmem:s20+$0xFFFFFFF0];
	[tilespmem:s14+$0xFFFFFFF0] =	vst v5  }
0x254: {  	s15 =	sshra.s32 s15, $0x2;
	v5 =	vld [tilespmem:s20+$0x10];
	[tilespmem:s14+$0x0] =	vst v3;
	s14 =	smov.u32 s20  }
0x255: {  	v3 =	vld.msk [tilespmem:s15+$0x14320 ss:$0x0], $0xffff  }
0x256: {  	v4 =	vld [tilespmem:s20+$0xFFFFFFE0]  }
0x257: {  	v8 =	vld [tilespmem:s20+$0x0]  }
.Ltmp14:
0x258: {  	(pc) =	sbr.rel @p1 .LBB2_30-.Ltmp14, $3  }
0x259: {  	_ =	sdelay $0x1  }
0x25a: {  	v6 =	vmul.f32 v5, v3;
	v4 =	vmul.f32 v3, v4  }
0x25b: {  	v5 =	vmul.f32 v7, v3;
	v3 =	vmul.f32 v8, v3  }
0x25c: {  	[tilespmem:s14+$0x10] =	vst v6  }
0x25d: {  	[tilespmem:s14+$0xFFFFFFE0] =	vst v4  }
0x25e: {  	[tilespmem:s14+$0xFFFFFFF0] =	vst v5  }
0x25f: {  	s18 =	simm.s32 $0x0;
	s15 =	rddreg [dreg:$0x1b];
	[tilespmem:s14+$0x0] =	vst v3  }
0x260: {  	[hbm4b:s15+s18] =	stream.linear.scatter [tilespmem:s5], [sflag:$0x5], $0x2000, $0x38;
	[tilespmem:$0x19320] =	vst v63  }
0x261: {  	_ =	swait.ge [sflag:s30], $0x2000  }
0x262: {  	[sflag:s30] =	ssyncset.done $0x0  }
0x263: {  	s20 =	rddreg [dreg:$0xc];
	[sflag:s30] =	ssyncadd.s32 $0xFFFFE000  }
0x264: {  	[tilespmem:s5], [sflag:$0x5] =	stream.linear.gather [hbm4b:s20+s18], $0x2000, $0x38;
	[tilespmem:$0x19320] =	vst v63  }
0x265: {  	_ =	swait.ge [sflag:s30], $0x2000  }
0x266: {  	[sflag:s30] =	ssyncset.done $0x0  }
0x267: {  	s14 =	simm.s32 $0x16B40;
	[sflag:s30] =	ssyncadd.s32 $0xFFFFE000  }
0x268: {  	v3 =	vld [tilespmem:s14+$0xFFFFFFF0]  }
0x269: {  	s21 =	simm.s32 $0x0;
	v5 =	vld [tilespmem:s14+$0x10]  }
0x26a: {  	v7 =	vld.msk [tilespmem:s21+$0x14B20 ss:$0x0], $0xffff  }
0x26b: {  	v4 =	vld [tilespmem:s14+$0xFFFFFFE0]  }
0x26c: {  	v8 =	vld [tilespmem:s14+$0x0];
	_ =	sdelay $0x3  }
0x26d: {  	v4 =	vmul.f32 v7, v4;
	v6 =	vmul.f32 v5, v7  }
0x26e: {  	s18 =	simm.s32 $0x40;
	s20 =	simm.s32 $0x16B40;
	v5 =	vmul.f32 v3, v7;
	v3 =	vmul.f32 v8, v7  }
.LBB2_32:
0x26f: {  	p1 =	sne.s32 s18, $0x1FC0  }
0x270: {  	[tilespmem:s14+$0x10] =	vst v6;
	s20 =	sadd.s32 $0x40, s20;
	s15 =	smov.u32 s18;
	s18 =	sadd.s32 $0x40, s18  }
0x271: {  	[tilespmem:s14+$0xFFFFFFE0] =	vst v4  }
0x272: {  	v7 =	vld [tilespmem:s20+$0xFFFFFFF0];
	[tilespmem:s14+$0xFFFFFFF0] =	vst v5  }
0x273: {  	s15 =	sshra.s32 s15, $0x2;
	v5 =	vld [tilespmem:s20+$0x10];
	[tilespmem:s14+$0x0] =	vst v3;
	s14 =	smov.u32 s20  }
0x274: {  	v3 =	vld.msk [tilespmem:s15+$0x14B20 ss:$0x0], $0xffff  }
0x275: {  	v4 =	vld [tilespmem:s20+$0xFFFFFFE0]  }
0x276: {  	v8 =	vld [tilespmem:s20+$0x0]  }
.Ltmp15:
0x277: {  	(pc) =	sbr.rel @p1 .LBB2_32-.Ltmp15, $3  }
0x278: {  	_ =	sdelay $0x1  }
0x279: {  	v6 =	vmul.f32 v5, v3;
	v4 =	vmul.f32 v3, v4  }
0x27a: {  	v5 =	vmul.f32 v7, v3;
	v3 =	vmul.f32 v8, v3  }
0x27b: {  	[tilespmem:s14+$0x10] =	vst v6  }
0x27c: {  	[tilespmem:s14+$0xFFFFFFE0] =	vst v4  }
0x27d: {  	[tilespmem:s14+$0xFFFFFFF0] =	vst v5  }
0x27e: {  	s18 =	simm.s32 $0x0;
	s15 =	rddreg [dreg:$0x1c];
	[tilespmem:s14+$0x0] =	vst v3  }
0x27f: {  	[hbm4b:s15+s18] =	stream.linear.scatter [tilespmem:s5], [sflag:$0x5], $0x2000, $0x38;
	[tilespmem:$0x19320] =	vst v63  }
0x280: {  	_ =	swait.ge [sflag:s30], $0x2000  }
0x281: {  	[sflag:s30] =	ssyncset.done $0x0  }
0x282: {  	s20 =	rddreg [dreg:$0xd];
	[sflag:s30] =	ssyncadd.s32 $0xFFFFE000  }
0x283: {  	[tilespmem:s5], [sflag:$0x5] =	stream.linear.gather [hbm4b:s20+s18], $0x2000, $0x38;
	[tilespmem:$0x19320] =	vst v63  }
0x284: {  	_ =	swait.ge [sflag:s30], $0x2000  }
0x285: {  	[sflag:s30] =	ssyncset.done $0x0  }
0x286: {  	s14 =	simm.s32 $0x16B40;
	[sflag:s30] =	ssyncadd.s32 $0xFFFFE000  }
0x287: {  	v3 =	vld [tilespmem:s14+$0xFFFFFFF0]  }
0x288: {  	s21 =	simm.s32 $0x0;
	v5 =	vld [tilespmem:s14+$0x10]  }
0x289: {  	v7 =	vld.msk [tilespmem:s21+$0x15320 ss:$0x0], $0xffff  }
0x28a: {  	v4 =	vld [tilespmem:s14+$0xFFFFFFE0]  }
0x28b: {  	v8 =	vld [tilespmem:s14+$0x0];
	_ =	sdelay $0x3  }
0x28c: {  	v4 =	vmul.f32 v7, v4;
	v6 =	vmul.f32 v5, v7  }
0x28d: {  	s18 =	simm.s32 $0x40;
	s20 =	simm.s32 $0x16B40;
	v5 =	vmul.f32 v3, v7;
	v3 =	vmul.f32 v8, v7  }
.LBB2_34:
0x28e: {  	p1 =	sne.s32 s18, $0x1FC0  }
0x28f: {  	[tilespmem:s14+$0x10] =	vst v6;
	s20 =	sadd.s32 $0x40, s20;
	s15 =	smov.u32 s18;
	s18 =	sadd.s32 $0x40, s18  }
0x290: {  	[tilespmem:s14+$0xFFFFFFE0] =	vst v4  }
0x291: {  	v7 =	vld [tilespmem:s20+$0xFFFFFFF0];
	[tilespmem:s14+$0xFFFFFFF0] =	vst v5  }
0x292: {  	s15 =	sshra.s32 s15, $0x2;
	v5 =	vld [tilespmem:s20+$0x10];
	[tilespmem:s14+$0x0] =	vst v3;
	s14 =	smov.u32 s20  }
0x293: {  	v3 =	vld.msk [tilespmem:s15+$0x15320 ss:$0x0], $0xffff  }
0x294: {  	v4 =	vld [tilespmem:s20+$0xFFFFFFE0]  }
0x295: {  	v8 =	vld [tilespmem:s20+$0x0]  }
.Ltmp16:
0x296: {  	(pc) =	sbr.rel @p1 .LBB2_34-.Ltmp16, $3  }
0x297: {  	_ =	sdelay $0x1  }
0x298: {  	v6 =	vmul.f32 v5, v3;
	v4 =	vmul.f32 v3, v4  }
0x299: {  	v5 =	vmul.f32 v7, v3;
	v3 =	vmul.f32 v8, v3  }
0x29a: {  	[tilespmem:s14+$0x10] =	vst v6  }
0x29b: {  	[tilespmem:s14+$0xFFFFFFE0] =	vst v4  }
0x29c: {  	[tilespmem:s14+$0xFFFFFFF0] =	vst v5  }
0x29d: {  	s18 =	simm.s32 $0x0;
	s15 =	rddreg [dreg:$0x1d];
	[tilespmem:s14+$0x0] =	vst v3  }
0x29e: {  	[hbm4b:s15+s18] =	stream.linear.scatter [tilespmem:s5], [sflag:$0x5], $0x2000, $0x38;
	[tilespmem:$0x19320] =	vst v63  }
0x29f: {  	_ =	swait.ge [sflag:s30], $0x2000  }
0x2a0: {  	[sflag:s30] =	ssyncset.done $0x0  }
0x2a1: {  	s20 =	rddreg [dreg:$0xe];
	[sflag:s30] =	ssyncadd.s32 $0xFFFFE000  }
0x2a2: {  	[tilespmem:s5], [sflag:$0x5] =	stream.linear.gather [hbm4b:s20+s18], $0x2000, $0x38;
	[tilespmem:$0x19320] =	vst v63  }
0x2a3: {  	_ =	swait.ge [sflag:s30], $0x2000  }
0x2a4: {  	[sflag:s30] =	ssyncset.done $0x0  }
0x2a5: {  	s14 =	simm.s32 $0x16B40;
	[sflag:s30] =	ssyncadd.s32 $0xFFFFE000  }
0x2a6: {  	v3 =	vld [tilespmem:s14+$0xFFFFFFF0]  }
0x2a7: {  	s21 =	simm.s32 $0x0;
	v5 =	vld [tilespmem:s14+$0x10]  }
0x2a8: {  	v7 =	vld.msk [tilespmem:s21+$0x15B20 ss:$0x0], $0xffff  }
0x2a9: {  	v4 =	vld [tilespmem:s14+$0xFFFFFFE0]  }
0x2aa: {  	v8 =	vld [tilespmem:s14+$0x0];
	_ =	sdelay $0x3  }
0x2ab: {  	v4 =	vmul.f32 v7, v4;
	v6 =	vmul.f32 v5, v7  }
0x2ac: {  	s18 =	simm.s32 $0x40;
	s20 =	simm.s32 $0x16B40;
	v5 =	vmul.f32 v3, v7;
	v3 =	vmul.f32 v8, v7  }
.LBB2_36:
0x2ad: {  	p1 =	sne.s32 s18, $0x1FC0  }
0x2ae: {  	[tilespmem:s14+$0x10] =	vst v6;
	s20 =	sadd.s32 $0x40, s20;
	s15 =	smov.u32 s18;
	s18 =	sadd.s32 $0x40, s18  }
0x2af: {  	[tilespmem:s14+$0xFFFFFFE0] =	vst v4  }
0x2b0: {  	v7 =	vld [tilespmem:s20+$0xFFFFFFF0];
	[tilespmem:s14+$0xFFFFFFF0] =	vst v5  }
0x2b1: {  	s15 =	sshra.s32 s15, $0x2;
	v5 =	vld [tilespmem:s20+$0x10];
	[tilespmem:s14+$0x0] =	vst v3;
	s14 =	smov.u32 s20  }
0x2b2: {  	v3 =	vld.msk [tilespmem:s15+$0x15B20 ss:$0x0], $0xffff  }
0x2b3: {  	v4 =	vld [tilespmem:s20+$0xFFFFFFE0]  }
0x2b4: {  	v8 =	vld [tilespmem:s20+$0x0]  }
.Ltmp17:
0x2b5: {  	(pc) =	sbr.rel @p1 .LBB2_36-.Ltmp17, $3  }
0x2b6: {  	_ =	sdelay $0x1  }
0x2b7: {  	v6 =	vmul.f32 v5, v3;
	v4 =	vmul.f32 v3, v4  }
0x2b8: {  	v5 =	vmul.f32 v7, v3;
	v3 =	vmul.f32 v8, v3  }
0x2b9: {  	[tilespmem:s14+$0x10] =	vst v6  }
0x2ba: {  	[tilespmem:s14+$0xFFFFFFE0] =	vst v4  }
0x2bb: {  	[tilespmem:s14+$0xFFFFFFF0] =	vst v5  }
0x2bc: {  	s18 =	simm.s32 $0x0;
	s15 =	rddreg [dreg:$0x1e];
	[tilespmem:s14+$0x0] =	vst v3  }
0x2bd: {  	[hbm4b:s15+s18] =	stream.linear.scatter [tilespmem:s5], [sflag:$0x5], $0x2000, $0x38;
	[tilespmem:$0x19320] =	vst v63  }
0x2be: {  	_ =	swait.ge [sflag:s30], $0x2000  }
0x2bf: {  	[sflag:s30] =	ssyncset.done $0x0  }
0x2c0: {  	s20 =	rddreg [dreg:$0xf];
	[sflag:s30] =	ssyncadd.s32 $0xFFFFE000  }
0x2c1: {  	[tilespmem:s5], [sflag:$0x5] =	stream.linear.gather [hbm4b:s20+s18], $0x2000, $0x38;
	[tilespmem:$0x19320] =	vst v63  }
0x2c2: {  	_ =	swait.ge [sflag:s30], $0x2000  }
0x2c3: {  	[sflag:s30] =	ssyncset.done $0x0  }
0x2c4: {  	s14 =	simm.s32 $0x16B40;
	[sflag:s30] =	ssyncadd.s32 $0xFFFFE000  }
0x2c5: {  	v3 =	vld [tilespmem:s14+$0xFFFFFFF0]  }
0x2c6: {  	s21 =	simm.s32 $0x0;
	v5 =	vld [tilespmem:s14+$0x10]  }
0x2c7: {  	v7 =	vld.msk [tilespmem:s21+$0x16320 ss:$0x0], $0xffff  }
0x2c8: {  	v4 =	vld [tilespmem:s14+$0xFFFFFFE0]  }
0x2c9: {  	v8 =	vld [tilespmem:s14+$0x0];
	_ =	sdelay $0x3  }
0x2ca: {  	v4 =	vmul.f32 v7, v4;
	v6 =	vmul.f32 v5, v7  }
0x2cb: {  	s18 =	simm.s32 $0x40;
	s20 =	simm.s32 $0x16B40;
	v5 =	vmul.f32 v3, v7;
	v3 =	vmul.f32 v8, v7  }
.LBB2_38:
0x2cc: {  	p1 =	sne.s32 s18, $0x1FC0  }
0x2cd: {  	[tilespmem:s14+$0x10] =	vst v6;
	s20 =	sadd.s32 $0x40, s20;
	s15 =	smov.u32 s18;
	s18 =	sadd.s32 $0x40, s18  }
0x2ce: {  	[tilespmem:s14+$0xFFFFFFE0] =	vst v4  }
0x2cf: {  	v7 =	vld [tilespmem:s20+$0xFFFFFFF0];
	[tilespmem:s14+$0xFFFFFFF0] =	vst v5  }
0x2d0: {  	s15 =	sshra.s32 s15, $0x2;
	v5 =	vld [tilespmem:s20+$0x10];
	[tilespmem:s14+$0x0] =	vst v3;
	s14 =	smov.u32 s20  }
0x2d1: {  	v3 =	vld.msk [tilespmem:s15+$0x16320 ss:$0x0], $0xffff  }
0x2d2: {  	v4 =	vld [tilespmem:s20+$0xFFFFFFE0]  }
0x2d3: {  	v8 =	vld [tilespmem:s20+$0x0]  }
.Ltmp18:
0x2d4: {  	(pc) =	sbr.rel @p1 .LBB2_38-.Ltmp18, $3  }
0x2d5: {  	_ =	sdelay $0x1  }
0x2d6: {  	v6 =	vmul.f32 v5, v3;
	v4 =	vmul.f32 v3, v4  }
0x2d7: {  	v5 =	vmul.f32 v7, v3;
	v3 =	vmul.f32 v8, v3  }
0x2d8: {  	[tilespmem:s14+$0x10] =	vst v6  }
0x2d9: {  	[tilespmem:s14+$0xFFFFFFE0] =	vst v4  }
0x2da: {  	[tilespmem:s14+$0xFFFFFFF0] =	vst v5  }
0x2db: {  	s21 =	simm.s32 $0x0;
	s15 =	rddreg [dreg:$0x1f];
	[tilespmem:s14+$0x0] =	vst v3  }
0x2dc: {  	[hbm4b:s15+s21] =	stream.linear.scatter [tilespmem:s5], [sflag:$0x5], $0x2000, $0x38;
	[tilespmem:$0x19320] =	vst v63  }
0x2dd: {  	_ =	swait.ge [sflag:s30], $0x2000  }
0x2de: {  	[sflag:s30] =	ssyncset.done $0x0  }
0x2df: {  	[sflag:s30] =	ssyncadd.s32 $0xFFFFE000  }
0x2e0: {  	s15 =	simm.s32 $0xF410;
	[bflag:$0x0] =	sbarrier.arrive $0xFFFF  }
0x2e1: {  	[tilespmem:s6], [sflag:$0x1] =	stream.indirect.gather [hbm4b:s16+s11], $0x40, s15, s11, $0xb8;
	[tilespmem:$0x19320] =	vst v63  }
0x2e2: {  	s18 =	simm.s32 $0xF460  }
0x2e3: {  	[tilespmem:s7], [sflag:$0x2] =	stream.indirect.gather [hbm4b:s16+s11], $0x40, s18, s11, $0xb8;
	[tilespmem:$0x19320] =	vst v63  }
0x2e4: {  	_ =	swait.ge [sflag:s2], $0x1400  }
0x2e5: {  	[sflag:s2] =	ssyncset.done $0x0  }
0x2e6: {  	s20 =	simm.s32 $0xCD00;
	[sflag:s2] =	ssyncadd.s32 $0xFFFFEC00  }
0x2e7: {  	[spmem:s13] =	stream.indirect.scatter.add.f32 [tilespmem:s6], [sflag:$0x3], $0x40, s20, s11, $0xb8;
	[tilespmem:$0x19320] =	vst v63  }
0x2e8: {  	_ =	swait.ge [sflag:s8], $0x1400  }
0x2e9: {  	[sflag:s8] =	ssyncset.done $0x0  }
0x2ea: {  	s21 =	simm.s32 $0xCD50;
	[sflag:s8] =	ssyncadd.s32 $0xFFFFEC00  }
0x2eb: {  	[spmem:s13] =	stream.indirect.scatter.add.f32 [tilespmem:s7], [sflag:$0x4], $0x40, s21, s11, $0xb8;
	[tilespmem:$0x19320] =	vst v63  }
0x2ec: {  	_ =	swait.ge [sflag:s9], $0x1400  }
0x2ed: {  	[sflag:s9] =	ssyncset.done $0x0  }
0x2ee: {  	[sflag:s9] =	ssyncadd.s32 $0xFFFFEC00  }
0x2ef: {  	_ =	swait.ge [sflag:s10], $0x1400  }
0x2f0: {  	s14 =	simm.s32 $0xA0;
	s18 =	simm.s32 $0x500;
	[sflag:s10] =	ssyncset.done $0x0  }
.LBB2_40:
0x2f1: {  	s15 =	sadd.s32 $0xF410, s14  }
0x2f2: {  	[sflag:s10] =	ssyncadd.s32 $0xFFFFEC00;
	s20 =	smov.u32 s18;
	s21 =	sadd.s32 $0x280, s18  }
0x2f3: {  	[tilespmem:s6], [sflag:$0x1] =	stream.indirect.gather [hbm4b:s16+s11], $0x40, s15, s11, $0xb8;
	[tilespmem:$0x19320] =	vst v63  }
0x2f4: {  	p1 =	sne.s32 s18, $0x9880;
	s15 =	sadd.s32 $0xF460, s14  }
0x2f5: {  	[tilespmem:s7], [sflag:$0x2] =	stream.indirect.gather [hbm4b:s16+s11], $0x40, s15, s11, $0xb8;
	[tilespmem:$0x19320] =	vst v63  }
0x2f6: {  	_ =	swait.ge [sflag:s2], $0x1400  }
0x2f7: {  	[sflag:s2] =	ssyncset.done $0x0  }
0x2f8: {  	s15 =	sadd.s32 $0xCD00, s14;
	[sflag:s2] =	ssyncadd.s32 $0xFFFFEC00  }
0x2f9: {  	[spmem:s13] =	stream.indirect.scatter.add.f32 [tilespmem:s6], [sflag:$0x3], $0x40, s15, s11, $0xb8;
	[tilespmem:$0x19320] =	vst v63  }
0x2fa: {  	_ =	swait.ge [sflag:s8], $0x1400  }
0x2fb: {  	[sflag:s8] =	ssyncset.done $0x0  }
0x2fc: {  	s14 =	sadd.s32 $0xCD50, s14;
	[sflag:s8] =	ssyncadd.s32 $0xFFFFEC00  }
0x2fd: {  	[spmem:s13] =	stream.indirect.scatter.add.f32 [tilespmem:s7], [sflag:$0x4], $0x40, s14, s11, $0xb8;
	[tilespmem:$0x19320] =	vst v63  }
.Ltmp19:
0x2fe: {  	_ =	swait.ge [sflag:s9], $0x1400;
	(pc) =	sbr.rel @p1 .LBB2_40-.Ltmp19, $4  }
0x2ff: {  	[sflag:s9] =	ssyncset.done $0x0  }
0x300: {  	[sflag:s9] =	ssyncadd.s32 $0xFFFFEC00  }
0x301: {  	_ =	swait.ge [sflag:s10], $0x1400  }
0x302: {  	s18 =	smov.u32 s21;
	s14 =	sshra.s32 s20, $0x2;
	[sflag:s10] =	ssyncset.done $0x0  }
0x303: {  	s15 =	sadd.s32 $0xF410, s14;
	[sflag:s10] =	ssyncadd.s32 $0xFFFFEC00  }
0x304: {  	[tilespmem:s6], [sflag:$0x1] =	stream.indirect.gather [hbm4b:s16+s11], $0x40, s15, s11, $0xb8;
	[tilespmem:$0x19320] =	vst v63  }
0x305: {  	s21 =	sadd.s32 $0xF460, s14  }
0x306: {  	[tilespmem:s7], [sflag:$0x2] =	stream.indirect.gather [hbm4b:s16+s11], $0x40, s21, s11, $0xb8;
	[tilespmem:$0x19320] =	vst v63  }
0x307: {  	_ =	swait.ge [sflag:s2], $0x1400  }
0x308: {  	[sflag:s2] =	ssyncset.done $0x0  }
0x309: {  	s18 =	sadd.s32 $0xCD00, s14;
	[sflag:s2] =	ssyncadd.s32 $0xFFFFEC00  }
0x30a: {  	[spmem:s13] =	stream.indirect.scatter.add.f32 [tilespmem:s6], [sflag:$0x3], $0x40, s18, s11, $0xb8;
	[tilespmem:$0x19320] =	vst v63  }
0x30b: {  	_ =	swait.ge [sflag:s8], $0x1400  }
0x30c: {  	[sflag:s8] =	ssyncset.done $0x0  }
0x30d: {  	s20 =	sadd.s32 $0xCD50, s14;
	[sflag:s8] =	ssyncadd.s32 $0xFFFFEC00  }
0x30e: {  	[spmem:s13] =	stream.indirect.scatter.add.f32 [tilespmem:s7], [sflag:$0x4], $0x40, s20, s11, $0xb8;
	[tilespmem:$0x19320] =	vst v63  }
0x30f: {  	_ =	swait.ge [sflag:s9], $0x1400  }
0x310: {  	[sflag:s9] =	ssyncset.done $0x0  }
0x311: {  	[sflag:s9] =	ssyncadd.s32 $0xFFFFEC00  }
0x312: {  	_ =	swait.ge [sflag:s10], $0x1400  }
0x313: {  	[sflag:s10] =	ssyncset.done $0x0  }
0x314: {  	s21 =	simm.s32 $0x11AD0;
	[sflag:s10] =	ssyncadd.s32 $0xFFFFEC00  }
0x315: {  	[tilespmem:s6], [sflag:$0x1] =	stream.indirect.gather [hbm4b:s16+s11], $0x40, s21, s11, $0xb8;
	[tilespmem:$0x19320] =	vst v63  }
0x316: {  	_ =	swait.ge [sflag:s2], $0x1400  }
0x317: {  	[sflag:s2] =	ssyncset.done $0x0  }
0x318: {  	s15 =	simm.s32 $0xF3C0;
	[sflag:s2] =	ssyncadd.s32 $0xFFFFEC00  }
0x319: {  	[spmem:s13] =	stream.indirect.scatter.add.f32 [tilespmem:s6], [sflag:$0x3], $0x40, s15, s11, $0xb8;
	[tilespmem:$0x19320] =	vst v63  }
0x31a: {  	_ =	swait.ge [sflag:s9], $0x1400  }
0x31b: {  	[sflag:s9] =	ssyncset.done $0x0  }
0x31c: {  	[sflag:s9] =	ssyncadd.s32 $0xFFFFEC00  }
0x31d: {  	[bflag:$0x0] =	sbarrier.arrive $0xFFFF  }
0x31e: {  	[tilespmem:s5], [sflag:$0x5] =	stream.linear.gather [spmem:s24], $0x2000, $0x38;
	[tilespmem:$0x19320] =	vst v63  }
0x31f: {  	_ =	swait.ge [sflag:s30], $0x2000  }
0x320: {  	[sflag:s30] =	ssyncset.done $0x0  }
0x321: {  	[sflag:s30] =	ssyncadd.s32 $0xFFFFE000  }
0x322: {  	[hbm4b:s4+s1] =	stream.linear.scatter [tilespmem:s5], [sflag:$0x5], $0x2000, $0x38;
	[tilespmem:$0x19320] =	vst v63  }
0x323: {  	_ =	swait.ge [sflag:s30], $0x2000  }
0x324: {  	[sflag:s30] =	ssyncset.done $0x0  }
0x325: {  	[sflag:s30] =	ssyncadd.s32 $0xFFFFE000  }
0x326: {  	[tilespmem:s5], [sflag:$0x5] =	stream.linear.gather [spmem:s25], $0x2000, $0x38;
	[tilespmem:$0x19320] =	vst v63  }
0x327: {  	_ =	swait.ge [sflag:s30], $0x2000  }
0x328: {  	s18 =	sld [smem:$0x7FC]  }
0x329: {  	[sflag:s30] =	ssyncset.done $0x0  }
0x32a: {  	[sflag:s30] =	ssyncadd.s32 $0xFFFFE000  }
0x32b: {  	[hbm4b:s18+s1] =	stream.linear.scatter [tilespmem:s5], [sflag:$0x5], $0x2000, $0x38;
	[tilespmem:$0x19320] =	vst v63  }
0x32c: {  	_ =	swait.ge [sflag:s30], $0x2000  }
0x32d: {  	[sflag:s30] =	ssyncset.done $0x0  }
0x32e: {  	[sflag:s30] =	ssyncadd.s32 $0xFFFFE000  }
0x32f: {  	[tilespmem:s5], [sflag:$0x5] =	stream.linear.gather [spmem:s26], $0x2000, $0x38;
	[tilespmem:$0x19320] =	vst v63  }
0x330: {  	_ =	swait.ge [sflag:s30], $0x2000  }
0x331: {  	s20 =	sld [smem:$0x7FD]  }
0x332: {  	[sflag:s30] =	ssyncset.done $0x0  }
0x333: {  	[sflag:s30] =	ssyncadd.s32 $0xFFFFE000  }
0x334: {  	[hbm4b:s20+s1] =	stream.linear.scatter [tilespmem:s5], [sflag:$0x5], $0x2000, $0x38;
	[tilespmem:$0x19320] =	vst v63  }
0x335: {  	_ =	swait.ge [sflag:s30], $0x2000  }
0x336: {  	[sflag:s30] =	ssyncset.done $0x0  }
0x337: {  	[sflag:s30] =	ssyncadd.s32 $0xFFFFE000  }
0x338: {  	[tilespmem:s5], [sflag:$0x5] =	stream.linear.gather [spmem:s28], $0x2000, $0x38;
	[tilespmem:$0x19320] =	vst v63  }
0x339: {  	_ =	swait.ge [sflag:s30], $0x2000  }
0x33a: {  	[sflag:s30] =	ssyncset.done $0x0  }
0x33b: {  	[sflag:s30] =	ssyncadd.s32 $0xFFFFE000  }
0x33c: {  	[hbm4b:s22+s1] =	stream.linear.scatter [tilespmem:s5], [sflag:$0x5], $0x2000, $0x38;
	[tilespmem:$0x19320] =	vst v63  }
0x33d: {  	_ =	swait.ge [sflag:s30], $0x2000  }
0x33e: {  	[sflag:s30] =	ssyncset.done $0x0  }
0x33f: {  	[sflag:s30] =	ssyncadd.s32 $0xFFFFE000  }
0x340: {  	[tilespmem:s5], [sflag:$0x5] =	stream.linear.gather [spmem:s29], $0x2000, $0x38;
	[tilespmem:$0x19320] =	vst v63  }
0x341: {  	_ =	swait.ge [sflag:s30], $0x2000  }
0x342: {  	[sflag:s30] =	ssyncset.done $0x0  }
0x343: {  	[sflag:s30] =	ssyncadd.s32 $0xFFFFE000  }
0x344: {  	[hbm4b:s23+s1] =	stream.linear.scatter [tilespmem:s5], [sflag:$0x5], $0x2000, $0x38;
	[tilespmem:$0x19320] =	vst v63  }
0x345: {  	_ =	swait.ge [sflag:s30], $0x2000  }
0x346: {  	s21 =	sld [smem:$0x7F7];
	_ =	sdelay $0x1  }
0x347: {  	s17 =	sadd.s32 $0x1, s17  }
0x348: {  	p1 =	sne.s32 s17, s21  }
.Ltmp20:
0x349: {  	_ = 	snop;
	(pc) =	sbr.rel @p1 .LBB2_1-.Ltmp20, $3  }
0x34a: {  	_ =	sdelay $0x1  }
0x34b: {  	[sflag:s30] =	ssyncset.done $0x0  }
0x34c: {  	[sflag:s30] =	ssyncadd.s32 $0xFFFFE000  }
0x34d: {  	_ =	sfence.sel $0x180000  }
0x34e: {  	[bflag:$0x0] =	sbarrier.arrive $0xFFFF  }
0x34f: {  	_ =	strace $0x90000047  }
0x350: {  	s0 =	stileid.u32;
	[bflag:$0x2] =	sbarrier.arrive $0xFFFF  }
0x351: {  	p0 =	sne.s32 s0, $0x0;
	s0 =	rddreg [dreg:$0x4]  }
0x352: {  	s0 =	sadd.s32 @!p0 $0x100000, s0  }
0x353: {  	[sflag:s0] =	ssyncadd.tile.s32 @!p0 $0x1;
	_ =	shalt  }
.Lfunc_end2:
_tile_overlayer_lowered:
.L_overlay_start_2:
0x354: {  	(tag) =	ssettag $0x2  }
0x355: {  	s0 =	rddreg [dreg:$0x0];
	s2 =	stileid.u32  }
0x356: {  	s1 =	rddreg [dreg:$0x1];
	p0 =	sne.s32 s2, $0x0  }
0x357: {  	s3 =	rddreg [dreg:$0x2];
	[bflag:$0x3] =	sbarrier.arrive $0xFFFF;
	s2 =	simm.s32 @!p0 $0x1C05  }
0x358: {  	[timem:s3], [sflag:s2] =	dma.local @!p0 [hbm:s0], s1  }
0x359: {  	s0 =	simm.s32 @!p0 $0x5  }
0x35a: {  	_ =	swait.ge @!p0 [sflag:s0], s1  }
0x35b: {  	s1 =	ssub.s32 @!p0 $0x0, s1;
	[sflag:s0] =	ssyncset.done @!p0 $0x0  }
0x35c: {  	[sflag:s0] =	ssyncadd.s32 @!p0 s1  }
0x35d: {  	[bflag:$0x3] =	sbarrier.arrive $0xFFFF  }
0x35e: {  	_ =	shalt  }

</sc_bundles>
